<compile_context>
chip_gen: v7x
topology: tpu7x:2x2x1
jax: 0.10.2.dev20260603
libtpu: 0.0.44.dev20260713+nightly
codegen_flags: <defaults>
</compile_context>

<pallas_src>
import functools

import jax
import jax.numpy as jnp
from jax import lax
from jax.experimental import pallas as pl
from jax.experimental.pallas import tpu as pltpu
from jax.experimental.pallas import tpu_sc as plsc

N_NODES = 10000
N_EDGES = 320000
N_TILES = 32
CHUNK = 40
N_CHUNKS = N_EDGES // N_TILES // CHUNK
NBUF = 4
ROWS_PER_TILE = 624
TAIL_BASE = ROWS_PER_TILE * 16
TAIL_ROWS = N_NODES - TAIL_BASE
DEG_W = 8


@functools.lru_cache(maxsize=None)
def _make_agg(D, with_deg, n_tables=1):
    mesh = plsc.VectorSubcoreMesh(core_axis_name="c", subcore_axis_name="s")
    outs = [jax.ShapeDtypeStruct((2, N_NODES, D), jnp.float32)
            for _ in range(n_tables)]
    scratch = [
        pltpu.VMEM((N_CHUNKS, CHUNK), jnp.int32),
        pltpu.VMEM((N_CHUNKS, CHUNK), jnp.int32),
        pltpu.VMEM_SHARED((N_NODES, D), jnp.float32),
    ]
    scratch += [pltpu.VMEM((CHUNK, D), jnp.float32) for _ in range(NBUF)]
    scratch += [pltpu.SemaphoreType.DMA for _ in range(2 * NBUF)]
    if with_deg:
        outs.append(jax.ShapeDtypeStruct((2, N_NODES, DEG_W), jnp.float32))
        scratch += [
            pltpu.VMEM((CHUNK, DEG_W), jnp.float32),
            pltpu.VMEM_SHARED((N_NODES, DEG_W), jnp.float32),
        ]
    if len(outs) == 1:
        outs = outs[0]

    params = pltpu.CompilerParams(use_tc_tiling_on_sc=False)

    @functools.partial(pl.kernel, mesh=mesh, out_type=outs,
                       scratch_types=scratch, compiler_params=params)
    def agg(*args):
        tables = args[:n_tables]
        src_hbm, dst_hbm, z_hbm = args[n_tables:n_tables + 3]
        refs = args[n_tables + 3:]
        if with_deg:
            (zd_hbm, ones_hbm, *refs) = refs
        out_hbms = refs[:n_tables]
        refs = refs[n_tables:]
        if with_deg:
            (outd_hbm, *refs) = refs
            ones_v, dacc = refs[-2:]
            refs = refs[:-2]
        (idx_s, idx_d, acc, *rest) = refs
        rows = rest[:NBUF]
        gsems = rest[NBUF:2 * NBUF]
        ssems = rest[2 * NBUF:3 * NBUF]
        cid = lax.axis_index("c")
        sid = lax.axis_index("s")
        r0 = sid * ROWS_PER_TILE

        def rows_in(src, dst):
            pltpu.sync_copy(src.at[pl.ds(r0, ROWS_PER_TILE)],
                            dst.at[pl.ds(r0, ROWS_PER_TILE)])

            @pl.when(sid == 0)
            def _():
                pltpu.sync_copy(src.at[pl.ds(TAIL_BASE, TAIL_ROWS)],
                                dst.at[pl.ds(TAIL_BASE, TAIL_ROWS)])

        def rows_out(src, dst):
            pltpu.sync_copy(src.at[pl.ds(r0, ROWS_PER_TILE)],
                            dst.at[cid, pl.ds(r0, ROWS_PER_TILE)])

            @pl.when(sid == 0)
            def _():
                pltpu.sync_copy(src.at[pl.ds(TAIL_BASE, TAIL_ROWS)],
                                dst.at[cid, pl.ds(TAIL_BASE, TAIL_ROWS)])

        wid = cid * 16 + sid
        pltpu.sync_copy(src_hbm.at[wid], idx_s)
        pltpu.sync_copy(dst_hbm.at[wid], idx_d)
        if with_deg:
            rows_in(zd_hbm, dacc)
            pltpu.sync_copy(ones_hbm, ones_v)

        def chunk_group(h_hbm, deg_pass, c0, nb):
            gets = [
                pltpu.async_copy(h_hbm.at[idx_s.at[c0 + b]], rows[b],
                                 gsems[b])
                for b in range(nb)
            ]
            puts = []
            for b in range(nb):
                gets[b].wait()
                puts.append(pltpu.async_copy(
                    rows[b], acc.at[idx_d.at[c0 + b]], ssems[b], add=True))
                if deg_pass:
                    pltpu.sync_copy(ones_v, dacc.at[idx_d.at[c0 + b]],
                                    add=True)
            for p in puts:
                p.wait()

        for t in range(n_tables):
            h_hbm = tables[t]
            deg_pass = with_deg and t == 0
            rows_in(z_hbm, acc)
            plsc.subcore_barrier()

            def body(g, carry):
                chunk_group(h_hbm, deg_pass, g * NBUF, NBUF)
                return carry

            lax.fori_loop(0, N_CHUNKS // NBUF, body, 0)
            rem = N_CHUNKS % NBUF
            if rem:
                chunk_group(h_hbm, deg_pass, N_CHUNKS - rem, rem)
            plsc.subcore_barrier()
            rows_out(acc, out_hbms[t])
            if deg_pass:
                rows_out(dacc, outd_hbm)
            if t + 1 < n_tables:
                plsc.subcore_barrier()

    return agg



_BM = 400
_GRID = N_NODES // _BM


def _part_spec(bm, d):
    return [
        pl.BlockSpec((1, bm, d), lambda i: (0, i, 0)),
        pl.BlockSpec((1, bm, d), lambda i: (1, i, 0)),
    ]


def _full_spec(shape):
    nd = len(shape)
    return pl.BlockSpec(shape, lambda i: (0,) * nd)


def _inv_deg(d0_ref, d1_ref):
    deg = d0_ref[0, :, 0:1] + d1_ref[0, :, 0:1]
    return 1.0 / jnp.maximum(deg, 1.0)


def _tc_a_body(a0, a1, d0, d1, w, b, h1a, h1b):
    inv = _inv_deg(d0, d1)
    m = (a0[0] + a1[0]) * inv
    h = jnp.dot(m, w[...], preferred_element_type=jnp.float32) + b[...]
    h = jnp.maximum(h, 0.0)
    h1a[...] = h[:, :128]
    h1b[...] = h[:, 128:]


def _tc_a(aggx, degp, W0, b0):
    return pl.pallas_call(
        _tc_a_body,
        grid=(_GRID,),
        in_specs=_part_spec(_BM, 128) + _part_spec(_BM, DEG_W)
        + [_full_spec((128, 256)), _full_spec((1, 256))],
        out_specs=[pl.BlockSpec((_BM, 128), lambda i: (i, 0))] * 2,
        out_shape=[jax.ShapeDtypeStruct((N_NODES, 128), jnp.float32)] * 2,
    )(aggx, aggx, degp, degp, W0, b0)


def _tc_b_body(l0, l1, r0, r1, d0, d1, w1a, w1b, b, w2, out):
    inv = _inv_deg(d0, d1)
    ml = (l0[0] + l1[0]) * inv
    mr = (r0[0] + r1[0]) * inv
    h = (jnp.dot(ml, w1a[...], preferred_element_type=jnp.float32)
         + jnp.dot(mr, w1b[...], preferred_element_type=jnp.float32)
         + b[...])
    h = jnp.maximum(h, 0.0)
    out[...] = jnp.dot(h, w2[...], preferred_element_type=jnp.float32)


def _tc_b(aggl, aggr, degp, W1a, W1b, b1, W2):
    return pl.pallas_call(
        _tc_b_body,
        grid=(_GRID,),
        in_specs=_part_spec(_BM, 128) * 2 + _part_spec(_BM, DEG_W)
        + [_full_spec((128, 256)), _full_spec((128, 256)),
           _full_spec((1, 256)), _full_spec((256, 64))],
        out_specs=pl.BlockSpec((_BM, 64), lambda i: (i, 0)),
        out_shape=jax.ShapeDtypeStruct((N_NODES, 64), jnp.float32),
    )(aggl, aggl, aggr, aggr, degp, degp, W1a, W1b, b1, W2)


def _tc_c_body(a0, a1, d0, d1, b, out):
    inv = _inv_deg(d0, d1)
    out[...] = (a0[0] + a1[0]) * inv + b[...]


def _tc_c(agg2, degp, b2):
    return pl.pallas_call(
        _tc_c_body,
        grid=(_GRID,),
        in_specs=_part_spec(_BM, 64) + _part_spec(_BM, DEG_W)
        + [_full_spec((1, 64))],
        out_specs=pl.BlockSpec((_BM, 64), lambda i: (i, 0)),
        out_shape=jax.ShapeDtypeStruct((N_NODES, 64), jnp.float32),
    )(agg2, agg2, degp, degp, b2)


def kernel(x, edge_index, W0, b0, W1, b1, W2, b2):
    e4 = edge_index.reshape(2, N_TILES, N_CHUNKS, CHUNK)
    src = e4[0]
    dst = e4[1]
    z128 = jnp.zeros((N_NODES, 128), jnp.float32)
    z64 = jnp.zeros((N_NODES, 64), jnp.float32)
    zd = jnp.zeros((N_NODES, DEG_W), jnp.float32)
    ones = jnp.ones((CHUNK, DEG_W), jnp.float32)

    aggx, degp = _make_agg(128, True)(x, src, dst, z128, zd, ones)
    h1a, h1b = _tc_a(aggx, degp, W0, b0.reshape(1, -1))
    aggl, aggr = _make_agg(128, False, 2)(h1a, h1b, src, dst, z128)
    hw2 = _tc_b(aggl, aggr, degp, W1[:128], W1[128:], b1.reshape(1, -1), W2)
    agg2 = _make_agg(64, False)(hw2, src, dst, z64)
    return _tc_c(agg2, degp, b2.reshape(1, -1))

# --- scband reference (transcript-rebuilt; emitter-appended) ---
"""Pipeline reference for scband-gcn-36885179138569 (READ-ONLY COPY).

The authoritative reference and input builder live on the scoring server;
editing this copy changes nothing except your own understanding.
"""

import jax, jax.numpy as jnp
import numpy as np

N_NODES = 10000
N_EDGES = 320000
IN_FEATS = 128
N_HIDDEN = 256
N_CLASSES = 64


def setup_inputs(seed: int = 0) -> dict:
    key = jax.random.key(seed)
    ks = jax.random.split(key, 10)
    x = jax.random.normal(ks[0], (N_NODES, IN_FEATS), dtype=jnp.float32)
    edge_index = jax.random.randint(ks[1], (2, N_EDGES), 0, N_NODES, dtype=jnp.int32)
    # GraphConv layer params (glorot-ish init)
    W0 = jax.random.normal(ks[2], (IN_FEATS, N_HIDDEN), dtype=jnp.float32) * (1.0 / np.sqrt(IN_FEATS))
    b0 = jnp.zeros((N_HIDDEN,), dtype=jnp.float32)
    W1 = jax.random.normal(ks[3], (N_HIDDEN, N_HIDDEN), dtype=jnp.float32) * (1.0 / np.sqrt(N_HIDDEN))
    b1 = jnp.zeros((N_HIDDEN,), dtype=jnp.float32)
    W2 = jax.random.normal(ks[4], (N_HIDDEN, N_CLASSES), dtype=jnp.float32) * (1.0 / np.sqrt(N_HIDDEN))
    b2 = jnp.zeros((N_CLASSES,), dtype=jnp.float32)
    return {"x": x, "edge_index": edge_index, "W0": W0, "b0": b0, "W1": W1, "b1": b1, "W2": W2, "b2": b2}


def reference(x, edge_index, W0, b0, W1, b1, W2, b2):
    src = edge_index[0]
    dst = edge_index[1]
    # in-degree normalization (DGL GraphConv norm='right'), clamp(min=1)
    deg = jax.ops.segment_sum(jnp.ones((N_EDGES,), dtype=jnp.float32), dst, num_segments=N_NODES)
    inv_deg = 1.0 / jnp.maximum(deg, 1.0)

    def graph_conv(h, W, b):
        # weight applied before aggregation (math-equivalent for linear op)
        hw = h @ W
        msg = jnp.take(hw, src, axis=0)
        agg = jax.ops.segment_sum(msg, dst, num_segments=N_NODES)
        return agg * inv_deg[:, None] + b

    h = graph_conv(x, W0, b0)
    h = jax.nn.relu(h)  # dropout is identity in inference
    h = graph_conv(h, W1, b1)
    h = jax.nn.relu(h)
    h = graph_conv(h, W2, b2)
    return h

if __name__ == "__main__":
    import jax
    _d = setup_inputs()
    print(jax.jit(kernel)(*tuple(_d.values())))

</pallas_src>

<mosaic_0001>
#map = affine_map<(d0, d1) -> (0, 0)>
#map1 = affine_map<(d0, d1) -> (0, 0, 0)>
module attributes {stable_mosaic.version = 14 : i64} {
  func.func @agg(%arg0: i32, %arg1: i32, %arg2: memref<10000x64xf32, #tpu.memory_space<hbm>>, %arg3: memref<32x250x40xi32, #tpu.memory_space<hbm>>, %arg4: memref<32x250x40xi32, #tpu.memory_space<hbm>>, %arg5: memref<10000x64xf32, #tpu.memory_space<hbm>>, %arg6: memref<2x10000x64xf32, #tpu.memory_space<hbm>>, %arg7: memref<250x40xi32, #tpu.memory_space<vmem>>, %arg8: memref<250x40xi32, #tpu.memory_space<vmem>>, %arg9: memref<10000x64xf32, #tpu.memory_space<vmem_shared>>, %arg10: memref<40x64xf32, #tpu.memory_space<vmem>>, %arg11: memref<40x64xf32, #tpu.memory_space<vmem>>, %arg12: memref<40x64xf32, #tpu.memory_space<vmem>>, %arg13: memref<40x64xf32, #tpu.memory_space<vmem>>, %arg14: memref<!tpu.dma_semaphore, #tpu.memory_space<semaphore_mem>>, %arg15: memref<!tpu.dma_semaphore, #tpu.memory_space<semaphore_mem>>, %arg16: memref<!tpu.dma_semaphore, #tpu.memory_space<semaphore_mem>>, %arg17: memref<!tpu.dma_semaphore, #tpu.memory_space<semaphore_mem>>, %arg18: memref<!tpu.dma_semaphore, #tpu.memory_space<semaphore_mem>>, %arg19: memref<!tpu.dma_semaphore, #tpu.memory_space<semaphore_mem>>, %arg20: memref<!tpu.dma_semaphore, #tpu.memory_space<semaphore_mem>>, %arg21: memref<!tpu.dma_semaphore, #tpu.memory_space<semaphore_mem>>) attributes {dimension_semantics = [#tpu.dimension_semantics<core_parallel>, #tpu.dimension_semantics<subcore_parallel>], iteration_bounds = array<i64: 2, 16>, scalar_prefetch = 0 : i64, scratch_operands = 15 : i64, tpu.core_type = #tpu.core_type<sc_vector_subcore>, window_params = [{transform_indices = #map}, {transform_indices = #map1}, {transform_indices = #map1}, {transform_indices = #map}, {transform_indices = #map1}]} {
    %mul3A = arith.constant 624 : i32
    %mul3A_0 = arith.muli %arg1, %mul3A : i32
    %mul3A_1 = arith.constant 16 : i32
    %mul3A_2 = arith.muli %arg0, %mul3A_1 : i32
    %add3A = arith.addi %mul3A_2, %arg1 : i32
    "tpu.region"() ({
      %run_scoped3A = tpu.sem_alloc : memref<!tpu.dma_semaphore, #tpu.memory_space<semaphore_mem>>
      %dma_start3A_70 = arith.constant 0 : i32
      %dma_start3A_71 = arith.constant 0 : i32
      %dma_start3A_72 = tpu.memref_slice %arg3[%add3A, %dma_start3A_70, %dma_start3A_71] : memref<32x250x40xi32, #tpu.memory_space<hbm>> -> memref<1x250x40xi32, #tpu.memory_space<hbm>>
      %dma_start3A_73 = tpu.memref_squeeze %dma_start3A_72 : memref<1x250x40xi32, #tpu.memory_space<hbm>> -> memref<250x40xi32, #tpu.memory_space<hbm>>
      %dma_start3A_74 = arith.constant 0 : i32
      %dma_start3A_75 = arith.constant 0 : i32
      %dma_start3A_76 = tpu.memref_slice %arg3[%add3A, %dma_start3A_74, %dma_start3A_75] : memref<32x250x40xi32, #tpu.memory_space<hbm>> -> memref<1x250x40xi32, #tpu.memory_space<hbm>>
      %dma_start3A_77 = tpu.memref_squeeze %dma_start3A_76 : memref<1x250x40xi32, #tpu.memory_space<hbm>> -> memref<250x40xi32, #tpu.memory_space<hbm>>
      tpu.enqueue_dma source(%dma_start3A_77 : memref<250x40xi32, #tpu.memory_space<hbm>>) target(%arg7 : memref<250x40xi32, #tpu.memory_space<vmem>>) target_semaphore(%run_scoped3A : memref<!tpu.dma_semaphore, #tpu.memory_space<semaphore_mem>>)
      %dma_wait3A_78 = arith.constant 0 : i32
      %dma_wait3A_79 = arith.constant 0 : i32
      %dma_wait3A_80 = tpu.memref_slice %arg3[%add3A, %dma_wait3A_78, %dma_wait3A_79] : memref<32x250x40xi32, #tpu.memory_space<hbm>> -> memref<1x250x40xi32, #tpu.memory_space<hbm>>
      %dma_wait3A_81 = tpu.memref_squeeze %dma_wait3A_80 : memref<1x250x40xi32, #tpu.memory_space<hbm>> -> memref<250x40xi32, #tpu.memory_space<hbm>>
      %dma_wait3A_82 = arith.constant 0 : i32
      %dma_wait3A_83 = arith.constant 0 : i32
      %dma_wait3A_84 = tpu.memref_slice %arg3[%add3A, %dma_wait3A_82, %dma_wait3A_83] : memref<32x250x40xi32, #tpu.memory_space<hbm>> -> memref<1x250x40xi32, #tpu.memory_space<hbm>>
      %dma_wait3A_85 = tpu.memref_squeeze %dma_wait3A_84 : memref<1x250x40xi32, #tpu.memory_space<hbm>> -> memref<250x40xi32, #tpu.memory_space<hbm>>
      tpu.wait_dma2 semaphore(%run_scoped3A : memref<!tpu.dma_semaphore, #tpu.memory_space<semaphore_mem>>) src(%dma_wait3A_85 : memref<250x40xi32, #tpu.memory_space<hbm>>) dst(%arg7 : memref<250x40xi32, #tpu.memory_space<vmem>>)
      tpu.yield
    }) : () -> ()
    "tpu.region"() ({
      %run_scoped3A = tpu.sem_alloc : memref<!tpu.dma_semaphore, #tpu.memory_space<semaphore_mem>>
      %dma_start3A_70 = arith.constant 0 : i32
      %dma_start3A_71 = arith.constant 0 : i32
      %dma_start3A_72 = tpu.memref_slice %arg4[%add3A, %dma_start3A_70, %dma_start3A_71] : memref<32x250x40xi32, #tpu.memory_space<hbm>> -> memref<1x250x40xi32, #tpu.memory_space<hbm>>
      %dma_start3A_73 = tpu.memref_squeeze %dma_start3A_72 : memref<1x250x40xi32, #tpu.memory_space<hbm>> -> memref<250x40xi32, #tpu.memory_space<hbm>>
      %dma_start3A_74 = arith.constant 0 : i32
      %dma_start3A_75 = arith.constant 0 : i32
      %dma_start3A_76 = tpu.memref_slice %arg4[%add3A, %dma_start3A_74, %dma_start3A_75] : memref<32x250x40xi32, #tpu.memory_space<hbm>> -> memref<1x250x40xi32, #tpu.memory_space<hbm>>
      %dma_start3A_77 = tpu.memref_squeeze %dma_start3A_76 : memref<1x250x40xi32, #tpu.memory_space<hbm>> -> memref<250x40xi32, #tpu.memory_space<hbm>>
      tpu.enqueue_dma source(%dma_start3A_77 : memref<250x40xi32, #tpu.memory_space<hbm>>) target(%arg8 : memref<250x40xi32, #tpu.memory_space<vmem>>) target_semaphore(%run_scoped3A : memref<!tpu.dma_semaphore, #tpu.memory_space<semaphore_mem>>)
      %dma_wait3A_78 = arith.constant 0 : i32
      %dma_wait3A_79 = arith.constant 0 : i32
      %dma_wait3A_80 = tpu.memref_slice %arg4[%add3A, %dma_wait3A_78, %dma_wait3A_79] : memref<32x250x40xi32, #tpu.memory_space<hbm>> -> memref<1x250x40xi32, #tpu.memory_space<hbm>>
      %dma_wait3A_81 = tpu.memref_squeeze %dma_wait3A_80 : memref<1x250x40xi32, #tpu.memory_space<hbm>> -> memref<250x40xi32, #tpu.memory_space<hbm>>
      %dma_wait3A_82 = arith.constant 0 : i32
      %dma_wait3A_83 = arith.constant 0 : i32
      %dma_wait3A_84 = tpu.memref_slice %arg4[%add3A, %dma_wait3A_82, %dma_wait3A_83] : memref<32x250x40xi32, #tpu.memory_space<hbm>> -> memref<1x250x40xi32, #tpu.memory_space<hbm>>
      %dma_wait3A_85 = tpu.memref_squeeze %dma_wait3A_84 : memref<1x250x40xi32, #tpu.memory_space<hbm>> -> memref<250x40xi32, #tpu.memory_space<hbm>>
      tpu.wait_dma2 semaphore(%run_scoped3A : memref<!tpu.dma_semaphore, #tpu.memory_space<semaphore_mem>>) src(%dma_wait3A_85 : memref<250x40xi32, #tpu.memory_space<hbm>>) dst(%arg8 : memref<250x40xi32, #tpu.memory_space<vmem>>)
      tpu.yield
    }) : () -> ()
    "tpu.region"() ({
      %run_scoped3A = tpu.sem_alloc : memref<!tpu.dma_semaphore, #tpu.memory_space<semaphore_mem>>
      %dma_start3A_70 = arith.constant 0 : i32
      %dma_start3A_71 = tpu.memref_slice %arg9[%mul3A_0, %dma_start3A_70] : memref<10000x64xf32, #tpu.memory_space<vmem_shared>> -> memref<624x64xf32, #tpu.memory_space<vmem_shared>>
      %dma_start3A_72 = arith.constant 0 : i32
      %dma_start3A_73 = tpu.memref_slice %arg5[%mul3A_0, %dma_start3A_72] : memref<10000x64xf32, #tpu.memory_space<hbm>> -> memref<624x64xf32, #tpu.memory_space<hbm>>
      tpu.enqueue_dma source(%dma_start3A_73 : memref<624x64xf32, #tpu.memory_space<hbm>>) target(%dma_start3A_71 : memref<624x64xf32, #tpu.memory_space<vmem_shared>>) target_semaphore(%run_scoped3A : memref<!tpu.dma_semaphore, #tpu.memory_space<semaphore_mem>>)
      %dma_wait3A_74 = arith.constant 0 : i32
      %dma_wait3A_75 = tpu.memref_slice %arg9[%mul3A_0, %dma_wait3A_74] : memref<10000x64xf32, #tpu.memory_space<vmem_shared>> -> memref<624x64xf32, #tpu.memory_space<vmem_shared>>
      %dma_wait3A_76 = arith.constant 0 : i32
      %dma_wait3A_77 = tpu.memref_slice %arg5[%mul3A_0, %dma_wait3A_76] : memref<10000x64xf32, #tpu.memory_space<hbm>> -> memref<624x64xf32, #tpu.memory_space<hbm>>
      tpu.wait_dma2 semaphore(%run_scoped3A : memref<!tpu.dma_semaphore, #tpu.memory_space<semaphore_mem>>) src(%dma_wait3A_77 : memref<624x64xf32, #tpu.memory_space<hbm>>) dst(%dma_wait3A_75 : memref<624x64xf32, #tpu.memory_space<vmem_shared>>)
      tpu.yield
    }) : () -> ()
    %eq3A = arith.constant 0 : i32
    %eq3A_3 = arith.cmpi eq, %arg1, %eq3A : i32
    %convert_element_type3A = arith.extui %eq3A_3 : i1 to i32
    %cond3A = arith.constant 0 : i32
    %cond3A_4 = arith.cmpi ne, %convert_element_type3A, %cond3A : i32
    scf.if %cond3A_4 {
      "tpu.region"() ({
        %run_scoped3A = tpu.sem_alloc : memref<!tpu.dma_semaphore, #tpu.memory_space<semaphore_mem>>
        %dma_start3A_70 = arith.constant 9984 : i32
        %dma_start3A_71 = arith.constant 0 : i32
        %dma_start3A_72 = tpu.memref_slice %arg9[%dma_start3A_70, %dma_start3A_71] : memref<10000x64xf32, #tpu.memory_space<vmem_shared>> -> memref<16x64xf32, #tpu.memory_space<vmem_shared>>
        %dma_start3A_73 = arith.constant 9984 : i32
        %dma_start3A_74 = arith.constant 0 : i32
        %dma_start3A_75 = tpu.memref_slice %arg5[%dma_start3A_73, %dma_start3A_74] : memref<10000x64xf32, #tpu.memory_space<hbm>> -> memref<16x64xf32, #tpu.memory_space<hbm>>
        tpu.enqueue_dma source(%dma_start3A_75 : memref<16x64xf32, #tpu.memory_space<hbm>>) target(%dma_start3A_72 : memref<16x64xf32, #tpu.memory_space<vmem_shared>>) target_semaphore(%run_scoped3A : memref<!tpu.dma_semaphore, #tpu.memory_space<semaphore_mem>>)
        %dma_wait3A_76 = arith.constant 9984 : i32
        %dma_wait3A_77 = arith.constant 0 : i32
        %dma_wait3A_78 = tpu.memref_slice %arg9[%dma_wait3A_76, %dma_wait3A_77] : memref<10000x64xf32, #tpu.memory_space<vmem_shared>> -> memref<16x64xf32, #tpu.memory_space<vmem_shared>>
        %dma_wait3A_79 = arith.constant 9984 : i32
        %dma_wait3A_80 = arith.constant 0 : i32
        %dma_wait3A_81 = tpu.memref_slice %arg5[%dma_wait3A_79, %dma_wait3A_80] : memref<10000x64xf32, #tpu.memory_space<hbm>> -> memref<16x64xf32, #tpu.memory_space<hbm>>
        tpu.wait_dma2 semaphore(%run_scoped3A : memref<!tpu.dma_semaphore, #tpu.memory_space<semaphore_mem>>) src(%dma_wait3A_81 : memref<16x64xf32, #tpu.memory_space<hbm>>) dst(%dma_wait3A_78 : memref<16x64xf32, #tpu.memory_space<vmem_shared>>)
        tpu.yield
      }) : () -> ()
    } else {
    }
    %barrier3A = arith.constant 0 : index
    tpu.barrier barrier_id(%barrier3A)
    %scan3A = arith.constant 0 : i32
    %scan3A_5 = arith.constant 0 : i32
    %scan3A_6 = arith.constant 62 : i32
    %scan3A_7 = arith.addi %scan3A_5, %scan3A_6 : i32
    %scan3A_8 = arith.constant 1 : i32
    scf.for %scan3A_70 = %scan3A_5 to %scan3A_7 step %scan3A_8  : i32 {
      %mul3A_71 = arith.constant 4 : i32
      %mul3A_72 = arith.muli %scan3A_70, %mul3A_71 : i32
      %add3A_73 = arith.constant 0 : i32
      %add3A_74 = arith.addi %mul3A_72, %add3A_73 : i32
      %dma_start3A_75 = arith.constant 0 : i32
      %dma_start3A_76 = tpu.memref_slice %arg7[%add3A_74, %dma_start3A_75] : memref<250x40xi32, #tpu.memory_space<vmem>> -> memref<1x40xi32, #tpu.memory_space<vmem>>
      %dma_start3A_77 = tpu.memref_squeeze %dma_start3A_76 : memref<1x40xi32, #tpu.memory_space<vmem>> -> memref<40xi32, #tpu.memory_space<vmem>>
      %dma_start3A_78 = arith.constant 0 : i32
      %dma_start3A_79 = arith.constant 0 : i32
      %dma_start3A_80 = tpu.memref_slice %arg2[%dma_start3A_78, %dma_start3A_79] : memref<10000x64xf32, #tpu.memory_space<hbm>> -> memref<10000x64xf32, #tpu.memory_space<hbm>>
      tpu.enqueue_indirect_dma source(%dma_start3A_80 : memref<10000x64xf32, #tpu.memory_space<hbm>>) target(%arg10 : memref<40x64xf32, #tpu.memory_space<vmem>>) offsets(%dma_start3A_77 : memref<40xi32, #tpu.memory_space<vmem>>) semaphore(%arg14 : memref<!tpu.dma_semaphore, #tpu.memory_space<semaphore_mem>>)
      %add3A_81 = arith.constant 1 : i32
      %add3A_82 = arith.addi %mul3A_72, %add3A_81 : i32
      %dma_start3A_83 = arith.constant 0 : i32
      %dma_start3A_84 = tpu.memref_slice %arg7[%add3A_82, %dma_start3A_83] : memref<250x40xi32, #tpu.memory_space<vmem>> -> memref<1x40xi32, #tpu.memory_space<vmem>>
      %dma_start3A_85 = tpu.memref_squeeze %dma_start3A_84 : memref<1x40xi32, #tpu.memory_space<vmem>> -> memref<40xi32, #tpu.memory_space<vmem>>
      %dma_start3A_86 = arith.constant 0 : i32
      %dma_start3A_87 = arith.constant 0 : i32
      %dma_start3A_88 = tpu.memref_slice %arg2[%dma_start3A_86, %dma_start3A_87] : memref<10000x64xf32, #tpu.memory_space<hbm>> -> memref<10000x64xf32, #tpu.memory_space<hbm>>
      tpu.enqueue_indirect_dma source(%dma_start3A_88 : memref<10000x64xf32, #tpu.memory_space<hbm>>) target(%arg11 : memref<40x64xf32, #tpu.memory_space<vmem>>) offsets(%dma_start3A_85 : memref<40xi32, #tpu.memory_space<vmem>>) semaphore(%arg15 : memref<!tpu.dma_semaphore, #tpu.memory_space<semaphore_mem>>)
      %add3A_89 = arith.constant 2 : i32
      %add3A_90 = arith.addi %mul3A_72, %add3A_89 : i32
      %dma_start3A_91 = arith.constant 0 : i32
      %dma_start3A_92 = tpu.memref_slice %arg7[%add3A_90, %dma_start3A_91] : memref<250x40xi32, #tpu.memory_space<vmem>> -> memref<1x40xi32, #tpu.memory_space<vmem>>
      %dma_start3A_93 = tpu.memref_squeeze %dma_start3A_92 : memref<1x40xi32, #tpu.memory_space<vmem>> -> memref<40xi32, #tpu.memory_space<vmem>>
      %dma_start3A_94 = arith.constant 0 : i32
      %dma_start3A_95 = arith.constant 0 : i32
      %dma_start3A_96 = tpu.memref_slice %arg2[%dma_start3A_94, %dma_start3A_95] : memref<10000x64xf32, #tpu.memory_space<hbm>> -> memref<10000x64xf32, #tpu.memory_space<hbm>>
      tpu.enqueue_indirect_dma source(%dma_start3A_96 : memref<10000x64xf32, #tpu.memory_space<hbm>>) target(%arg12 : memref<40x64xf32, #tpu.memory_space<vmem>>) offsets(%dma_start3A_93 : memref<40xi32, #tpu.memory_space<vmem>>) semaphore(%arg16 : memref<!tpu.dma_semaphore, #tpu.memory_space<semaphore_mem>>)
      %add3A_97 = arith.constant 3 : i32
      %add3A_98 = arith.addi %mul3A_72, %add3A_97 : i32
      %dma_start3A_99 = arith.constant 0 : i32
      %dma_start3A_100 = tpu.memref_slice %arg7[%add3A_98, %dma_start3A_99] : memref<250x40xi32, #tpu.memory_space<vmem>> -> memref<1x40xi32, #tpu.memory_space<vmem>>
      %dma_start3A_101 = tpu.memref_squeeze %dma_start3A_100 : memref<1x40xi32, #tpu.memory_space<vmem>> -> memref<40xi32, #tpu.memory_space<vmem>>
      %dma_start3A_102 = arith.constant 0 : i32
      %dma_start3A_103 = arith.constant 0 : i32
      %dma_start3A_104 = tpu.memref_slice %arg2[%dma_start3A_102, %dma_start3A_103] : memref<10000x64xf32, #tpu.memory_space<hbm>> -> memref<10000x64xf32, #tpu.memory_space<hbm>>
      tpu.enqueue_indirect_dma source(%dma_start3A_104 : memref<10000x64xf32, #tpu.memory_space<hbm>>) target(%arg13 : memref<40x64xf32, #tpu.memory_space<vmem>>) offsets(%dma_start3A_101 : memref<40xi32, #tpu.memory_space<vmem>>) semaphore(%arg17 : memref<!tpu.dma_semaphore, #tpu.memory_space<semaphore_mem>>)
      %dma_wait3A_105 = arith.constant 0 : i32
      %dma_wait3A_106 = tpu.memref_slice %arg7[%add3A_74, %dma_wait3A_105] : memref<250x40xi32, #tpu.memory_space<vmem>> -> memref<1x40xi32, #tpu.memory_space<vmem>>
      %dma_wait3A_107 = tpu.memref_squeeze %dma_wait3A_106 : memref<1x40xi32, #tpu.memory_space<vmem>> -> memref<40xi32, #tpu.memory_space<vmem>>
      %dma_wait3A_108 = arith.constant 0 : i32
      %dma_wait3A_109 = arith.constant 0 : i32
      %dma_wait3A_110 = tpu.memref_slice %arg2[%dma_wait3A_108, %dma_wait3A_109] : memref<10000x64xf32, #tpu.memory_space<hbm>> -> memref<10000x64xf32, #tpu.memory_space<hbm>>
      tpu.wait_indirect_dma semaphore(%arg14 : memref<!tpu.dma_semaphore, #tpu.memory_space<semaphore_mem>>) src(%dma_wait3A_110 : memref<10000x64xf32, #tpu.memory_space<hbm>>) dst(%arg10 : memref<40x64xf32, #tpu.memory_space<vmem>>)
      %add3A_111 = arith.constant 0 : i32
      %add3A_112 = arith.addi %mul3A_72, %add3A_111 : i32
      %dma_start3A_113 = arith.constant 0 : i32
      %dma_start3A_114 = tpu.memref_slice %arg8[%add3A_112, %dma_start3A_113] : memref<250x40xi32, #tpu.memory_space<vmem>> -> memref<1x40xi32, #tpu.memory_space<vmem>>
      %dma_start3A_115 = tpu.memref_squeeze %dma_start3A_114 : memref<1x40xi32, #tpu.memory_space<vmem>> -> memref<40xi32, #tpu.memory_space<vmem>>
      %dma_start3A_116 = arith.constant 0 : i32
      %dma_start3A_117 = arith.constant 0 : i32
      %dma_start3A_118 = tpu.memref_slice %arg9[%dma_start3A_116, %dma_start3A_117] : memref<10000x64xf32, #tpu.memory_space<vmem_shared>> -> memref<10000x64xf32, #tpu.memory_space<vmem_shared>>
      tpu.enqueue_indirect_dma source(%arg10 : memref<40x64xf32, #tpu.memory_space<vmem>>) target(%dma_start3A_118 : memref<10000x64xf32, #tpu.memory_space<vmem_shared>>) offsets(%dma_start3A_115 : memref<40xi32, #tpu.memory_space<vmem>>) semaphore(%arg18 : memref<!tpu.dma_semaphore, #tpu.memory_space<semaphore_mem>>) {add = true}
      %dma_wait3A_119 = arith.constant 0 : i32
      %dma_wait3A_120 = tpu.memref_slice %arg7[%add3A_82, %dma_wait3A_119] : memref<250x40xi32, #tpu.memory_space<vmem>> -> memref<1x40xi32, #tpu.memory_space<vmem>>
      %dma_wait3A_121 = tpu.memref_squeeze %dma_wait3A_120 : memref<1x40xi32, #tpu.memory_space<vmem>> -> memref<40xi32, #tpu.memory_space<vmem>>
      %dma_wait3A_122 = arith.constant 0 : i32
      %dma_wait3A_123 = arith.constant 0 : i32
      %dma_wait3A_124 = tpu.memref_slice %arg2[%dma_wait3A_122, %dma_wait3A_123] : memref<10000x64xf32, #tpu.memory_space<hbm>> -> memref<10000x64xf32, #tpu.memory_space<hbm>>
      tpu.wait_indirect_dma semaphore(%arg15 : memref<!tpu.dma_semaphore, #tpu.memory_space<semaphore_mem>>) src(%dma_wait3A_124 : memref<10000x64xf32, #tpu.memory_space<hbm>>) dst(%arg11 : memref<40x64xf32, #tpu.memory_space<vmem>>)
      %add3A_125 = arith.constant 1 : i32
      %add3A_126 = arith.addi %mul3A_72, %add3A_125 : i32
      %dma_start3A_127 = arith.constant 0 : i32
      %dma_start3A_128 = tpu.memref_slice %arg8[%add3A_126, %dma_start3A_127] : memref<250x40xi32, #tpu.memory_space<vmem>> -> memref<1x40xi32, #tpu.memory_space<vmem>>
      %dma_start3A_129 = tpu.memref_squeeze %dma_start3A_128 : memref<1x40xi32, #tpu.memory_space<vmem>> -> memref<40xi32, #tpu.memory_space<vmem>>
      %dma_start3A_130 = arith.constant 0 : i32
      %dma_start3A_131 = arith.constant 0 : i32
      %dma_start3A_132 = tpu.memref_slice %arg9[%dma_start3A_130, %dma_start3A_131] : memref<10000x64xf32, #tpu.memory_space<vmem_shared>> -> memref<10000x64xf32, #tpu.memory_space<vmem_shared>>
      tpu.enqueue_indirect_dma source(%arg11 : memref<40x64xf32, #tpu.memory_space<vmem>>) target(%dma_start3A_132 : memref<10000x64xf32, #tpu.memory_space<vmem_shared>>) offsets(%dma_start3A_129 : memref<40xi32, #tpu.memory_space<vmem>>) semaphore(%arg19 : memref<!tpu.dma_semaphore, #tpu.memory_space<semaphore_mem>>) {add = true}
      %dma_wait3A_133 = arith.constant 0 : i32
      %dma_wait3A_134 = tpu.memref_slice %arg7[%add3A_90, %dma_wait3A_133] : memref<250x40xi32, #tpu.memory_space<vmem>> -> memref<1x40xi32, #tpu.memory_space<vmem>>
      %dma_wait3A_135 = tpu.memref_squeeze %dma_wait3A_134 : memref<1x40xi32, #tpu.memory_space<vmem>> -> memref<40xi32, #tpu.memory_space<vmem>>
      %dma_wait3A_136 = arith.constant 0 : i32
      %dma_wait3A_137 = arith.constant 0 : i32
      %dma_wait3A_138 = tpu.memref_slice %arg2[%dma_wait3A_136, %dma_wait3A_137] : memref<10000x64xf32, #tpu.memory_space<hbm>> -> memref<10000x64xf32, #tpu.memory_space<hbm>>
      tpu.wait_indirect_dma semaphore(%arg16 : memref<!tpu.dma_semaphore, #tpu.memory_space<semaphore_mem>>) src(%dma_wait3A_138 : memref<10000x64xf32, #tpu.memory_space<hbm>>) dst(%arg12 : memref<40x64xf32, #tpu.memory_space<vmem>>)
      %add3A_139 = arith.constant 2 : i32
      %add3A_140 = arith.addi %mul3A_72, %add3A_139 : i32
      %dma_start3A_141 = arith.constant 0 : i32
      %dma_start3A_142 = tpu.memref_slice %arg8[%add3A_140, %dma_start3A_141] : memref<250x40xi32, #tpu.memory_space<vmem>> -> memref<1x40xi32, #tpu.memory_space<vmem>>
      %dma_start3A_143 = tpu.memref_squeeze %dma_start3A_142 : memref<1x40xi32, #tpu.memory_space<vmem>> -> memref<40xi32, #tpu.memory_space<vmem>>
      %dma_start3A_144 = arith.constant 0 : i32
      %dma_start3A_145 = arith.constant 0 : i32
      %dma_start3A_146 = tpu.memref_slice %arg9[%dma_start3A_144, %dma_start3A_145] : memref<10000x64xf32, #tpu.memory_space<vmem_shared>> -> memref<10000x64xf32, #tpu.memory_space<vmem_shared>>
      tpu.enqueue_indirect_dma source(%arg12 : memref<40x64xf32, #tpu.memory_space<vmem>>) target(%dma_start3A_146 : memref<10000x64xf32, #tpu.memory_space<vmem_shared>>) offsets(%dma_start3A_143 : memref<40xi32, #tpu.memory_space<vmem>>) semaphore(%arg20 : memref<!tpu.dma_semaphore, #tpu.memory_space<semaphore_mem>>) {add = true}
      %dma_wait3A_147 = arith.constant 0 : i32
      %dma_wait3A_148 = tpu.memref_slice %arg7[%add3A_98, %dma_wait3A_147] : memref<250x40xi32, #tpu.memory_space<vmem>> -> memref<1x40xi32, #tpu.memory_space<vmem>>
      %dma_wait3A_149 = tpu.memref_squeeze %dma_wait3A_148 : memref<1x40xi32, #tpu.memory_space<vmem>> -> memref<40xi32, #tpu.memory_space<vmem>>
      %dma_wait3A_150 = arith.constant 0 : i32
      %dma_wait3A_151 = arith.constant 0 : i32
      %dma_wait3A_152 = tpu.memref_slice %arg2[%dma_wait3A_150, %dma_wait3A_151] : memref<10000x64xf32, #tpu.memory_space<hbm>> -> memref<10000x64xf32, #tpu.memory_space<hbm>>
      tpu.wait_indirect_dma semaphore(%arg17 : memref<!tpu.dma_semaphore, #tpu.memory_space<semaphore_mem>>) src(%dma_wait3A_152 : memref<10000x64xf32, #tpu.memory_space<hbm>>) dst(%arg13 : memref<40x64xf32, #tpu.memory_space<vmem>>)
      %add3A_153 = arith.constant 3 : i32
      %add3A_154 = arith.addi %mul3A_72, %add3A_153 : i32
      %dma_start3A_155 = arith.constant 0 : i32
      %dma_start3A_156 = tpu.memref_slice %arg8[%add3A_154, %dma_start3A_155] : memref<250x40xi32, #tpu.memory_space<vmem>> -> memref<1x40xi32, #tpu.memory_space<vmem>>
      %dma_start3A_157 = tpu.memref_squeeze %dma_start3A_156 : memref<1x40xi32, #tpu.memory_space<vmem>> -> memref<40xi32, #tpu.memory_space<vmem>>
      %dma_start3A_158 = arith.constant 0 : i32
      %dma_start3A_159 = arith.constant 0 : i32
      %dma_start3A_160 = tpu.memref_slice %arg9[%dma_start3A_158, %dma_start3A_159] : memref<10000x64xf32, #tpu.memory_space<vmem_shared>> -> memref<10000x64xf32, #tpu.memory_space<vmem_shared>>
      tpu.enqueue_indirect_dma source(%arg13 : memref<40x64xf32, #tpu.memory_space<vmem>>) target(%dma_start3A_160 : memref<10000x64xf32, #tpu.memory_space<vmem_shared>>) offsets(%dma_start3A_157 : memref<40xi32, #tpu.memory_space<vmem>>) semaphore(%arg21 : memref<!tpu.dma_semaphore, #tpu.memory_space<semaphore_mem>>) {add = true}
      %dma_wait3A_161 = arith.constant 0 : i32
      %dma_wait3A_162 = tpu.memref_slice %arg8[%add3A_112, %dma_wait3A_161] : memref<250x40xi32, #tpu.memory_space<vmem>> -> memref<1x40xi32, #tpu.memory_space<vmem>>
      %dma_wait3A_163 = tpu.memref_squeeze %dma_wait3A_162 : memref<1x40xi32, #tpu.memory_space<vmem>> -> memref<40xi32, #tpu.memory_space<vmem>>
      %dma_wait3A_164 = arith.constant 0 : i32
      %dma_wait3A_165 = arith.constant 0 : i32
      %dma_wait3A_166 = tpu.memref_slice %arg9[%dma_wait3A_164, %dma_wait3A_165] : memref<10000x64xf32, #tpu.memory_space<vmem_shared>> -> memref<10000x64xf32, #tpu.memory_space<vmem_shared>>
      tpu.wait_indirect_dma semaphore(%arg18 : memref<!tpu.dma_semaphore, #tpu.memory_space<semaphore_mem>>) src(%arg10 : memref<40x64xf32, #tpu.memory_space<vmem>>) dst(%dma_wait3A_166 : memref<10000x64xf32, #tpu.memory_space<vmem_shared>>)
      %dma_wait3A_167 = arith.constant 0 : i32
      %dma_wait3A_168 = tpu.memref_slice %arg8[%add3A_126, %dma_wait3A_167] : memref<250x40xi32, #tpu.memory_space<vmem>> -> memref<1x40xi32, #tpu.memory_space<vmem>>
      %dma_wait3A_169 = tpu.memref_squeeze %dma_wait3A_168 : memref<1x40xi32, #tpu.memory_space<vmem>> -> memref<40xi32, #tpu.memory_space<vmem>>
      %dma_wait3A_170 = arith.constant 0 : i32
      %dma_wait3A_171 = arith.constant 0 : i32
      %dma_wait3A_172 = tpu.memref_slice %arg9[%dma_wait3A_170, %dma_wait3A_171] : memref<10000x64xf32, #tpu.memory_space<vmem_shared>> -> memref<10000x64xf32, #tpu.memory_space<vmem_shared>>
      tpu.wait_indirect_dma semaphore(%arg19 : memref<!tpu.dma_semaphore, #tpu.memory_space<semaphore_mem>>) src(%arg11 : memref<40x64xf32, #tpu.memory_space<vmem>>) dst(%dma_wait3A_172 : memref<10000x64xf32, #tpu.memory_space<vmem_shared>>)
      %dma_wait3A_173 = arith.constant 0 : i32
      %dma_wait3A_174 = tpu.memref_slice %arg8[%add3A_140, %dma_wait3A_173] : memref<250x40xi32, #tpu.memory_space<vmem>> -> memref<1x40xi32, #tpu.memory_space<vmem>>
      %dma_wait3A_175 = tpu.memref_squeeze %dma_wait3A_174 : memref<1x40xi32, #tpu.memory_space<vmem>> -> memref<40xi32, #tpu.memory_space<vmem>>
      %dma_wait3A_176 = arith.constant 0 : i32
      %dma_wait3A_177 = arith.constant 0 : i32
      %dma_wait3A_178 = tpu.memref_slice %arg9[%dma_wait3A_176, %dma_wait3A_177] : memref<10000x64xf32, #tpu.memory_space<vmem_shared>> -> memref<10000x64xf32, #tpu.memory_space<vmem_shared>>
      tpu.wait_indirect_dma semaphore(%arg20 : memref<!tpu.dma_semaphore, #tpu.memory_space<semaphore_mem>>) src(%arg12 : memref<40x64xf32, #tpu.memory_space<vmem>>) dst(%dma_wait3A_178 : memref<10000x64xf32, #tpu.memory_space<vmem_shared>>)
      %dma_wait3A_179 = arith.constant 0 : i32
      %dma_wait3A_180 = tpu.memref_slice %arg8[%add3A_154, %dma_wait3A_179] : memref<250x40xi32, #tpu.memory_space<vmem>> -> memref<1x40xi32, #tpu.memory_space<vmem>>
      %dma_wait3A_181 = tpu.memref_squeeze %dma_wait3A_180 : memref<1x40xi32, #tpu.memory_space<vmem>> -> memref<40xi32, #tpu.memory_space<vmem>>
      %dma_wait3A_182 = arith.constant 0 : i32
      %dma_wait3A_183 = arith.constant 0 : i32
      %dma_wait3A_184 = tpu.memref_slice %arg9[%dma_wait3A_182, %dma_wait3A_183] : memref<10000x64xf32, #tpu.memory_space<vmem_shared>> -> memref<10000x64xf32, #tpu.memory_space<vmem_shared>>
      tpu.wait_indirect_dma semaphore(%arg21 : memref<!tpu.dma_semaphore, #tpu.memory_space<semaphore_mem>>) src(%arg13 : memref<40x64xf32, #tpu.memory_space<vmem>>) dst(%dma_wait3A_184 : memref<10000x64xf32, #tpu.memory_space<vmem_shared>>)
    }
    %scan3A_9 = arith.constant 62 : i32
    %dma_start3A = arith.constant 248 : i32
    %dma_start3A_10 = arith.constant 0 : i32
    %dma_start3A_11 = tpu.memref_slice %arg7[%dma_start3A, %dma_start3A_10] : memref<250x40xi32, #tpu.memory_space<vmem>> -> memref<1x40xi32, #tpu.memory_space<vmem>>
    %dma_start3A_12 = tpu.memref_squeeze %dma_start3A_11 : memref<1x40xi32, #tpu.memory_space<vmem>> -> memref<40xi32, #tpu.memory_space<vmem>>
    %dma_start3A_13 = arith.constant 0 : i32
    %dma_start3A_14 = arith.constant 0 : i32
    %dma_start3A_15 = tpu.memref_slice %arg2[%dma_start3A_13, %dma_start3A_14] : memref<10000x64xf32, #tpu.memory_space<hbm>> -> memref<10000x64xf32, #tpu.memory_space<hbm>>
    tpu.enqueue_indirect_dma source(%dma_start3A_15 : memref<10000x64xf32, #tpu.memory_space<hbm>>) target(%arg10 : memref<40x64xf32, #tpu.memory_space<vmem>>) offsets(%dma_start3A_12 : memref<40xi32, #tpu.memory_space<vmem>>) semaphore(%arg14 : memref<!tpu.dma_semaphore, #tpu.memory_space<semaphore_mem>>)
    %dma_start3A_16 = arith.constant 249 : i32
    %dma_start3A_17 = arith.constant 0 : i32
    %dma_start3A_18 = tpu.memref_slice %arg7[%dma_start3A_16, %dma_start3A_17] : memref<250x40xi32, #tpu.memory_space<vmem>> -> memref<1x40xi32, #tpu.memory_space<vmem>>
    %dma_start3A_19 = tpu.memref_squeeze %dma_start3A_18 : memref<1x40xi32, #tpu.memory_space<vmem>> -> memref<40xi32, #tpu.memory_space<vmem>>
    %dma_start3A_20 = arith.constant 0 : i32
    %dma_start3A_21 = arith.constant 0 : i32
    %dma_start3A_22 = tpu.memref_slice %arg2[%dma_start3A_20, %dma_start3A_21] : memref<10000x64xf32, #tpu.memory_space<hbm>> -> memref<10000x64xf32, #tpu.memory_space<hbm>>
    tpu.enqueue_indirect_dma source(%dma_start3A_22 : memref<10000x64xf32, #tpu.memory_space<hbm>>) target(%arg11 : memref<40x64xf32, #tpu.memory_space<vmem>>) offsets(%dma_start3A_19 : memref<40xi32, #tpu.memory_space<vmem>>) semaphore(%arg15 : memref<!tpu.dma_semaphore, #tpu.memory_space<semaphore_mem>>)
    %dma_wait3A = arith.constant 248 : i32
    %dma_wait3A_23 = arith.constant 0 : i32
    %dma_wait3A_24 = tpu.memref_slice %arg7[%dma_wait3A, %dma_wait3A_23] : memref<250x40xi32, #tpu.memory_space<vmem>> -> memref<1x40xi32, #tpu.memory_space<vmem>>
    %dma_wait3A_25 = tpu.memref_squeeze %dma_wait3A_24 : memref<1x40xi32, #tpu.memory_space<vmem>> -> memref<40xi32, #tpu.memory_space<vmem>>
    %dma_wait3A_26 = arith.constant 0 : i32
    %dma_wait3A_27 = arith.constant 0 : i32
    %dma_wait3A_28 = tpu.memref_slice %arg2[%dma_wait3A_26, %dma_wait3A_27] : memref<10000x64xf32, #tpu.memory_space<hbm>> -> memref<10000x64xf32, #tpu.memory_space<hbm>>
    tpu.wait_indirect_dma semaphore(%arg14 : memref<!tpu.dma_semaphore, #tpu.memory_space<semaphore_mem>>) src(%dma_wait3A_28 : memref<10000x64xf32, #tpu.memory_space<hbm>>) dst(%arg10 : memref<40x64xf32, #tpu.memory_space<vmem>>)
    %dma_start3A_29 = arith.constant 248 : i32
    %dma_start3A_30 = arith.constant 0 : i32
    %dma_start3A_31 = tpu.memref_slice %arg8[%dma_start3A_29, %dma_start3A_30] : memref<250x40xi32, #tpu.memory_space<vmem>> -> memref<1x40xi32, #tpu.memory_space<vmem>>
    %dma_start3A_32 = tpu.memref_squeeze %dma_start3A_31 : memref<1x40xi32, #tpu.memory_space<vmem>> -> memref<40xi32, #tpu.memory_space<vmem>>
    %dma_start3A_33 = arith.constant 0 : i32
    %dma_start3A_34 = arith.constant 0 : i32
    %dma_start3A_35 = tpu.memref_slice %arg9[%dma_start3A_33, %dma_start3A_34] : memref<10000x64xf32, #tpu.memory_space<vmem_shared>> -> memref<10000x64xf32, #tpu.memory_space<vmem_shared>>
    tpu.enqueue_indirect_dma source(%arg10 : memref<40x64xf32, #tpu.memory_space<vmem>>) target(%dma_start3A_35 : memref<10000x64xf32, #tpu.memory_space<vmem_shared>>) offsets(%dma_start3A_32 : memref<40xi32, #tpu.memory_space<vmem>>) semaphore(%arg18 : memref<!tpu.dma_semaphore, #tpu.memory_space<semaphore_mem>>) {add = true}
    %dma_wait3A_36 = arith.constant 249 : i32
    %dma_wait3A_37 = arith.constant 0 : i32
    %dma_wait3A_38 = tpu.memref_slice %arg7[%dma_wait3A_36, %dma_wait3A_37] : memref<250x40xi32, #tpu.memory_space<vmem>> -> memref<1x40xi32, #tpu.memory_space<vmem>>
    %dma_wait3A_39 = tpu.memref_squeeze %dma_wait3A_38 : memref<1x40xi32, #tpu.memory_space<vmem>> -> memref<40xi32, #tpu.memory_space<vmem>>
    %dma_wait3A_40 = arith.constant 0 : i32
    %dma_wait3A_41 = arith.constant 0 : i32
    %dma_wait3A_42 = tpu.memref_slice %arg2[%dma_wait3A_40, %dma_wait3A_41] : memref<10000x64xf32, #tpu.memory_space<hbm>> -> memref<10000x64xf32, #tpu.memory_space<hbm>>
    tpu.wait_indirect_dma semaphore(%arg15 : memref<!tpu.dma_semaphore, #tpu.memory_space<semaphore_mem>>) src(%dma_wait3A_42 : memref<10000x64xf32, #tpu.memory_space<hbm>>) dst(%arg11 : memref<40x64xf32, #tpu.memory_space<vmem>>)
    %dma_start3A_43 = arith.constant 249 : i32
    %dma_start3A_44 = arith.constant 0 : i32
    %dma_start3A_45 = tpu.memref_slice %arg8[%dma_start3A_43, %dma_start3A_44] : memref<250x40xi32, #tpu.memory_space<vmem>> -> memref<1x40xi32, #tpu.memory_space<vmem>>
    %dma_start3A_46 = tpu.memref_squeeze %dma_start3A_45 : memref<1x40xi32, #tpu.memory_space<vmem>> -> memref<40xi32, #tpu.memory_space<vmem>>
    %dma_start3A_47 = arith.constant 0 : i32
    %dma_start3A_48 = arith.constant 0 : i32
    %dma_start3A_49 = tpu.memref_slice %arg9[%dma_start3A_47, %dma_start3A_48] : memref<10000x64xf32, #tpu.memory_space<vmem_shared>> -> memref<10000x64xf32, #tpu.memory_space<vmem_shared>>
    tpu.enqueue_indirect_dma source(%arg11 : memref<40x64xf32, #tpu.memory_space<vmem>>) target(%dma_start3A_49 : memref<10000x64xf32, #tpu.memory_space<vmem_shared>>) offsets(%dma_start3A_46 : memref<40xi32, #tpu.memory_space<vmem>>) semaphore(%arg19 : memref<!tpu.dma_semaphore, #tpu.memory_space<semaphore_mem>>) {add = true}
    %dma_wait3A_50 = arith.constant 248 : i32
    %dma_wait3A_51 = arith.constant 0 : i32
    %dma_wait3A_52 = tpu.memref_slice %arg8[%dma_wait3A_50, %dma_wait3A_51] : memref<250x40xi32, #tpu.memory_space<vmem>> -> memref<1x40xi32, #tpu.memory_space<vmem>>
    %dma_wait3A_53 = tpu.memref_squeeze %dma_wait3A_52 : memref<1x40xi32, #tpu.memory_space<vmem>> -> memref<40xi32, #tpu.memory_space<vmem>>
    %dma_wait3A_54 = arith.constant 0 : i32
    %dma_wait3A_55 = arith.constant 0 : i32
    %dma_wait3A_56 = tpu.memref_slice %arg9[%dma_wait3A_54, %dma_wait3A_55] : memref<10000x64xf32, #tpu.memory_space<vmem_shared>> -> memref<10000x64xf32, #tpu.memory_space<vmem_shared>>
    tpu.wait_indirect_dma semaphore(%arg18 : memref<!tpu.dma_semaphore, #tpu.memory_space<semaphore_mem>>) src(%arg10 : memref<40x64xf32, #tpu.memory_space<vmem>>) dst(%dma_wait3A_56 : memref<10000x64xf32, #tpu.memory_space<vmem_shared>>)
    %dma_wait3A_57 = arith.constant 249 : i32
    %dma_wait3A_58 = arith.constant 0 : i32
    %dma_wait3A_59 = tpu.memref_slice %arg8[%dma_wait3A_57, %dma_wait3A_58] : memref<250x40xi32, #tpu.memory_space<vmem>> -> memref<1x40xi32, #tpu.memory_space<vmem>>
    %dma_wait3A_60 = tpu.memref_squeeze %dma_wait3A_59 : memref<1x40xi32, #tpu.memory_space<vmem>> -> memref<40xi32, #tpu.memory_space<vmem>>
    %dma_wait3A_61 = arith.constant 0 : i32
    %dma_wait3A_62 = arith.constant 0 : i32
    %dma_wait3A_63 = tpu.memref_slice %arg9[%dma_wait3A_61, %dma_wait3A_62] : memref<10000x64xf32, #tpu.memory_space<vmem_shared>> -> memref<10000x64xf32, #tpu.memory_space<vmem_shared>>
    tpu.wait_indirect_dma semaphore(%arg19 : memref<!tpu.dma_semaphore, #tpu.memory_space<semaphore_mem>>) src(%arg11 : memref<40x64xf32, #tpu.memory_space<vmem>>) dst(%dma_wait3A_63 : memref<10000x64xf32, #tpu.memory_space<vmem_shared>>)
    %barrier3A_64 = arith.constant 0 : index
    tpu.barrier barrier_id(%barrier3A_64)
    "tpu.region"() ({
      %run_scoped3A = tpu.sem_alloc : memref<!tpu.dma_semaphore, #tpu.memory_space<semaphore_mem>>
      %dma_start3A_70 = arith.constant 0 : i32
      %dma_start3A_71 = tpu.memref_slice %arg6[%arg0, %mul3A_0, %dma_start3A_70] : memref<2x10000x64xf32, #tpu.memory_space<hbm>> -> memref<1x624x64xf32, #tpu.memory_space<hbm>>
      %dma_start3A_72 = tpu.memref_squeeze %dma_start3A_71 : memref<1x624x64xf32, #tpu.memory_space<hbm>> -> memref<624x64xf32, #tpu.memory_space<hbm>>
      %dma_start3A_73 = arith.constant 0 : i32
      %dma_start3A_74 = tpu.memref_slice %arg9[%mul3A_0, %dma_start3A_73] : memref<10000x64xf32, #tpu.memory_space<vmem_shared>> -> memref<624x64xf32, #tpu.memory_space<vmem_shared>>
      tpu.enqueue_dma source(%dma_start3A_74 : memref<624x64xf32, #tpu.memory_space<vmem_shared>>) target(%dma_start3A_72 : memref<624x64xf32, #tpu.memory_space<hbm>>) target_semaphore(%run_scoped3A : memref<!tpu.dma_semaphore, #tpu.memory_space<semaphore_mem>>)
      %dma_wait3A_75 = arith.constant 0 : i32
      %dma_wait3A_76 = tpu.memref_slice %arg6[%arg0, %mul3A_0, %dma_wait3A_75] : memref<2x10000x64xf32, #tpu.memory_space<hbm>> -> memref<1x624x64xf32, #tpu.memory_space<hbm>>
      %dma_wait3A_77 = tpu.memref_squeeze %dma_wait3A_76 : memref<1x624x64xf32, #tpu.memory_space<hbm>> -> memref<624x64xf32, #tpu.memory_space<hbm>>
      %dma_wait3A_78 = arith.constant 0 : i32
      %dma_wait3A_79 = tpu.memref_slice %arg9[%mul3A_0, %dma_wait3A_78] : memref<10000x64xf32, #tpu.memory_space<vmem_shared>> -> memref<624x64xf32, #tpu.memory_space<vmem_shared>>
      tpu.wait_dma2 semaphore(%run_scoped3A : memref<!tpu.dma_semaphore, #tpu.memory_space<semaphore_mem>>) src(%dma_wait3A_79 : memref<624x64xf32, #tpu.memory_space<vmem_shared>>) dst(%dma_wait3A_77 : memref<624x64xf32, #tpu.memory_space<hbm>>)
      tpu.yield
    }) : () -> ()
    %eq3A_65 = arith.constant 0 : i32
    %eq3A_66 = arith.cmpi eq, %arg1, %eq3A_65 : i32
    %convert_element_type3A_67 = arith.extui %eq3A_66 : i1 to i32
    %cond3A_68 = arith.constant 0 : i32
    %cond3A_69 = arith.cmpi ne, %convert_element_type3A_67, %cond3A_68 : i32
    scf.if %cond3A_69 {
      "tpu.region"() ({
        %run_scoped3A = tpu.sem_alloc : memref<!tpu.dma_semaphore, #tpu.memory_space<semaphore_mem>>
        %dma_start3A_70 = arith.constant 9984 : i32
        %dma_start3A_71 = arith.constant 0 : i32
        %dma_start3A_72 = tpu.memref_slice %arg6[%arg0, %dma_start3A_70, %dma_start3A_71] : memref<2x10000x64xf32, #tpu.memory_space<hbm>> -> memref<1x16x64xf32, #tpu.memory_space<hbm>>
        %dma_start3A_73 = tpu.memref_squeeze %dma_start3A_72 : memref<1x16x64xf32, #tpu.memory_space<hbm>> -> memref<16x64xf32, #tpu.memory_space<hbm>>
        %dma_start3A_74 = arith.constant 9984 : i32
        %dma_start3A_75 = arith.constant 0 : i32
        %dma_start3A_76 = tpu.memref_slice %arg9[%dma_start3A_74, %dma_start3A_75] : memref<10000x64xf32, #tpu.memory_space<vmem_shared>> -> memref<16x64xf32, #tpu.memory_space<vmem_shared>>
        tpu.enqueue_dma source(%dma_start3A_76 : memref<16x64xf32, #tpu.memory_space<vmem_shared>>) target(%dma_start3A_73 : memref<16x64xf32, #tpu.memory_space<hbm>>) target_semaphore(%run_scoped3A : memref<!tpu.dma_semaphore, #tpu.memory_space<semaphore_mem>>)
        %dma_wait3A_77 = arith.constant 9984 : i32
        %dma_wait3A_78 = arith.constant 0 : i32
        %dma_wait3A_79 = tpu.memref_slice %arg6[%arg0, %dma_wait3A_77, %dma_wait3A_78] : memref<2x10000x64xf32, #tpu.memory_space<hbm>> -> memref<1x16x64xf32, #tpu.memory_space<hbm>>
        %dma_wait3A_80 = tpu.memref_squeeze %dma_wait3A_79 : memref<1x16x64xf32, #tpu.memory_space<hbm>> -> memref<16x64xf32, #tpu.memory_space<hbm>>
        %dma_wait3A_81 = arith.constant 9984 : i32
        %dma_wait3A_82 = arith.constant 0 : i32
        %dma_wait3A_83 = tpu.memref_slice %arg9[%dma_wait3A_81, %dma_wait3A_82] : memref<10000x64xf32, #tpu.memory_space<vmem_shared>> -> memref<16x64xf32, #tpu.memory_space<vmem_shared>>
        tpu.wait_dma2 semaphore(%run_scoped3A : memref<!tpu.dma_semaphore, #tpu.memory_space<semaphore_mem>>) src(%dma_wait3A_83 : memref<16x64xf32, #tpu.memory_space<vmem_shared>>) dst(%dma_wait3A_80 : memref<16x64xf32, #tpu.memory_space<hbm>>)
        tpu.yield
      }) : () -> ()
    } else {
    }
    return
  }
}

#map = affine_map<(d0, d1) -> (0, 0)>
#map1 = affine_map<(d0, d1) -> (0, 0, 0)>
module attributes {stable_mosaic.version = 14 : i64} {
  func.func @agg(%arg0: i32, %arg1: i32, %arg2: memref<10000x128xf32, #tpu.memory_space<hbm>>, %arg3: memref<32x250x40xi32, #tpu.memory_space<hbm>>, %arg4: memref<32x250x40xi32, #tpu.memory_space<hbm>>, %arg5: memref<10000x128xf32, #tpu.memory_space<hbm>>, %arg6: memref<10000x8xf32, #tpu.memory_space<hbm>>, %arg7: memref<40x8xf32, #tpu.memory_space<hbm>>, %arg8: memref<2x10000x128xf32, #tpu.memory_space<hbm>>, %arg9: memref<2x10000x8xf32, #tpu.memory_space<hbm>>, %arg10: memref<250x40xi32, #tpu.memory_space<vmem>>, %arg11: memref<250x40xi32, #tpu.memory_space<vmem>>, %arg12: memref<10000x128xf32, #tpu.memory_space<vmem_shared>>, %arg13: memref<40x128xf32, #tpu.memory_space<vmem>>, %arg14: memref<40x128xf32, #tpu.memory_space<vmem>>, %arg15: memref<40x128xf32, #tpu.memory_space<vmem>>, %arg16: memref<40x128xf32, #tpu.memory_space<vmem>>, %arg17: memref<!tpu.dma_semaphore, #tpu.memory_space<semaphore_mem>>, %arg18: memref<!tpu.dma_semaphore, #tpu.memory_space<semaphore_mem>>, %arg19: memref<!tpu.dma_semaphore, #tpu.memory_space<semaphore_mem>>, %arg20: memref<!tpu.dma_semaphore, #tpu.memory_space<semaphore_mem>>, %arg21: memref<!tpu.dma_semaphore, #tpu.memory_space<semaphore_mem>>, %arg22: memref<!tpu.dma_semaphore, #tpu.memory_space<semaphore_mem>>, %arg23: memref<!tpu.dma_semaphore, #tpu.memory_space<semaphore_mem>>, %arg24: memref<!tpu.dma_semaphore, #tpu.memory_space<semaphore_mem>>, %arg25: memref<40x8xf32, #tpu.memory_space<vmem>>, %arg26: memref<10000x8xf32, #tpu.memory_space<vmem_shared>>) attributes {dimension_semantics = [#tpu.dimension_semantics<core_parallel>, #tpu.dimension_semantics<subcore_parallel>], iteration_bounds = array<i64: 2, 16>, scalar_prefetch = 0 : i64, scratch_operands = 17 : i64, tpu.core_type = #tpu.core_type<sc_vector_subcore>, window_params = [{transform_indices = #map}, {transform_indices = #map1}, {transform_indices = #map1}, {transform_indices = #map}, {transform_indices = #map}, {transform_indices = #map}, {transform_indices = #map1}, {transform_indices = #map1}]} {
    %mul3A = arith.constant 624 : i32
    %mul3A_0 = arith.muli %arg1, %mul3A : i32
    %mul3A_1 = arith.constant 16 : i32
    %mul3A_2 = arith.muli %arg0, %mul3A_1 : i32
    %add3A = arith.addi %mul3A_2, %arg1 : i32
    "tpu.region"() ({
      %run_scoped3A_81 = tpu.sem_alloc : memref<!tpu.dma_semaphore, #tpu.memory_space<semaphore_mem>>
      %dma_start3A_82 = arith.constant 0 : i32
      %dma_start3A_83 = arith.constant 0 : i32
      %dma_start3A_84 = tpu.memref_slice %arg3[%add3A, %dma_start3A_82, %dma_start3A_83] : memref<32x250x40xi32, #tpu.memory_space<hbm>> -> memref<1x250x40xi32, #tpu.memory_space<hbm>>
      %dma_start3A_85 = tpu.memref_squeeze %dma_start3A_84 : memref<1x250x40xi32, #tpu.memory_space<hbm>> -> memref<250x40xi32, #tpu.memory_space<hbm>>
      %dma_start3A_86 = arith.constant 0 : i32
      %dma_start3A_87 = arith.constant 0 : i32
      %dma_start3A_88 = tpu.memref_slice %arg3[%add3A, %dma_start3A_86, %dma_start3A_87] : memref<32x250x40xi32, #tpu.memory_space<hbm>> -> memref<1x250x40xi32, #tpu.memory_space<hbm>>
      %dma_start3A_89 = tpu.memref_squeeze %dma_start3A_88 : memref<1x250x40xi32, #tpu.memory_space<hbm>> -> memref<250x40xi32, #tpu.memory_space<hbm>>
      tpu.enqueue_dma source(%dma_start3A_89 : memref<250x40xi32, #tpu.memory_space<hbm>>) target(%arg10 : memref<250x40xi32, #tpu.memory_space<vmem>>) target_semaphore(%run_scoped3A_81 : memref<!tpu.dma_semaphore, #tpu.memory_space<semaphore_mem>>)
      %dma_wait3A_90 = arith.constant 0 : i32
      %dma_wait3A_91 = arith.constant 0 : i32
      %dma_wait3A_92 = tpu.memref_slice %arg3[%add3A, %dma_wait3A_90, %dma_wait3A_91] : memref<32x250x40xi32, #tpu.memory_space<hbm>> -> memref<1x250x40xi32, #tpu.memory_space<hbm>>
      %dma_wait3A_93 = tpu.memref_squeeze %dma_wait3A_92 : memref<1x250x40xi32, #tpu.memory_space<hbm>> -> memref<250x40xi32, #tpu.memory_space<hbm>>
      %dma_wait3A_94 = arith.constant 0 : i32
      %dma_wait3A_95 = arith.constant 0 : i32
      %dma_wait3A_96 = tpu.memref_slice %arg3[%add3A, %dma_wait3A_94, %dma_wait3A_95] : memref<32x250x40xi32, #tpu.memory_space<hbm>> -> memref<1x250x40xi32, #tpu.memory_space<hbm>>
      %dma_wait3A_97 = tpu.memref_squeeze %dma_wait3A_96 : memref<1x250x40xi32, #tpu.memory_space<hbm>> -> memref<250x40xi32, #tpu.memory_space<hbm>>
      tpu.wait_dma2 semaphore(%run_scoped3A_81 : memref<!tpu.dma_semaphore, #tpu.memory_space<semaphore_mem>>) src(%dma_wait3A_97 : memref<250x40xi32, #tpu.memory_space<hbm>>) dst(%arg10 : memref<250x40xi32, #tpu.memory_space<vmem>>)
      tpu.yield
    }) : () -> ()
    "tpu.region"() ({
      %run_scoped3A_81 = tpu.sem_alloc : memref<!tpu.dma_semaphore, #tpu.memory_space<semaphore_mem>>
      %dma_start3A_82 = arith.constant 0 : i32
      %dma_start3A_83 = arith.constant 0 : i32
      %dma_start3A_84 = tpu.memref_slice %arg4[%add3A, %dma_start3A_82, %dma_start3A_83] : memref<32x250x40xi32, #tpu.memory_space<hbm>> -> memref<1x250x40xi32, #tpu.memory_space<hbm>>
      %dma_start3A_85 = tpu.memref_squeeze %dma_start3A_84 : memref<1x250x40xi32, #tpu.memory_space<hbm>> -> memref<250x40xi32, #tpu.memory_space<hbm>>
      %dma_start3A_86 = arith.constant 0 : i32
      %dma_start3A_87 = arith.constant 0 : i32
      %dma_start3A_88 = tpu.memref_slice %arg4[%add3A, %dma_start3A_86, %dma_start3A_87] : memref<32x250x40xi32, #tpu.memory_space<hbm>> -> memref<1x250x40xi32, #tpu.memory_space<hbm>>
      %dma_start3A_89 = tpu.memref_squeeze %dma_start3A_88 : memref<1x250x40xi32, #tpu.memory_space<hbm>> -> memref<250x40xi32, #tpu.memory_space<hbm>>
      tpu.enqueue_dma source(%dma_start3A_89 : memref<250x40xi32, #tpu.memory_space<hbm>>) target(%arg11 : memref<250x40xi32, #tpu.memory_space<vmem>>) target_semaphore(%run_scoped3A_81 : memref<!tpu.dma_semaphore, #tpu.memory_space<semaphore_mem>>)
      %dma_wait3A_90 = arith.constant 0 : i32
      %dma_wait3A_91 = arith.constant 0 : i32
      %dma_wait3A_92 = tpu.memref_slice %arg4[%add3A, %dma_wait3A_90, %dma_wait3A_91] : memref<32x250x40xi32, #tpu.memory_space<hbm>> -> memref<1x250x40xi32, #tpu.memory_space<hbm>>
      %dma_wait3A_93 = tpu.memref_squeeze %dma_wait3A_92 : memref<1x250x40xi32, #tpu.memory_space<hbm>> -> memref<250x40xi32, #tpu.memory_space<hbm>>
      %dma_wait3A_94 = arith.constant 0 : i32
      %dma_wait3A_95 = arith.constant 0 : i32
      %dma_wait3A_96 = tpu.memref_slice %arg4[%add3A, %dma_wait3A_94, %dma_wait3A_95] : memref<32x250x40xi32, #tpu.memory_space<hbm>> -> memref<1x250x40xi32, #tpu.memory_space<hbm>>
      %dma_wait3A_97 = tpu.memref_squeeze %dma_wait3A_96 : memref<1x250x40xi32, #tpu.memory_space<hbm>> -> memref<250x40xi32, #tpu.memory_space<hbm>>
      tpu.wait_dma2 semaphore(%run_scoped3A_81 : memref<!tpu.dma_semaphore, #tpu.memory_space<semaphore_mem>>) src(%dma_wait3A_97 : memref<250x40xi32, #tpu.memory_space<hbm>>) dst(%arg11 : memref<250x40xi32, #tpu.memory_space<vmem>>)
      tpu.yield
    }) : () -> ()
    "tpu.region"() ({
      %run_scoped3A_81 = tpu.sem_alloc : memref<!tpu.dma_semaphore, #tpu.memory_space<semaphore_mem>>
      %dma_start3A_82 = arith.constant 0 : i32
      %dma_start3A_83 = tpu.memref_slice %arg26[%mul3A_0, %dma_start3A_82] : memref<10000x8xf32, #tpu.memory_space<vmem_shared>> -> memref<624x8xf32, #tpu.memory_space<vmem_shared>>
      %dma_start3A_84 = arith.constant 0 : i32
      %dma_start3A_85 = tpu.memref_slice %arg6[%mul3A_0, %dma_start3A_84] : memref<10000x8xf32, #tpu.memory_space<hbm>> -> memref<624x8xf32, #tpu.memory_space<hbm>>
      tpu.enqueue_dma source(%dma_start3A_85 : memref<624x8xf32, #tpu.memory_space<hbm>>) target(%dma_start3A_83 : memref<624x8xf32, #tpu.memory_space<vmem_shared>>) target_semaphore(%run_scoped3A_81 : memref<!tpu.dma_semaphore, #tpu.memory_space<semaphore_mem>>)
      %dma_wait3A_86 = arith.constant 0 : i32
      %dma_wait3A_87 = tpu.memref_slice %arg26[%mul3A_0, %dma_wait3A_86] : memref<10000x8xf32, #tpu.memory_space<vmem_shared>> -> memref<624x8xf32, #tpu.memory_space<vmem_shared>>
      %dma_wait3A_88 = arith.constant 0 : i32
      %dma_wait3A_89 = tpu.memref_slice %arg6[%mul3A_0, %dma_wait3A_88] : memref<10000x8xf32, #tpu.memory_space<hbm>> -> memref<624x8xf32, #tpu.memory_space<hbm>>
      tpu.wait_dma2 semaphore(%run_scoped3A_81 : memref<!tpu.dma_semaphore, #tpu.memory_space<semaphore_mem>>) src(%dma_wait3A_89 : memref<624x8xf32, #tpu.memory_space<hbm>>) dst(%dma_wait3A_87 : memref<624x8xf32, #tpu.memory_space<vmem_shared>>)
      tpu.yield
    }) : () -> ()
    %eq3A = arith.constant 0 : i32
    %eq3A_3 = arith.cmpi eq, %arg1, %eq3A : i32
    %convert_element_type3A = arith.extui %eq3A_3 : i1 to i32
    %cond3A = arith.constant 0 : i32
    %cond3A_4 = arith.cmpi ne, %convert_element_type3A, %cond3A : i32
    scf.if %cond3A_4 {
      "tpu.region"() ({
        %run_scoped3A_81 = tpu.sem_alloc : memref<!tpu.dma_semaphore, #tpu.memory_space<semaphore_mem>>
        %dma_start3A_82 = arith.constant 9984 : i32
        %dma_start3A_83 = arith.constant 0 : i32
        %dma_start3A_84 = tpu.memref_slice %arg26[%dma_start3A_82, %dma_start3A_83] : memref<10000x8xf32, #tpu.memory_space<vmem_shared>> -> memref<16x8xf32, #tpu.memory_space<vmem_shared>>
        %dma_start3A_85 = arith.constant 9984 : i32
        %dma_start3A_86 = arith.constant 0 : i32
        %dma_start3A_87 = tpu.memref_slice %arg6[%dma_start3A_85, %dma_start3A_86] : memref<10000x8xf32, #tpu.memory_space<hbm>> -> memref<16x8xf32, #tpu.memory_space<hbm>>
        tpu.enqueue_dma source(%dma_start3A_87 : memref<16x8xf32, #tpu.memory_space<hbm>>) target(%dma_start3A_84 : memref<16x8xf32, #tpu.memory_space<vmem_shared>>) target_semaphore(%run_scoped3A_81 : memref<!tpu.dma_semaphore, #tpu.memory_space<semaphore_mem>>)
        %dma_wait3A_88 = arith.constant 9984 : i32
        %dma_wait3A_89 = arith.constant 0 : i32
        %dma_wait3A_90 = tpu.memref_slice %arg26[%dma_wait3A_88, %dma_wait3A_89] : memref<10000x8xf32, #tpu.memory_space<vmem_shared>> -> memref<16x8xf32, #tpu.memory_space<vmem_shared>>
        %dma_wait3A_91 = arith.constant 9984 : i32
        %dma_wait3A_92 = arith.constant 0 : i32
        %dma_wait3A_93 = tpu.memref_slice %arg6[%dma_wait3A_91, %dma_wait3A_92] : memref<10000x8xf32, #tpu.memory_space<hbm>> -> memref<16x8xf32, #tpu.memory_space<hbm>>
        tpu.wait_dma2 semaphore(%run_scoped3A_81 : memref<!tpu.dma_semaphore, #tpu.memory_space<semaphore_mem>>) src(%dma_wait3A_93 : memref<16x8xf32, #tpu.memory_space<hbm>>) dst(%dma_wait3A_90 : memref<16x8xf32, #tpu.memory_space<vmem_shared>>)
        tpu.yield
      }) : () -> ()
    } else {
    }
    "tpu.region"() ({
      %run_scoped3A_81 = tpu.sem_alloc : memref<!tpu.dma_semaphore, #tpu.memory_space<semaphore_mem>>
      tpu.enqueue_dma source(%arg7 : memref<40x8xf32, #tpu.memory_space<hbm>>) target(%arg25 : memref<40x8xf32, #tpu.memory_space<vmem>>) target_semaphore(%run_scoped3A_81 : memref<!tpu.dma_semaphore, #tpu.memory_space<semaphore_mem>>)
      tpu.wait_dma2 semaphore(%run_scoped3A_81 : memref<!tpu.dma_semaphore, #tpu.memory_space<semaphore_mem>>) src(%arg7 : memref<40x8xf32, #tpu.memory_space<hbm>>) dst(%arg25 : memref<40x8xf32, #tpu.memory_space<vmem>>)
      tpu.yield
    }) : () -> ()
    "tpu.region"() ({
      %run_scoped3A_81 = tpu.sem_alloc : memref<!tpu.dma_semaphore, #tpu.memory_space<semaphore_mem>>
      %dma_start3A_82 = arith.constant 0 : i32
      %dma_start3A_83 = tpu.memref_slice %arg12[%mul3A_0, %dma_start3A_82] : memref<10000x128xf32, #tpu.memory_space<vmem_shared>> -> memref<624x128xf32, #tpu.memory_space<vmem_shared>>
      %dma_start3A_84 = arith.constant 0 : i32
      %dma_start3A_85 = tpu.memref_slice %arg5[%mul3A_0, %dma_start3A_84] : memref<10000x128xf32, #tpu.memory_space<hbm>> -> memref<624x128xf32, #tpu.memory_space<hbm>>
      tpu.enqueue_dma source(%dma_start3A_85 : memref<624x128xf32, #tpu.memory_space<hbm>>) target(%dma_start3A_83 : memref<624x128xf32, #tpu.memory_space<vmem_shared>>) target_semaphore(%run_scoped3A_81 : memref<!tpu.dma_semaphore, #tpu.memory_space<semaphore_mem>>)
      %dma_wait3A_86 = arith.constant 0 : i32
      %dma_wait3A_87 = tpu.memref_slice %arg12[%mul3A_0, %dma_wait3A_86] : memref<10000x128xf32, #tpu.memory_space<vmem_shared>> -> memref<624x128xf32, #tpu.memory_space<vmem_shared>>
      %dma_wait3A_88 = arith.constant 0 : i32
      %dma_wait3A_89 = tpu.memref_slice %arg5[%mul3A_0, %dma_wait3A_88] : memref<10000x128xf32, #tpu.memory_space<hbm>> -> memref<624x128xf32, #tpu.memory_space<hbm>>
      tpu.wait_dma2 semaphore(%run_scoped3A_81 : memref<!tpu.dma_semaphore, #tpu.memory_space<semaphore_mem>>) src(%dma_wait3A_89 : memref<624x128xf32, #tpu.memory_space<hbm>>) dst(%dma_wait3A_87 : memref<624x128xf32, #tpu.memory_space<vmem_shared>>)
      tpu.yield
    }) : () -> ()
    %eq3A_5 = arith.constant 0 : i32
    %eq3A_6 = arith.cmpi eq, %arg1, %eq3A_5 : i32
    %convert_element_type3A_7 = arith.extui %eq3A_6 : i1 to i32
    %cond3A_8 = arith.constant 0 : i32
    %cond3A_9 = arith.cmpi ne, %convert_element_type3A_7, %cond3A_8 : i32
    scf.if %cond3A_9 {
      "tpu.region"() ({
        %run_scoped3A_81 = tpu.sem_alloc : memref<!tpu.dma_semaphore, #tpu.memory_space<semaphore_mem>>
        %dma_start3A_82 = arith.constant 9984 : i32
        %dma_start3A_83 = arith.constant 0 : i32
        %dma_start3A_84 = tpu.memref_slice %arg12[%dma_start3A_82, %dma_start3A_83] : memref<10000x128xf32, #tpu.memory_space<vmem_shared>> -> memref<16x128xf32, #tpu.memory_space<vmem_shared>>
        %dma_start3A_85 = arith.constant 9984 : i32
        %dma_start3A_86 = arith.constant 0 : i32
        %dma_start3A_87 = tpu.memref_slice %arg5[%dma_start3A_85, %dma_start3A_86] : memref<10000x128xf32, #tpu.memory_space<hbm>> -> memref<16x128xf32, #tpu.memory_space<hbm>>
        tpu.enqueue_dma source(%dma_start3A_87 : memref<16x128xf32, #tpu.memory_space<hbm>>) target(%dma_start3A_84 : memref<16x128xf32, #tpu.memory_space<vmem_shared>>) target_semaphore(%run_scoped3A_81 : memref<!tpu.dma_semaphore, #tpu.memory_space<semaphore_mem>>)
        %dma_wait3A_88 = arith.constant 9984 : i32
        %dma_wait3A_89 = arith.constant 0 : i32
        %dma_wait3A_90 = tpu.memref_slice %arg12[%dma_wait3A_88, %dma_wait3A_89] : memref<10000x128xf32, #tpu.memory_space<vmem_shared>> -> memref<16x128xf32, #tpu.memory_space<vmem_shared>>
        %dma_wait3A_91 = arith.constant 9984 : i32
        %dma_wait3A_92 = arith.constant 0 : i32
        %dma_wait3A_93 = tpu.memref_slice %arg5[%dma_wait3A_91, %dma_wait3A_92] : memref<10000x128xf32, #tpu.memory_space<hbm>> -> memref<16x128xf32, #tpu.memory_space<hbm>>
        tpu.wait_dma2 semaphore(%run_scoped3A_81 : memref<!tpu.dma_semaphore, #tpu.memory_space<semaphore_mem>>) src(%dma_wait3A_93 : memref<16x128xf32, #tpu.memory_space<hbm>>) dst(%dma_wait3A_90 : memref<16x128xf32, #tpu.memory_space<vmem_shared>>)
        tpu.yield
      }) : () -> ()
    } else {
    }
    %barrier3A = arith.constant 0 : index
    tpu.barrier barrier_id(%barrier3A)
    %scan3A = arith.constant 0 : i32
    %scan3A_10 = arith.constant 0 : i32
    %scan3A_11 = arith.constant 62 : i32
    %scan3A_12 = arith.addi %scan3A_10, %scan3A_11 : i32
    %scan3A_13 = arith.constant 1 : i32
    scf.for %scan3A_81 = %scan3A_10 to %scan3A_12 step %scan3A_13  : i32 {
      %mul3A_82 = arith.constant 4 : i32
      %mul3A_83 = arith.muli %scan3A_81, %mul3A_82 : i32
      %add3A_84 = arith.constant 0 : i32
      %add3A_85 = arith.addi %mul3A_83, %add3A_84 : i32
      %dma_start3A_86 = arith.constant 0 : i32
      %dma_start3A_87 = tpu.memref_slice %arg10[%add3A_85, %dma_start3A_86] : memref<250x40xi32, #tpu.memory_space<vmem>> -> memref<1x40xi32, #tpu.memory_space<vmem>>
      %dma_start3A_88 = tpu.memref_squeeze %dma_start3A_87 : memref<1x40xi32, #tpu.memory_space<vmem>> -> memref<40xi32, #tpu.memory_space<vmem>>
      %dma_start3A_89 = arith.constant 0 : i32
      %dma_start3A_90 = arith.constant 0 : i32
      %dma_start3A_91 = tpu.memref_slice %arg2[%dma_start3A_89, %dma_start3A_90] : memref<10000x128xf32, #tpu.memory_space<hbm>> -> memref<10000x128xf32, #tpu.memory_space<hbm>>
      tpu.enqueue_indirect_dma source(%dma_start3A_91 : memref<10000x128xf32, #tpu.memory_space<hbm>>) target(%arg13 : memref<40x128xf32, #tpu.memory_space<vmem>>) offsets(%dma_start3A_88 : memref<40xi32, #tpu.memory_space<vmem>>) semaphore(%arg17 : memref<!tpu.dma_semaphore, #tpu.memory_space<semaphore_mem>>)
      %add3A_92 = arith.constant 1 : i32
      %add3A_93 = arith.addi %mul3A_83, %add3A_92 : i32
      %dma_start3A_94 = arith.constant 0 : i32
      %dma_start3A_95 = tpu.memref_slice %arg10[%add3A_93, %dma_start3A_94] : memref<250x40xi32, #tpu.memory_space<vmem>> -> memref<1x40xi32, #tpu.memory_space<vmem>>
      %dma_start3A_96 = tpu.memref_squeeze %dma_start3A_95 : memref<1x40xi32, #tpu.memory_space<vmem>> -> memref<40xi32, #tpu.memory_space<vmem>>
      %dma_start3A_97 = arith.constant 0 : i32
      %dma_start3A_98 = arith.constant 0 : i32
      %dma_start3A_99 = tpu.memref_slice %arg2[%dma_start3A_97, %dma_start3A_98] : memref<10000x128xf32, #tpu.memory_space<hbm>> -> memref<10000x128xf32, #tpu.memory_space<hbm>>
      tpu.enqueue_indirect_dma source(%dma_start3A_99 : memref<10000x128xf32, #tpu.memory_space<hbm>>) target(%arg14 : memref<40x128xf32, #tpu.memory_space<vmem>>) offsets(%dma_start3A_96 : memref<40xi32, #tpu.memory_space<vmem>>) semaphore(%arg18 : memref<!tpu.dma_semaphore, #tpu.memory_space<semaphore_mem>>)
      %add3A_100 = arith.constant 2 : i32
      %add3A_101 = arith.addi %mul3A_83, %add3A_100 : i32
      %dma_start3A_102 = arith.constant 0 : i32
      %dma_start3A_103 = tpu.memref_slice %arg10[%add3A_101, %dma_start3A_102] : memref<250x40xi32, #tpu.memory_space<vmem>> -> memref<1x40xi32, #tpu.memory_space<vmem>>
      %dma_start3A_104 = tpu.memref_squeeze %dma_start3A_103 : memref<1x40xi32, #tpu.memory_space<vmem>> -> memref<40xi32, #tpu.memory_space<vmem>>
      %dma_start3A_105 = arith.constant 0 : i32
      %dma_start3A_106 = arith.constant 0 : i32
      %dma_start3A_107 = tpu.memref_slice %arg2[%dma_start3A_105, %dma_start3A_106] : memref<10000x128xf32, #tpu.memory_space<hbm>> -> memref<10000x128xf32, #tpu.memory_space<hbm>>
      tpu.enqueue_indirect_dma source(%dma_start3A_107 : memref<10000x128xf32, #tpu.memory_space<hbm>>) target(%arg15 : memref<40x128xf32, #tpu.memory_space<vmem>>) offsets(%dma_start3A_104 : memref<40xi32, #tpu.memory_space<vmem>>) semaphore(%arg19 : memref<!tpu.dma_semaphore, #tpu.memory_space<semaphore_mem>>)
      %add3A_108 = arith.constant 3 : i32
      %add3A_109 = arith.addi %mul3A_83, %add3A_108 : i32
      %dma_start3A_110 = arith.constant 0 : i32
      %dma_start3A_111 = tpu.memref_slice %arg10[%add3A_109, %dma_start3A_110] : memref<250x40xi32, #tpu.memory_space<vmem>> -> memref<1x40xi32, #tpu.memory_space<vmem>>
      %dma_start3A_112 = tpu.memref_squeeze %dma_start3A_111 : memref<1x40xi32, #tpu.memory_space<vmem>> -> memref<40xi32, #tpu.memory_space<vmem>>
      %dma_start3A_113 = arith.constant 0 : i32
      %dma_start3A_114 = arith.constant 0 : i32
      %dma_start3A_115 = tpu.memref_slice %arg2[%dma_start3A_113, %dma_start3A_114] : memref<10000x128xf32, #tpu.memory_space<hbm>> -> memref<10000x128xf32, #tpu.memory_space<hbm>>
      tpu.enqueue_indirect_dma source(%dma_start3A_115 : memref<10000x128xf32, #tpu.memory_space<hbm>>) target(%arg16 : memref<40x128xf32, #tpu.memory_space<vmem>>) offsets(%dma_start3A_112 : memref<40xi32, #tpu.memory_space<vmem>>) semaphore(%arg20 : memref<!tpu.dma_semaphore, #tpu.memory_space<semaphore_mem>>)
      %dma_wait3A_116 = arith.constant 0 : i32
      %dma_wait3A_117 = tpu.memref_slice %arg10[%add3A_85, %dma_wait3A_116] : memref<250x40xi32, #tpu.memory_space<vmem>> -> memref<1x40xi32, #tpu.memory_space<vmem>>
      %dma_wait3A_118 = tpu.memref_squeeze %dma_wait3A_117 : memref<1x40xi32, #tpu.memory_space<vmem>> -> memref<40xi32, #tpu.memory_space<vmem>>
      %dma_wait3A_119 = arith.constant 0 : i32
      %dma_wait3A_120 = arith.constant 0 : i32
      %dma_wait3A_121 = tpu.memref_slice %arg2[%dma_wait3A_119, %dma_wait3A_120] : memref<10000x128xf32, #tpu.memory_space<hbm>> -> memref<10000x128xf32, #tpu.memory_space<hbm>>
      tpu.wait_indirect_dma semaphore(%arg17 : memref<!tpu.dma_semaphore, #tpu.memory_space<semaphore_mem>>) src(%dma_wait3A_121 : memref<10000x128xf32, #tpu.memory_space<hbm>>) dst(%arg13 : memref<40x128xf32, #tpu.memory_space<vmem>>)
      %add3A_122 = arith.constant 0 : i32
      %add3A_123 = arith.addi %mul3A_83, %add3A_122 : i32
      %dma_start3A_124 = arith.constant 0 : i32
      %dma_start3A_125 = tpu.memref_slice %arg11[%add3A_123, %dma_start3A_124] : memref<250x40xi32, #tpu.memory_space<vmem>> -> memref<1x40xi32, #tpu.memory_space<vmem>>
      %dma_start3A_126 = tpu.memref_squeeze %dma_start3A_125 : memref<1x40xi32, #tpu.memory_space<vmem>> -> memref<40xi32, #tpu.memory_space<vmem>>
      %dma_start3A_127 = arith.constant 0 : i32
      %dma_start3A_128 = arith.constant 0 : i32
      %dma_start3A_129 = tpu.memref_slice %arg12[%dma_start3A_127, %dma_start3A_128] : memref<10000x128xf32, #tpu.memory_space<vmem_shared>> -> memref<10000x128xf32, #tpu.memory_space<vmem_shared>>
      tpu.enqueue_indirect_dma source(%arg13 : memref<40x128xf32, #tpu.memory_space<vmem>>) target(%dma_start3A_129 : memref<10000x128xf32, #tpu.memory_space<vmem_shared>>) offsets(%dma_start3A_126 : memref<40xi32, #tpu.memory_space<vmem>>) semaphore(%arg21 : memref<!tpu.dma_semaphore, #tpu.memory_space<semaphore_mem>>) {add = true}
      %add3A_130 = arith.constant 0 : i32
      %add3A_131 = arith.addi %mul3A_83, %add3A_130 : i32
      "tpu.region"() ({
        %run_scoped3A_204 = tpu.sem_alloc : memref<!tpu.dma_semaphore, #tpu.memory_space<semaphore_mem>>
        %dma_start3A_205 = arith.constant 0 : i32
        %dma_start3A_206 = tpu.memref_slice %arg11[%add3A_131, %dma_start3A_205] : memref<250x40xi32, #tpu.memory_space<vmem>> -> memref<1x40xi32, #tpu.memory_space<vmem>>
        %dma_start3A_207 = tpu.memref_squeeze %dma_start3A_206 : memref<1x40xi32, #tpu.memory_space<vmem>> -> memref<40xi32, #tpu.memory_space<vmem>>
        %dma_start3A_208 = arith.constant 0 : i32
        %dma_start3A_209 = arith.constant 0 : i32
        %dma_start3A_210 = tpu.memref_slice %arg26[%dma_start3A_208, %dma_start3A_209] : memref<10000x8xf32, #tpu.memory_space<vmem_shared>> -> memref<10000x8xf32, #tpu.memory_space<vmem_shared>>
        tpu.enqueue_indirect_dma source(%arg25 : memref<40x8xf32, #tpu.memory_space<vmem>>) target(%dma_start3A_210 : memref<10000x8xf32, #tpu.memory_space<vmem_shared>>) offsets(%dma_start3A_207 : memref<40xi32, #tpu.memory_space<vmem>>) semaphore(%run_scoped3A_204 : memref<!tpu.dma_semaphore, #tpu.memory_space<semaphore_mem>>) {add = true}
        %dma_wait3A_211 = arith.constant 0 : i32
        %dma_wait3A_212 = tpu.memref_slice %arg11[%add3A_131, %dma_wait3A_211] : memref<250x40xi32, #tpu.memory_space<vmem>> -> memref<1x40xi32, #tpu.memory_space<vmem>>
        %dma_wait3A_213 = tpu.memref_squeeze %dma_wait3A_212 : memref<1x40xi32, #tpu.memory_space<vmem>> -> memref<40xi32, #tpu.memory_space<vmem>>
        %dma_wait3A_214 = arith.constant 0 : i32
        %dma_wait3A_215 = arith.constant 0 : i32
        %dma_wait3A_216 = tpu.memref_slice %arg26[%dma_wait3A_214, %dma_wait3A_215] : memref<10000x8xf32, #tpu.memory_space<vmem_shared>> -> memref<10000x8xf32, #tpu.memory_space<vmem_shared>>
        tpu.wait_indirect_dma semaphore(%run_scoped3A_204 : memref<!tpu.dma_semaphore, #tpu.memory_space<semaphore_mem>>) src(%arg25 : memref<40x8xf32, #tpu.memory_space<vmem>>) dst(%dma_wait3A_216 : memref<10000x8xf32, #tpu.memory_space<vmem_shared>>)
        tpu.yield
      }) : () -> ()
      %dma_wait3A_132 = arith.constant 0 : i32
      %dma_wait3A_133 = tpu.memref_slice %arg10[%add3A_93, %dma_wait3A_132] : memref<250x40xi32, #tpu.memory_space<vmem>> -> memref<1x40xi32, #tpu.memory_space<vmem>>
      %dma_wait3A_134 = tpu.memref_squeeze %dma_wait3A_133 : memref<1x40xi32, #tpu.memory_space<vmem>> -> memref<40xi32, #tpu.memory_space<vmem>>
      %dma_wait3A_135 = arith.constant 0 : i32
      %dma_wait3A_136 = arith.constant 0 : i32
      %dma_wait3A_137 = tpu.memref_slice %arg2[%dma_wait3A_135, %dma_wait3A_136] : memref<10000x128xf32, #tpu.memory_space<hbm>> -> memref<10000x128xf32, #tpu.memory_space<hbm>>
      tpu.wait_indirect_dma semaphore(%arg18 : memref<!tpu.dma_semaphore, #tpu.memory_space<semaphore_mem>>) src(%dma_wait3A_137 : memref<10000x128xf32, #tpu.memory_space<hbm>>) dst(%arg14 : memref<40x128xf32, #tpu.memory_space<vmem>>)
      %add3A_138 = arith.constant 1 : i32
      %add3A_139 = arith.addi %mul3A_83, %add3A_138 : i32
      %dma_start3A_140 = arith.constant 0 : i32
      %dma_start3A_141 = tpu.memref_slice %arg11[%add3A_139, %dma_start3A_140] : memref<250x40xi32, #tpu.memory_space<vmem>> -> memref<1x40xi32, #tpu.memory_space<vmem>>
      %dma_start3A_142 = tpu.memref_squeeze %dma_start3A_141 : memref<1x40xi32, #tpu.memory_space<vmem>> -> memref<40xi32, #tpu.memory_space<vmem>>
      %dma_start3A_143 = arith.constant 0 : i32
      %dma_start3A_144 = arith.constant 0 : i32
      %dma_start3A_145 = tpu.memref_slice %arg12[%dma_start3A_143, %dma_start3A_144] : memref<10000x128xf32, #tpu.memory_space<vmem_shared>> -> memref<10000x128xf32, #tpu.memory_space<vmem_shared>>
      tpu.enqueue_indirect_dma source(%arg14 : memref<40x128xf32, #tpu.memory_space<vmem>>) target(%dma_start3A_145 : memref<10000x128xf32, #tpu.memory_space<vmem_shared>>) offsets(%dma_start3A_142 : memref<40xi32, #tpu.memory_space<vmem>>) semaphore(%arg22 : memref<!tpu.dma_semaphore, #tpu.memory_space<semaphore_mem>>) {add = true}
      %add3A_146 = arith.constant 1 : i32
      %add3A_147 = arith.addi %mul3A_83, %add3A_146 : i32
      "tpu.region"() ({
        %run_scoped3A_204 = tpu.sem_alloc : memref<!tpu.dma_semaphore, #tpu.memory_space<semaphore_mem>>
        %dma_start3A_205 = arith.constant 0 : i32
        %dma_start3A_206 = tpu.memref_slice %arg11[%add3A_147, %dma_start3A_205] : memref<250x40xi32, #tpu.memory_space<vmem>> -> memref<1x40xi32, #tpu.memory_space<vmem>>
        %dma_start3A_207 = tpu.memref_squeeze %dma_start3A_206 : memref<1x40xi32, #tpu.memory_space<vmem>> -> memref<40xi32, #tpu.memory_space<vmem>>
        %dma_start3A_208 = arith.constant 0 : i32
        %dma_start3A_209 = arith.constant 0 : i32
        %dma_start3A_210 = tpu.memref_slice %arg26[%dma_start3A_208, %dma_start3A_209] : memref<10000x8xf32, #tpu.memory_space<vmem_shared>> -> memref<10000x8xf32, #tpu.memory_space<vmem_shared>>
        tpu.enqueue_indirect_dma source(%arg25 : memref<40x8xf32, #tpu.memory_space<vmem>>) target(%dma_start3A_210 : memref<10000x8xf32, #tpu.memory_space<vmem_shared>>) offsets(%dma_start3A_207 : memref<40xi32, #tpu.memory_space<vmem>>) semaphore(%run_scoped3A_204 : memref<!tpu.dma_semaphore, #tpu.memory_space<semaphore_mem>>) {add = true}
        %dma_wait3A_211 = arith.constant 0 : i32
        %dma_wait3A_212 = tpu.memref_slice %arg11[%add3A_147, %dma_wait3A_211] : memref<250x40xi32, #tpu.memory_space<vmem>> -> memref<1x40xi32, #tpu.memory_space<vmem>>
        %dma_wait3A_213 = tpu.memref_squeeze %dma_wait3A_212 : memref<1x40xi32, #tpu.memory_space<vmem>> -> memref<40xi32, #tpu.memory_space<vmem>>
        %dma_wait3A_214 = arith.constant 0 : i32
        %dma_wait3A_215 = arith.constant 0 : i32
        %dma_wait3A_216 = tpu.memref_slice %arg26[%dma_wait3A_214, %dma_wait3A_215] : memref<10000x8xf32, #tpu.memory_space<vmem_shared>> -> memref<10000x8xf32, #tpu.memory_space<vmem_shared>>
        tpu.wait_indirect_dma semaphore(%run_scoped3A_204 : memref<!tpu.dma_semaphore, #tpu.memory_space<semaphore_mem>>) src(%arg25 : memref<40x8xf32, #tpu.memory_space<vmem>>) dst(%dma_wait3A_216 : memref<10000x8xf32, #tpu.memory_space<vmem_shared>>)
        tpu.yield
      }) : () -> ()
      %dma_wait3A_148 = arith.constant 0 : i32
      %dma_wait3A_149 = tpu.memref_slice %arg10[%add3A_101, %dma_wait3A_148] : memref<250x40xi32, #tpu.memory_space<vmem>> -> memref<1x40xi32, #tpu.memory_space<vmem>>
      %dma_wait3A_150 = tpu.memref_squeeze %dma_wait3A_149 : memref<1x40xi32, #tpu.memory_space<vmem>> -> memref<40xi32, #tpu.memory_space<vmem>>
      %dma_wait3A_151 = arith.constant 0 : i32
      %dma_wait3A_152 = arith.constant 0 : i32
      %dma_wait3A_153 = tpu.memref_slice %arg2[%dma_wait3A_151, %dma_wait3A_152] : memref<10000x128xf32, #tpu.memory_space<hbm>> -> memref<10000x128xf32, #tpu.memory_space<hbm>>
      tpu.wait_indirect_dma semaphore(%arg19 : memref<!tpu.dma_semaphore, #tpu.memory_space<semaphore_mem>>) src(%dma_wait3A_153 : memref<10000x128xf32, #tpu.memory_space<hbm>>) dst(%arg15 : memref<40x128xf32, #tpu.memory_space<vmem>>)
      %add3A_154 = arith.constant 2 : i32
      %add3A_155 = arith.addi %mul3A_83, %add3A_154 : i32
      %dma_start3A_156 = arith.constant 0 : i32
      %dma_start3A_157 = tpu.memref_slice %arg11[%add3A_155, %dma_start3A_156] : memref<250x40xi32, #tpu.memory_space<vmem>> -> memref<1x40xi32, #tpu.memory_space<vmem>>
      %dma_start3A_158 = tpu.memref_squeeze %dma_start3A_157 : memref<1x40xi32, #tpu.memory_space<vmem>> -> memref<40xi32, #tpu.memory_space<vmem>>
      %dma_start3A_159 = arith.constant 0 : i32
      %dma_start3A_160 = arith.constant 0 : i32
      %dma_start3A_161 = tpu.memref_slice %arg12[%dma_start3A_159, %dma_start3A_160] : memref<10000x128xf32, #tpu.memory_space<vmem_shared>> -> memref<10000x128xf32, #tpu.memory_space<vmem_shared>>
      tpu.enqueue_indirect_dma source(%arg15 : memref<40x128xf32, #tpu.memory_space<vmem>>) target(%dma_start3A_161 : memref<10000x128xf32, #tpu.memory_space<vmem_shared>>) offsets(%dma_start3A_158 : memref<40xi32, #tpu.memory_space<vmem>>) semaphore(%arg23 : memref<!tpu.dma_semaphore, #tpu.memory_space<semaphore_mem>>) {add = true}
      %add3A_162 = arith.constant 2 : i32
      %add3A_163 = arith.addi %mul3A_83, %add3A_162 : i32
      "tpu.region"() ({
        %run_scoped3A_204 = tpu.sem_alloc : memref<!tpu.dma_semaphore, #tpu.memory_space<semaphore_mem>>
        %dma_start3A_205 = arith.constant 0 : i32
        %dma_start3A_206 = tpu.memref_slice %arg11[%add3A_163, %dma_start3A_205] : memref<250x40xi32, #tpu.memory_space<vmem>> -> memref<1x40xi32, #tpu.memory_space<vmem>>
        %dma_start3A_207 = tpu.memref_squeeze %dma_start3A_206 : memref<1x40xi32, #tpu.memory_space<vmem>> -> memref<40xi32, #tpu.memory_space<vmem>>
        %dma_start3A_208 = arith.constant 0 : i32
        %dma_start3A_209 = arith.constant 0 : i32
        %dma_start3A_210 = tpu.memref_slice %arg26[%dma_start3A_208, %dma_start3A_209] : memref<10000x8xf32, #tpu.memory_space<vmem_shared>> -> memref<10000x8xf32, #tpu.memory_space<vmem_shared>>
        tpu.enqueue_indirect_dma source(%arg25 : memref<40x8xf32, #tpu.memory_space<vmem>>) target(%dma_start3A_210 : memref<10000x8xf32, #tpu.memory_space<vmem_shared>>) offsets(%dma_start3A_207 : memref<40xi32, #tpu.memory_space<vmem>>) semaphore(%run_scoped3A_204 : memref<!tpu.dma_semaphore, #tpu.memory_space<semaphore_mem>>) {add = true}
        %dma_wait3A_211 = arith.constant 0 : i32
        %dma_wait3A_212 = tpu.memref_slice %arg11[%add3A_163, %dma_wait3A_211] : memref<250x40xi32, #tpu.memory_space<vmem>> -> memref<1x40xi32, #tpu.memory_space<vmem>>
        %dma_wait3A_213 = tpu.memref_squeeze %dma_wait3A_212 : memref<1x40xi32, #tpu.memory_space<vmem>> -> memref<40xi32, #tpu.memory_space<vmem>>
        %dma_wait3A_214 = arith.constant 0 : i32
        %dma_wait3A_215 = arith.constant 0 : i32
        %dma_wait3A_216 = tpu.memref_slice %arg26[%dma_wait3A_214, %dma_wait3A_215] : memref<10000x8xf32, #tpu.memory_space<vmem_shared>> -> memref<10000x8xf32, #tpu.memory_space<vmem_shared>>
        tpu.wait_indirect_dma semaphore(%run_scoped3A_204 : memref<!tpu.dma_semaphore, #tpu.memory_space<semaphore_mem>>) src(%arg25 : memref<40x8xf32, #tpu.memory_space<vmem>>) dst(%dma_wait3A_216 : memref<10000x8xf32, #tpu.memory_space<vmem_shared>>)
        tpu.yield
      }) : () -> ()
      %dma_wait3A_164 = arith.constant 0 : i32
      %dma_wait3A_165 = tpu.memref_slice %arg10[%add3A_109, %dma_wait3A_164] : memref<250x40xi32, #tpu.memory_space<vmem>> -> memref<1x40xi32, #tpu.memory_space<vmem>>
      %dma_wait3A_166 = tpu.memref_squeeze %dma_wait3A_165 : memref<1x40xi32, #tpu.memory_space<vmem>> -> memref<40xi32, #tpu.memory_space<vmem>>
      %dma_wait3A_167 = arith.constant 0 : i32
      %dma_wait3A_168 = arith.constant 0 : i32
      %dma_wait3A_169 = tpu.memref_slice %arg2[%dma_wait3A_167, %dma_wait3A_168] : memref<10000x128xf32, #tpu.memory_space<hbm>> -> memref<10000x128xf32, #tpu.memory_space<hbm>>
      tpu.wait_indirect_dma semaphore(%arg20 : memref<!tpu.dma_semaphore, #tpu.memory_space<semaphore_mem>>) src(%dma_wait3A_169 : memref<10000x128xf32, #tpu.memory_space<hbm>>) dst(%arg16 : memref<40x128xf32, #tpu.memory_space<vmem>>)
      %add3A_170 = arith.constant 3 : i32
      %add3A_171 = arith.addi %mul3A_83, %add3A_170 : i32
      %dma_start3A_172 = arith.constant 0 : i32
      %dma_start3A_173 = tpu.memref_slice %arg11[%add3A_171, %dma_start3A_172] : memref<250x40xi32, #tpu.memory_space<vmem>> -> memref<1x40xi32, #tpu.memory_space<vmem>>
      %dma_start3A_174 = tpu.memref_squeeze %dma_start3A_173 : memref<1x40xi32, #tpu.memory_space<vmem>> -> memref<40xi32, #tpu.memory_space<vmem>>
      %dma_start3A_175 = arith.constant 0 : i32
      %dma_start3A_176 = arith.constant 0 : i32
      %dma_start3A_177 = tpu.memref_slice %arg12[%dma_start3A_175, %dma_start3A_176] : memref<10000x128xf32, #tpu.memory_space<vmem_shared>> -> memref<10000x128xf32, #tpu.memory_space<vmem_shared>>
      tpu.enqueue_indirect_dma source(%arg16 : memref<40x128xf32, #tpu.memory_space<vmem>>) target(%dma_start3A_177 : memref<10000x128xf32, #tpu.memory_space<vmem_shared>>) offsets(%dma_start3A_174 : memref<40xi32, #tpu.memory_space<vmem>>) semaphore(%arg24 : memref<!tpu.dma_semaphore, #tpu.memory_space<semaphore_mem>>) {add = true}
      %add3A_178 = arith.constant 3 : i32
      %add3A_179 = arith.addi %mul3A_83, %add3A_178 : i32
      "tpu.region"() ({
        %run_scoped3A_204 = tpu.sem_alloc : memref<!tpu.dma_semaphore, #tpu.memory_space<semaphore_mem>>
        %dma_start3A_205 = arith.constant 0 : i32
        %dma_start3A_206 = tpu.memref_slice %arg11[%add3A_179, %dma_start3A_205] : memref<250x40xi32, #tpu.memory_space<vmem>> -> memref<1x40xi32, #tpu.memory_space<vmem>>
        %dma_start3A_207 = tpu.memref_squeeze %dma_start3A_206 : memref<1x40xi32, #tpu.memory_space<vmem>> -> memref<40xi32, #tpu.memory_space<vmem>>
        %dma_start3A_208 = arith.constant 0 : i32
        %dma_start3A_209 = arith.constant 0 : i32
        %dma_start3A_210 = tpu.memref_slice %arg26[%dma_start3A_208, %dma_start3A_209] : memref<10000x8xf32, #tpu.memory_space<vmem_shared>> -> memref<10000x8xf32, #tpu.memory_space<vmem_shared>>
        tpu.enqueue_indirect_dma source(%arg25 : memref<40x8xf32, #tpu.memory_space<vmem>>) target(%dma_start3A_210 : memref<10000x8xf32, #tpu.memory_space<vmem_shared>>) offsets(%dma_start3A_207 : memref<40xi32, #tpu.memory_space<vmem>>) semaphore(%run_scoped3A_204 : memref<!tpu.dma_semaphore, #tpu.memory_space<semaphore_mem>>) {add = true}
        %dma_wait3A_211 = arith.constant 0 : i32
        %dma_wait3A_212 = tpu.memref_slice %arg11[%add3A_179, %dma_wait3A_211] : memref<250x40xi32, #tpu.memory_space<vmem>> -> memref<1x40xi32, #tpu.memory_space<vmem>>
        %dma_wait3A_213 = tpu.memref_squeeze %dma_wait3A_212 : memref<1x40xi32, #tpu.memory_space<vmem>> -> memref<40xi32, #tpu.memory_space<vmem>>
        %dma_wait3A_214 = arith.constant 0 : i32
        %dma_wait3A_215 = arith.constant 0 : i32
        %dma_wait3A_216 = tpu.memref_slice %arg26[%dma_wait3A_214, %dma_wait3A_215] : memref<10000x8xf32, #tpu.memory_space<vmem_shared>> -> memref<10000x8xf32, #tpu.memory_space<vmem_shared>>
        tpu.wait_indirect_dma semaphore(%run_scoped3A_204 : memref<!tpu.dma_semaphore, #tpu.memory_space<semaphore_mem>>) src(%arg25 : memref<40x8xf32, #tpu.memory_space<vmem>>) dst(%dma_wait3A_216 : memref<10000x8xf32, #tpu.memory_space<vmem_shared>>)
        tpu.yield
      }) : () -> ()
      %dma_wait3A_180 = arith.constant 0 : i32
      %dma_wait3A_181 = tpu.memref_slice %arg11[%add3A_123, %dma_wait3A_180] : memref<250x40xi32, #tpu.memory_space<vmem>> -> memref<1x40xi32, #tpu.memory_space<vmem>>
      %dma_wait3A_182 = tpu.memref_squeeze %dma_wait3A_181 : memref<1x40xi32, #tpu.memory_space<vmem>> -> memref<40xi32, #tpu.memory_space<vmem>>
      %dma_wait3A_183 = arith.constant 0 : i32
      %dma_wait3A_184 = arith.constant 0 : i32
      %dma_wait3A_185 = tpu.memref_slice %arg12[%dma_wait3A_183, %dma_wait3A_184] : memref<10000x128xf32, #tpu.memory_space<vmem_shared>> -> memref<10000x128xf32, #tpu.memory_space<vmem_shared>>
      tpu.wait_indirect_dma semaphore(%arg21 : memref<!tpu.dma_semaphore, #tpu.memory_space<semaphore_mem>>) src(%arg13 : memref<40x128xf32, #tpu.memory_space<vmem>>) dst(%dma_wait3A_185 : memref<10000x128xf32, #tpu.memory_space<vmem_shared>>)
      %dma_wait3A_186 = arith.constant 0 : i32
      %dma_wait3A_187 = tpu.memref_slice %arg11[%add3A_139, %dma_wait3A_186] : memref<250x40xi32, #tpu.memory_space<vmem>> -> memref<1x40xi32, #tpu.memory_space<vmem>>
      %dma_wait3A_188 = tpu.memref_squeeze %dma_wait3A_187 : memref<1x40xi32, #tpu.memory_space<vmem>> -> memref<40xi32, #tpu.memory_space<vmem>>
      %dma_wait3A_189 = arith.constant 0 : i32
      %dma_wait3A_190 = arith.constant 0 : i32
      %dma_wait3A_191 = tpu.memref_slice %arg12[%dma_wait3A_189, %dma_wait3A_190] : memref<10000x128xf32, #tpu.memory_space<vmem_shared>> -> memref<10000x128xf32, #tpu.memory_space<vmem_shared>>
      tpu.wait_indirect_dma semaphore(%arg22 : memref<!tpu.dma_semaphore, #tpu.memory_space<semaphore_mem>>) src(%arg14 : memref<40x128xf32, #tpu.memory_space<vmem>>) dst(%dma_wait3A_191 : memref<10000x128xf32, #tpu.memory_space<vmem_shared>>)
      %dma_wait3A_192 = arith.constant 0 : i32
      %dma_wait3A_193 = tpu.memref_slice %arg11[%add3A_155, %dma_wait3A_192] : memref<250x40xi32, #tpu.memory_space<vmem>> -> memref<1x40xi32, #tpu.memory_space<vmem>>
      %dma_wait3A_194 = tpu.memref_squeeze %dma_wait3A_193 : memref<1x40xi32, #tpu.memory_space<vmem>> -> memref<40xi32, #tpu.memory_space<vmem>>
      %dma_wait3A_195 = arith.constant 0 : i32
      %dma_wait3A_196 = arith.constant 0 : i32
      %dma_wait3A_197 = tpu.memref_slice %arg12[%dma_wait3A_195, %dma_wait3A_196] : memref<10000x128xf32, #tpu.memory_space<vmem_shared>> -> memref<10000x128xf32, #tpu.memory_space<vmem_shared>>
      tpu.wait_indirect_dma semaphore(%arg23 : memref<!tpu.dma_semaphore, #tpu.memory_space<semaphore_mem>>) src(%arg15 : memref<40x128xf32, #tpu.memory_space<vmem>>) dst(%dma_wait3A_197 : memref<10000x128xf32, #tpu.memory_space<vmem_shared>>)
      %dma_wait3A_198 = arith.constant 0 : i32
      %dma_wait3A_199 = tpu.memref_slice %arg11[%add3A_171, %dma_wait3A_198] : memref<250x40xi32, #tpu.memory_space<vmem>> -> memref<1x40xi32, #tpu.memory_space<vmem>>
      %dma_wait3A_200 = tpu.memref_squeeze %dma_wait3A_199 : memref<1x40xi32, #tpu.memory_space<vmem>> -> memref<40xi32, #tpu.memory_space<vmem>>
      %dma_wait3A_201 = arith.constant 0 : i32
      %dma_wait3A_202 = arith.constant 0 : i32
      %dma_wait3A_203 = tpu.memref_slice %arg12[%dma_wait3A_201, %dma_wait3A_202] : memref<10000x128xf32, #tpu.memory_space<vmem_shared>> -> memref<10000x128xf32, #tpu.memory_space<vmem_shared>>
      tpu.wait_indirect_dma semaphore(%arg24 : memref<!tpu.dma_semaphore, #tpu.memory_space<semaphore_mem>>) src(%arg16 : memref<40x128xf32, #tpu.memory_space<vmem>>) dst(%dma_wait3A_203 : memref<10000x128xf32, #tpu.memory_space<vmem_shared>>)
    }
    %scan3A_14 = arith.constant 62 : i32
    %dma_start3A = arith.constant 248 : i32
    %dma_start3A_15 = arith.constant 0 : i32
    %dma_start3A_16 = tpu.memref_slice %arg10[%dma_start3A, %dma_start3A_15] : memref<250x40xi32, #tpu.memory_space<vmem>> -> memref<1x40xi32, #tpu.memory_space<vmem>>
    %dma_start3A_17 = tpu.memref_squeeze %dma_start3A_16 : memref<1x40xi32, #tpu.memory_space<vmem>> -> memref<40xi32, #tpu.memory_space<vmem>>
    %dma_start3A_18 = arith.constant 0 : i32
    %dma_start3A_19 = arith.constant 0 : i32
    %dma_start3A_20 = tpu.memref_slice %arg2[%dma_start3A_18, %dma_start3A_19] : memref<10000x128xf32, #tpu.memory_space<hbm>> -> memref<10000x128xf32, #tpu.memory_space<hbm>>
    tpu.enqueue_indirect_dma source(%dma_start3A_20 : memref<10000x128xf32, #tpu.memory_space<hbm>>) target(%arg13 : memref<40x128xf32, #tpu.memory_space<vmem>>) offsets(%dma_start3A_17 : memref<40xi32, #tpu.memory_space<vmem>>) semaphore(%arg17 : memref<!tpu.dma_semaphore, #tpu.memory_space<semaphore_mem>>)
    %dma_start3A_21 = arith.constant 249 : i32
    %dma_start3A_22 = arith.constant 0 : i32
    %dma_start3A_23 = tpu.memref_slice %arg10[%dma_start3A_21, %dma_start3A_22] : memref<250x40xi32, #tpu.memory_space<vmem>> -> memref<1x40xi32, #tpu.memory_space<vmem>>
    %dma_start3A_24 = tpu.memref_squeeze %dma_start3A_23 : memref<1x40xi32, #tpu.memory_space<vmem>> -> memref<40xi32, #tpu.memory_space<vmem>>
    %dma_start3A_25 = arith.constant 0 : i32
    %dma_start3A_26 = arith.constant 0 : i32
    %dma_start3A_27 = tpu.memref_slice %arg2[%dma_start3A_25, %dma_start3A_26] : memref<10000x128xf32, #tpu.memory_space<hbm>> -> memref<10000x128xf32, #tpu.memory_space<hbm>>
    tpu.enqueue_indirect_dma source(%dma_start3A_27 : memref<10000x128xf32, #tpu.memory_space<hbm>>) target(%arg14 : memref<40x128xf32, #tpu.memory_space<vmem>>) offsets(%dma_start3A_24 : memref<40xi32, #tpu.memory_space<vmem>>) semaphore(%arg18 : memref<!tpu.dma_semaphore, #tpu.memory_space<semaphore_mem>>)
    %dma_wait3A = arith.constant 248 : i32
    %dma_wait3A_28 = arith.constant 0 : i32
    %dma_wait3A_29 = tpu.memref_slice %arg10[%dma_wait3A, %dma_wait3A_28] : memref<250x40xi32, #tpu.memory_space<vmem>> -> memref<1x40xi32, #tpu.memory_space<vmem>>
    %dma_wait3A_30 = tpu.memref_squeeze %dma_wait3A_29 : memref<1x40xi32, #tpu.memory_space<vmem>> -> memref<40xi32, #tpu.memory_space<vmem>>
    %dma_wait3A_31 = arith.constant 0 : i32
    %dma_wait3A_32 = arith.constant 0 : i32
    %dma_wait3A_33 = tpu.memref_slice %arg2[%dma_wait3A_31, %dma_wait3A_32] : memref<10000x128xf32, #tpu.memory_space<hbm>> -> memref<10000x128xf32, #tpu.memory_space<hbm>>
    tpu.wait_indirect_dma semaphore(%arg17 : memref<!tpu.dma_semaphore, #tpu.memory_space<semaphore_mem>>) src(%dma_wait3A_33 : memref<10000x128xf32, #tpu.memory_space<hbm>>) dst(%arg13 : memref<40x128xf32, #tpu.memory_space<vmem>>)
    %dma_start3A_34 = arith.constant 248 : i32
    %dma_start3A_35 = arith.constant 0 : i32
    %dma_start3A_36 = tpu.memref_slice %arg11[%dma_start3A_34, %dma_start3A_35] : memref<250x40xi32, #tpu.memory_space<vmem>> -> memref<1x40xi32, #tpu.memory_space<vmem>>
    %dma_start3A_37 = tpu.memref_squeeze %dma_start3A_36 : memref<1x40xi32, #tpu.memory_space<vmem>> -> memref<40xi32, #tpu.memory_space<vmem>>
    %dma_start3A_38 = arith.constant 0 : i32
    %dma_start3A_39 = arith.constant 0 : i32
    %dma_start3A_40 = tpu.memref_slice %arg12[%dma_start3A_38, %dma_start3A_39] : memref<10000x128xf32, #tpu.memory_space<vmem_shared>> -> memref<10000x128xf32, #tpu.memory_space<vmem_shared>>
    tpu.enqueue_indirect_dma source(%arg13 : memref<40x128xf32, #tpu.memory_space<vmem>>) target(%dma_start3A_40 : memref<10000x128xf32, #tpu.memory_space<vmem_shared>>) offsets(%dma_start3A_37 : memref<40xi32, #tpu.memory_space<vmem>>) semaphore(%arg21 : memref<!tpu.dma_semaphore, #tpu.memory_space<semaphore_mem>>) {add = true}
    %run_scoped3A = arith.constant 248 : i32
    "tpu.region"() ({
      %run_scoped3A_81 = tpu.sem_alloc : memref<!tpu.dma_semaphore, #tpu.memory_space<semaphore_mem>>
      %dma_start3A_82 = arith.constant 0 : i32
      %dma_start3A_83 = tpu.memref_slice %arg11[%run_scoped3A, %dma_start3A_82] : memref<250x40xi32, #tpu.memory_space<vmem>> -> memref<1x40xi32, #tpu.memory_space<vmem>>
      %dma_start3A_84 = tpu.memref_squeeze %dma_start3A_83 : memref<1x40xi32, #tpu.memory_space<vmem>> -> memref<40xi32, #tpu.memory_space<vmem>>
      %dma_start3A_85 = arith.constant 0 : i32
      %dma_start3A_86 = arith.constant 0 : i32
      %dma_start3A_87 = tpu.memref_slice %arg26[%dma_start3A_85, %dma_start3A_86] : memref<10000x8xf32, #tpu.memory_space<vmem_shared>> -> memref<10000x8xf32, #tpu.memory_space<vmem_shared>>
      tpu.enqueue_indirect_dma source(%arg25 : memref<40x8xf32, #tpu.memory_space<vmem>>) target(%dma_start3A_87 : memref<10000x8xf32, #tpu.memory_space<vmem_shared>>) offsets(%dma_start3A_84 : memref<40xi32, #tpu.memory_space<vmem>>) semaphore(%run_scoped3A_81 : memref<!tpu.dma_semaphore, #tpu.memory_space<semaphore_mem>>) {add = true}
      %dma_wait3A_88 = arith.constant 0 : i32
      %dma_wait3A_89 = tpu.memref_slice %arg11[%run_scoped3A, %dma_wait3A_88] : memref<250x40xi32, #tpu.memory_space<vmem>> -> memref<1x40xi32, #tpu.memory_space<vmem>>
      %dma_wait3A_90 = tpu.memref_squeeze %dma_wait3A_89 : memref<1x40xi32, #tpu.memory_space<vmem>> -> memref<40xi32, #tpu.memory_space<vmem>>
      %dma_wait3A_91 = arith.constant 0 : i32
      %dma_wait3A_92 = arith.constant 0 : i32
      %dma_wait3A_93 = tpu.memref_slice %arg26[%dma_wait3A_91, %dma_wait3A_92] : memref<10000x8xf32, #tpu.memory_space<vmem_shared>> -> memref<10000x8xf32, #tpu.memory_space<vmem_shared>>
      tpu.wait_indirect_dma semaphore(%run_scoped3A_81 : memref<!tpu.dma_semaphore, #tpu.memory_space<semaphore_mem>>) src(%arg25 : memref<40x8xf32, #tpu.memory_space<vmem>>) dst(%dma_wait3A_93 : memref<10000x8xf32, #tpu.memory_space<vmem_shared>>)
      tpu.yield
    }) : () -> ()
    %dma_wait3A_41 = arith.constant 249 : i32
    %dma_wait3A_42 = arith.constant 0 : i32
    %dma_wait3A_43 = tpu.memref_slice %arg10[%dma_wait3A_41, %dma_wait3A_42] : memref<250x40xi32, #tpu.memory_space<vmem>> -> memref<1x40xi32, #tpu.memory_space<vmem>>
    %dma_wait3A_44 = tpu.memref_squeeze %dma_wait3A_43 : memref<1x40xi32, #tpu.memory_space<vmem>> -> memref<40xi32, #tpu.memory_space<vmem>>
    %dma_wait3A_45 = arith.constant 0 : i32
    %dma_wait3A_46 = arith.constant 0 : i32
    %dma_wait3A_47 = tpu.memref_slice %arg2[%dma_wait3A_45, %dma_wait3A_46] : memref<10000x128xf32, #tpu.memory_space<hbm>> -> memref<10000x128xf32, #tpu.memory_space<hbm>>
    tpu.wait_indirect_dma semaphore(%arg18 : memref<!tpu.dma_semaphore, #tpu.memory_space<semaphore_mem>>) src(%dma_wait3A_47 : memref<10000x128xf32, #tpu.memory_space<hbm>>) dst(%arg14 : memref<40x128xf32, #tpu.memory_space<vmem>>)
    %dma_start3A_48 = arith.constant 249 : i32
    %dma_start3A_49 = arith.constant 0 : i32
    %dma_start3A_50 = tpu.memref_slice %arg11[%dma_start3A_48, %dma_start3A_49] : memref<250x40xi32, #tpu.memory_space<vmem>> -> memref<1x40xi32, #tpu.memory_space<vmem>>
    %dma_start3A_51 = tpu.memref_squeeze %dma_start3A_50 : memref<1x40xi32, #tpu.memory_space<vmem>> -> memref<40xi32, #tpu.memory_space<vmem>>
    %dma_start3A_52 = arith.constant 0 : i32
    %dma_start3A_53 = arith.constant 0 : i32
    %dma_start3A_54 = tpu.memref_slice %arg12[%dma_start3A_52, %dma_start3A_53] : memref<10000x128xf32, #tpu.memory_space<vmem_shared>> -> memref<10000x128xf32, #tpu.memory_space<vmem_shared>>
    tpu.enqueue_indirect_dma source(%arg14 : memref<40x128xf32, #tpu.memory_space<vmem>>) target(%dma_start3A_54 : memref<10000x128xf32, #tpu.memory_space<vmem_shared>>) offsets(%dma_start3A_51 : memref<40xi32, #tpu.memory_space<vmem>>) semaphore(%arg22 : memref<!tpu.dma_semaphore, #tpu.memory_space<semaphore_mem>>) {add = true}
    %run_scoped3A_55 = arith.constant 249 : i32
    "tpu.region"() ({
      %run_scoped3A_81 = tpu.sem_alloc : memref<!tpu.dma_semaphore, #tpu.memory_space<semaphore_mem>>
      %dma_start3A_82 = arith.constant 0 : i32
      %dma_start3A_83 = tpu.memref_slice %arg11[%run_scoped3A_55, %dma_start3A_82] : memref<250x40xi32, #tpu.memory_space<vmem>> -> memref<1x40xi32, #tpu.memory_space<vmem>>
      %dma_start3A_84 = tpu.memref_squeeze %dma_start3A_83 : memref<1x40xi32, #tpu.memory_space<vmem>> -> memref<40xi32, #tpu.memory_space<vmem>>
      %dma_start3A_85 = arith.constant 0 : i32
      %dma_start3A_86 = arith.constant 0 : i32
      %dma_start3A_87 = tpu.memref_slice %arg26[%dma_start3A_85, %dma_start3A_86] : memref<10000x8xf32, #tpu.memory_space<vmem_shared>> -> memref<10000x8xf32, #tpu.memory_space<vmem_shared>>
      tpu.enqueue_indirect_dma source(%arg25 : memref<40x8xf32, #tpu.memory_space<vmem>>) target(%dma_start3A_87 : memref<10000x8xf32, #tpu.memory_space<vmem_shared>>) offsets(%dma_start3A_84 : memref<40xi32, #tpu.memory_space<vmem>>) semaphore(%run_scoped3A_81 : memref<!tpu.dma_semaphore, #tpu.memory_space<semaphore_mem>>) {add = true}
      %dma_wait3A_88 = arith.constant 0 : i32
      %dma_wait3A_89 = tpu.memref_slice %arg11[%run_scoped3A_55, %dma_wait3A_88] : memref<250x40xi32, #tpu.memory_space<vmem>> -> memref<1x40xi32, #tpu.memory_space<vmem>>
      %dma_wait3A_90 = tpu.memref_squeeze %dma_wait3A_89 : memref<1x40xi32, #tpu.memory_space<vmem>> -> memref<40xi32, #tpu.memory_space<vmem>>
      %dma_wait3A_91 = arith.constant 0 : i32
      %dma_wait3A_92 = arith.constant 0 : i32
      %dma_wait3A_93 = tpu.memref_slice %arg26[%dma_wait3A_91, %dma_wait3A_92] : memref<10000x8xf32, #tpu.memory_space<vmem_shared>> -> memref<10000x8xf32, #tpu.memory_space<vmem_shared>>
      tpu.wait_indirect_dma semaphore(%run_scoped3A_81 : memref<!tpu.dma_semaphore, #tpu.memory_space<semaphore_mem>>) src(%arg25 : memref<40x8xf32, #tpu.memory_space<vmem>>) dst(%dma_wait3A_93 : memref<10000x8xf32, #tpu.memory_space<vmem_shared>>)
      tpu.yield
    }) : () -> ()
    %dma_wait3A_56 = arith.constant 248 : i32
    %dma_wait3A_57 = arith.constant 0 : i32
    %dma_wait3A_58 = tpu.memref_slice %arg11[%dma_wait3A_56, %dma_wait3A_57] : memref<250x40xi32, #tpu.memory_space<vmem>> -> memref<1x40xi32, #tpu.memory_space<vmem>>
    %dma_wait3A_59 = tpu.memref_squeeze %dma_wait3A_58 : memref<1x40xi32, #tpu.memory_space<vmem>> -> memref<40xi32, #tpu.memory_space<vmem>>
    %dma_wait3A_60 = arith.constant 0 : i32
    %dma_wait3A_61 = arith.constant 0 : i32
    %dma_wait3A_62 = tpu.memref_slice %arg12[%dma_wait3A_60, %dma_wait3A_61] : memref<10000x128xf32, #tpu.memory_space<vmem_shared>> -> memref<10000x128xf32, #tpu.memory_space<vmem_shared>>
    tpu.wait_indirect_dma semaphore(%arg21 : memref<!tpu.dma_semaphore, #tpu.memory_space<semaphore_mem>>) src(%arg13 : memref<40x128xf32, #tpu.memory_space<vmem>>) dst(%dma_wait3A_62 : memref<10000x128xf32, #tpu.memory_space<vmem_shared>>)
    %dma_wait3A_63 = arith.constant 249 : i32
    %dma_wait3A_64 = arith.constant 0 : i32
    %dma_wait3A_65 = tpu.memref_slice %arg11[%dma_wait3A_63, %dma_wait3A_64] : memref<250x40xi32, #tpu.memory_space<vmem>> -> memref<1x40xi32, #tpu.memory_space<vmem>>
    %dma_wait3A_66 = tpu.memref_squeeze %dma_wait3A_65 : memref<1x40xi32, #tpu.memory_space<vmem>> -> memref<40xi32, #tpu.memory_space<vmem>>
    %dma_wait3A_67 = arith.constant 0 : i32
    %dma_wait3A_68 = arith.constant 0 : i32
    %dma_wait3A_69 = tpu.memref_slice %arg12[%dma_wait3A_67, %dma_wait3A_68] : memref<10000x128xf32, #tpu.memory_space<vmem_shared>> -> memref<10000x128xf32, #tpu.memory_space<vmem_shared>>
    tpu.wait_indirect_dma semaphore(%arg22 : memref<!tpu.dma_semaphore, #tpu.memory_space<semaphore_mem>>) src(%arg14 : memref<40x128xf32, #tpu.memory_space<vmem>>) dst(%dma_wait3A_69 : memref<10000x128xf32, #tpu.memory_space<vmem_shared>>)
    %barrier3A_70 = arith.constant 0 : index
    tpu.barrier barrier_id(%barrier3A_70)
    "tpu.region"() ({
      %run_scoped3A_81 = tpu.sem_alloc : memref<!tpu.dma_semaphore, #tpu.memory_space<semaphore_mem>>
      %dma_start3A_82 = arith.constant 0 : i32
      %dma_start3A_83 = tpu.memref_slice %arg8[%arg0, %mul3A_0, %dma_start3A_82] : memref<2x10000x128xf32, #tpu.memory_space<hbm>> -> memref<1x624x128xf32, #tpu.memory_space<hbm>>
      %dma_start3A_84 = tpu.memref_squeeze %dma_start3A_83 : memref<1x624x128xf32, #tpu.memory_space<hbm>> -> memref<624x128xf32, #tpu.memory_space<hbm>>
      %dma_start3A_85 = arith.constant 0 : i32
      %dma_start3A_86 = tpu.memref_slice %arg12[%mul3A_0, %dma_start3A_85] : memref<10000x128xf32, #tpu.memory_space<vmem_shared>> -> memref<624x128xf32, #tpu.memory_space<vmem_shared>>
      tpu.enqueue_dma source(%dma_start3A_86 : memref<624x128xf32, #tpu.memory_space<vmem_shared>>) target(%dma_start3A_84 : memref<624x128xf32, #tpu.memory_space<hbm>>) target_semaphore(%run_scoped3A_81 : memref<!tpu.dma_semaphore, #tpu.memory_space<semaphore_mem>>)
      %dma_wait3A_87 = arith.constant 0 : i32
      %dma_wait3A_88 = tpu.memref_slice %arg8[%arg0, %mul3A_0, %dma_wait3A_87] : memref<2x10000x128xf32, #tpu.memory_space<hbm>> -> memref<1x624x128xf32, #tpu.memory_space<hbm>>
      %dma_wait3A_89 = tpu.memref_squeeze %dma_wait3A_88 : memref<1x624x128xf32, #tpu.memory_space<hbm>> -> memref<624x128xf32, #tpu.memory_space<hbm>>
      %dma_wait3A_90 = arith.constant 0 : i32
      %dma_wait3A_91 = tpu.memref_slice %arg12[%mul3A_0, %dma_wait3A_90] : memref<10000x128xf32, #tpu.memory_space<vmem_shared>> -> memref<624x128xf32, #tpu.memory_space<vmem_shared>>
      tpu.wait_dma2 semaphore(%run_scoped3A_81 : memref<!tpu.dma_semaphore, #tpu.memory_space<semaphore_mem>>) src(%dma_wait3A_91 : memref<624x128xf32, #tpu.memory_space<vmem_shared>>) dst(%dma_wait3A_89 : memref<624x128xf32, #tpu.memory_space<hbm>>)
      tpu.yield
    }) : () -> ()
    %eq3A_71 = arith.constant 0 : i32
    %eq3A_72 = arith.cmpi eq, %arg1, %eq3A_71 : i32
    %convert_element_type3A_73 = arith.extui %eq3A_72 : i1 to i32
    %cond3A_74 = arith.constant 0 : i32
    %cond3A_75 = arith.cmpi ne, %convert_element_type3A_73, %cond3A_74 : i32
    scf.if %cond3A_75 {
      "tpu.region"() ({
        %run_scoped3A_81 = tpu.sem_alloc : memref<!tpu.dma_semaphore, #tpu.memory_space<semaphore_mem>>
        %dma_start3A_82 = arith.constant 9984 : i32
        %dma_start3A_83 = arith.constant 0 : i32
        %dma_start3A_84 = tpu.memref_slice %arg8[%arg0, %dma_start3A_82, %dma_start3A_83] : memref<2x10000x128xf32, #tpu.memory_space<hbm>> -> memref<1x16x128xf32, #tpu.memory_space<hbm>>
        %dma_start3A_85 = tpu.memref_squeeze %dma_start3A_84 : memref<1x16x128xf32, #tpu.memory_space<hbm>> -> memref<16x128xf32, #tpu.memory_space<hbm>>
        %dma_start3A_86 = arith.constant 9984 : i32
        %dma_start3A_87 = arith.constant 0 : i32
        %dma_start3A_88 = tpu.memref_slice %arg12[%dma_start3A_86, %dma_start3A_87] : memref<10000x128xf32, #tpu.memory_space<vmem_shared>> -> memref<16x128xf32, #tpu.memory_space<vmem_shared>>
        tpu.enqueue_dma source(%dma_start3A_88 : memref<16x128xf32, #tpu.memory_space<vmem_shared>>) target(%dma_start3A_85 : memref<16x128xf32, #tpu.memory_space<hbm>>) target_semaphore(%run_scoped3A_81 : memref<!tpu.dma_semaphore, #tpu.memory_space<semaphore_mem>>)
        %dma_wait3A_89 = arith.constant 9984 : i32
        %dma_wait3A_90 = arith.constant 0 : i32
        %dma_wait3A_91 = tpu.memref_slice %arg8[%arg0, %dma_wait3A_89, %dma_wait3A_90] : memref<2x10000x128xf32, #tpu.memory_space<hbm>> -> memref<1x16x128xf32, #tpu.memory_space<hbm>>
        %dma_wait3A_92 = tpu.memref_squeeze %dma_wait3A_91 : memref<1x16x128xf32, #tpu.memory_space<hbm>> -> memref<16x128xf32, #tpu.memory_space<hbm>>
        %dma_wait3A_93 = arith.constant 9984 : i32
        %dma_wait3A_94 = arith.constant 0 : i32
        %dma_wait3A_95 = tpu.memref_slice %arg12[%dma_wait3A_93, %dma_wait3A_94] : memref<10000x128xf32, #tpu.memory_space<vmem_shared>> -> memref<16x128xf32, #tpu.memory_space<vmem_shared>>
        tpu.wait_dma2 semaphore(%run_scoped3A_81 : memref<!tpu.dma_semaphore, #tpu.memory_space<semaphore_mem>>) src(%dma_wait3A_95 : memref<16x128xf32, #tpu.memory_space<vmem_shared>>) dst(%dma_wait3A_92 : memref<16x128xf32, #tpu.memory_space<hbm>>)
        tpu.yield
      }) : () -> ()
    } else {
    }
    "tpu.region"() ({
      %run_scoped3A_81 = tpu.sem_alloc : memref<!tpu.dma_semaphore, #tpu.memory_space<semaphore_mem>>
      %dma_start3A_82 = arith.constant 0 : i32
      %dma_start3A_83 = tpu.memref_slice %arg9[%arg0, %mul3A_0, %dma_start3A_82] : memref<2x10000x8xf32, #tpu.memory_space<hbm>> -> memref<1x624x8xf32, #tpu.memory_space<hbm>>
      %dma_start3A_84 = tpu.memref_squeeze %dma_start3A_83 : memref<1x624x8xf32, #tpu.memory_space<hbm>> -> memref<624x8xf32, #tpu.memory_space<hbm>>
      %dma_start3A_85 = arith.constant 0 : i32
      %dma_start3A_86 = tpu.memref_slice %arg26[%mul3A_0, %dma_start3A_85] : memref<10000x8xf32, #tpu.memory_space<vmem_shared>> -> memref<624x8xf32, #tpu.memory_space<vmem_shared>>
      tpu.enqueue_dma source(%dma_start3A_86 : memref<624x8xf32, #tpu.memory_space<vmem_shared>>) target(%dma_start3A_84 : memref<624x8xf32, #tpu.memory_space<hbm>>) target_semaphore(%run_scoped3A_81 : memref<!tpu.dma_semaphore, #tpu.memory_space<semaphore_mem>>)
      %dma_wait3A_87 = arith.constant 0 : i32
      %dma_wait3A_88 = tpu.memref_slice %arg9[%arg0, %mul3A_0, %dma_wait3A_87] : memref<2x10000x8xf32, #tpu.memory_space<hbm>> -> memref<1x624x8xf32, #tpu.memory_space<hbm>>
      %dma_wait3A_89 = tpu.memref_squeeze %dma_wait3A_88 : memref<1x624x8xf32, #tpu.memory_space<hbm>> -> memref<624x8xf32, #tpu.memory_space<hbm>>
      %dma_wait3A_90 = arith.constant 0 : i32
      %dma_wait3A_91 = tpu.memref_slice %arg26[%mul3A_0, %dma_wait3A_90] : memref<10000x8xf32, #tpu.memory_space<vmem_shared>> -> memref<624x8xf32, #tpu.memory_space<vmem_shared>>
      tpu.wait_dma2 semaphore(%run_scoped3A_81 : memref<!tpu.dma_semaphore, #tpu.memory_space<semaphore_mem>>) src(%dma_wait3A_91 : memref<624x8xf32, #tpu.memory_space<vmem_shared>>) dst(%dma_wait3A_89 : memref<624x8xf32, #tpu.memory_space<hbm>>)
      tpu.yield
    }) : () -> ()
    %eq3A_76 = arith.constant 0 : i32
    %eq3A_77 = arith.cmpi eq, %arg1, %eq3A_76 : i32
    %convert_element_type3A_78 = arith.extui %eq3A_77 : i1 to i32
    %cond3A_79 = arith.constant 0 : i32
    %cond3A_80 = arith.cmpi ne, %convert_element_type3A_78, %cond3A_79 : i32
    scf.if %cond3A_80 {
      "tpu.region"() ({
        %run_scoped3A_81 = tpu.sem_alloc : memref<!tpu.dma_semaphore, #tpu.memory_space<semaphore_mem>>
        %dma_start3A_82 = arith.constant 9984 : i32
        %dma_start3A_83 = arith.constant 0 : i32
        %dma_start3A_84 = tpu.memref_slice %arg9[%arg0, %dma_start3A_82, %dma_start3A_83] : memref<2x10000x8xf32, #tpu.memory_space<hbm>> -> memref<1x16x8xf32, #tpu.memory_space<hbm>>
        %dma_start3A_85 = tpu.memref_squeeze %dma_start3A_84 : memref<1x16x8xf32, #tpu.memory_space<hbm>> -> memref<16x8xf32, #tpu.memory_space<hbm>>
        %dma_start3A_86 = arith.constant 9984 : i32
        %dma_start3A_87 = arith.constant 0 : i32
        %dma_start3A_88 = tpu.memref_slice %arg26[%dma_start3A_86, %dma_start3A_87] : memref<10000x8xf32, #tpu.memory_space<vmem_shared>> -> memref<16x8xf32, #tpu.memory_space<vmem_shared>>
        tpu.enqueue_dma source(%dma_start3A_88 : memref<16x8xf32, #tpu.memory_space<vmem_shared>>) target(%dma_start3A_85 : memref<16x8xf32, #tpu.memory_space<hbm>>) target_semaphore(%run_scoped3A_81 : memref<!tpu.dma_semaphore, #tpu.memory_space<semaphore_mem>>)
        %dma_wait3A_89 = arith.constant 9984 : i32
        %dma_wait3A_90 = arith.constant 0 : i32
        %dma_wait3A_91 = tpu.memref_slice %arg9[%arg0, %dma_wait3A_89, %dma_wait3A_90] : memref<2x10000x8xf32, #tpu.memory_space<hbm>> -> memref<1x16x8xf32, #tpu.memory_space<hbm>>
        %dma_wait3A_92 = tpu.memref_squeeze %dma_wait3A_91 : memref<1x16x8xf32, #tpu.memory_space<hbm>> -> memref<16x8xf32, #tpu.memory_space<hbm>>
        %dma_wait3A_93 = arith.constant 9984 : i32
        %dma_wait3A_94 = arith.constant 0 : i32
        %dma_wait3A_95 = tpu.memref_slice %arg26[%dma_wait3A_93, %dma_wait3A_94] : memref<10000x8xf32, #tpu.memory_space<vmem_shared>> -> memref<16x8xf32, #tpu.memory_space<vmem_shared>>
        tpu.wait_dma2 semaphore(%run_scoped3A_81 : memref<!tpu.dma_semaphore, #tpu.memory_space<semaphore_mem>>) src(%dma_wait3A_95 : memref<16x8xf32, #tpu.memory_space<vmem_shared>>) dst(%dma_wait3A_92 : memref<16x8xf32, #tpu.memory_space<hbm>>)
        tpu.yield
      }) : () -> ()
    } else {
    }
    return
  }
}

#map = affine_map<(d0, d1) -> (0, 0)>
#map1 = affine_map<(d0, d1) -> (0, 0, 0)>
module attributes {stable_mosaic.version = 14 : i64} {
  func.func @agg(%arg0: i32, %arg1: i32, %arg2: memref<10000x128xf32, #tpu.memory_space<hbm>>, %arg3: memref<10000x128xf32, #tpu.memory_space<hbm>>, %arg4: memref<32x250x40xi32, #tpu.memory_space<hbm>>, %arg5: memref<32x250x40xi32, #tpu.memory_space<hbm>>, %arg6: memref<10000x128xf32, #tpu.memory_space<hbm>>, %arg7: memref<2x10000x128xf32, #tpu.memory_space<hbm>>, %arg8: memref<2x10000x128xf32, #tpu.memory_space<hbm>>, %arg9: memref<250x40xi32, #tpu.memory_space<vmem>>, %arg10: memref<250x40xi32, #tpu.memory_space<vmem>>, %arg11: memref<10000x128xf32, #tpu.memory_space<vmem_shared>>, %arg12: memref<40x128xf32, #tpu.memory_space<vmem>>, %arg13: memref<40x128xf32, #tpu.memory_space<vmem>>, %arg14: memref<40x128xf32, #tpu.memory_space<vmem>>, %arg15: memref<40x128xf32, #tpu.memory_space<vmem>>, %arg16: memref<!tpu.dma_semaphore, #tpu.memory_space<semaphore_mem>>, %arg17: memref<!tpu.dma_semaphore, #tpu.memory_space<semaphore_mem>>, %arg18: memref<!tpu.dma_semaphore, #tpu.memory_space<semaphore_mem>>, %arg19: memref<!tpu.dma_semaphore, #tpu.memory_space<semaphore_mem>>, %arg20: memref<!tpu.dma_semaphore, #tpu.memory_space<semaphore_mem>>, %arg21: memref<!tpu.dma_semaphore, #tpu.memory_space<semaphore_mem>>, %arg22: memref<!tpu.dma_semaphore, #tpu.memory_space<semaphore_mem>>, %arg23: memref<!tpu.dma_semaphore, #tpu.memory_space<semaphore_mem>>) attributes {dimension_semantics = [#tpu.dimension_semantics<core_parallel>, #tpu.dimension_semantics<subcore_parallel>], iteration_bounds = array<i64: 2, 16>, scalar_prefetch = 0 : i64, scratch_operands = 15 : i64, tpu.core_type = #tpu.core_type<sc_vector_subcore>, window_params = [{transform_indices = #map}, {transform_indices = #map}, {transform_indices = #map1}, {transform_indices = #map1}, {transform_indices = #map}, {transform_indices = #map1}, {transform_indices = #map1}]} {
    %mul3A = arith.constant 624 : i32
    %mul3A_0 = arith.muli %arg1, %mul3A : i32
    %mul3A_1 = arith.constant 16 : i32
    %mul3A_2 = arith.muli %arg0, %mul3A_1 : i32
    %add3A = arith.addi %mul3A_2, %arg1 : i32
    "tpu.region"() ({
      %run_scoped3A = tpu.sem_alloc : memref<!tpu.dma_semaphore, #tpu.memory_space<semaphore_mem>>
      %dma_start3A_145 = arith.constant 0 : i32
      %dma_start3A_146 = arith.constant 0 : i32
      %dma_start3A_147 = tpu.memref_slice %arg4[%add3A, %dma_start3A_145, %dma_start3A_146] : memref<32x250x40xi32, #tpu.memory_space<hbm>> -> memref<1x250x40xi32, #tpu.memory_space<hbm>>
      %dma_start3A_148 = tpu.memref_squeeze %dma_start3A_147 : memref<1x250x40xi32, #tpu.memory_space<hbm>> -> memref<250x40xi32, #tpu.memory_space<hbm>>
      %dma_start3A_149 = arith.constant 0 : i32
      %dma_start3A_150 = arith.constant 0 : i32
      %dma_start3A_151 = tpu.memref_slice %arg4[%add3A, %dma_start3A_149, %dma_start3A_150] : memref<32x250x40xi32, #tpu.memory_space<hbm>> -> memref<1x250x40xi32, #tpu.memory_space<hbm>>
      %dma_start3A_152 = tpu.memref_squeeze %dma_start3A_151 : memref<1x250x40xi32, #tpu.memory_space<hbm>> -> memref<250x40xi32, #tpu.memory_space<hbm>>
      tpu.enqueue_dma source(%dma_start3A_152 : memref<250x40xi32, #tpu.memory_space<hbm>>) target(%arg9 : memref<250x40xi32, #tpu.memory_space<vmem>>) target_semaphore(%run_scoped3A : memref<!tpu.dma_semaphore, #tpu.memory_space<semaphore_mem>>)
      %dma_wait3A_153 = arith.constant 0 : i32
      %dma_wait3A_154 = arith.constant 0 : i32
      %dma_wait3A_155 = tpu.memref_slice %arg4[%add3A, %dma_wait3A_153, %dma_wait3A_154] : memref<32x250x40xi32, #tpu.memory_space<hbm>> -> memref<1x250x40xi32, #tpu.memory_space<hbm>>
      %dma_wait3A_156 = tpu.memref_squeeze %dma_wait3A_155 : memref<1x250x40xi32, #tpu.memory_space<hbm>> -> memref<250x40xi32, #tpu.memory_space<hbm>>
      %dma_wait3A_157 = arith.constant 0 : i32
      %dma_wait3A_158 = arith.constant 0 : i32
      %dma_wait3A_159 = tpu.memref_slice %arg4[%add3A, %dma_wait3A_157, %dma_wait3A_158] : memref<32x250x40xi32, #tpu.memory_space<hbm>> -> memref<1x250x40xi32, #tpu.memory_space<hbm>>
      %dma_wait3A_160 = tpu.memref_squeeze %dma_wait3A_159 : memref<1x250x40xi32, #tpu.memory_space<hbm>> -> memref<250x40xi32, #tpu.memory_space<hbm>>
      tpu.wait_dma2 semaphore(%run_scoped3A : memref<!tpu.dma_semaphore, #tpu.memory_space<semaphore_mem>>) src(%dma_wait3A_160 : memref<250x40xi32, #tpu.memory_space<hbm>>) dst(%arg9 : memref<250x40xi32, #tpu.memory_space<vmem>>)
      tpu.yield
    }) : () -> ()
    "tpu.region"() ({
      %run_scoped3A = tpu.sem_alloc : memref<!tpu.dma_semaphore, #tpu.memory_space<semaphore_mem>>
      %dma_start3A_145 = arith.constant 0 : i32
      %dma_start3A_146 = arith.constant 0 : i32
      %dma_start3A_147 = tpu.memref_slice %arg5[%add3A, %dma_start3A_145, %dma_start3A_146] : memref<32x250x40xi32, #tpu.memory_space<hbm>> -> memref<1x250x40xi32, #tpu.memory_space<hbm>>
      %dma_start3A_148 = tpu.memref_squeeze %dma_start3A_147 : memref<1x250x40xi32, #tpu.memory_space<hbm>> -> memref<250x40xi32, #tpu.memory_space<hbm>>
      %dma_start3A_149 = arith.constant 0 : i32
      %dma_start3A_150 = arith.constant 0 : i32
      %dma_start3A_151 = tpu.memref_slice %arg5[%add3A, %dma_start3A_149, %dma_start3A_150] : memref<32x250x40xi32, #tpu.memory_space<hbm>> -> memref<1x250x40xi32, #tpu.memory_space<hbm>>
      %dma_start3A_152 = tpu.memref_squeeze %dma_start3A_151 : memref<1x250x40xi32, #tpu.memory_space<hbm>> -> memref<250x40xi32, #tpu.memory_space<hbm>>
      tpu.enqueue_dma source(%dma_start3A_152 : memref<250x40xi32, #tpu.memory_space<hbm>>) target(%arg10 : memref<250x40xi32, #tpu.memory_space<vmem>>) target_semaphore(%run_scoped3A : memref<!tpu.dma_semaphore, #tpu.memory_space<semaphore_mem>>)
      %dma_wait3A_153 = arith.constant 0 : i32
      %dma_wait3A_154 = arith.constant 0 : i32
      %dma_wait3A_155 = tpu.memref_slice %arg5[%add3A, %dma_wait3A_153, %dma_wait3A_154] : memref<32x250x40xi32, #tpu.memory_space<hbm>> -> memref<1x250x40xi32, #tpu.memory_space<hbm>>
      %dma_wait3A_156 = tpu.memref_squeeze %dma_wait3A_155 : memref<1x250x40xi32, #tpu.memory_space<hbm>> -> memref<250x40xi32, #tpu.memory_space<hbm>>
      %dma_wait3A_157 = arith.constant 0 : i32
      %dma_wait3A_158 = arith.constant 0 : i32
      %dma_wait3A_159 = tpu.memref_slice %arg5[%add3A, %dma_wait3A_157, %dma_wait3A_158] : memref<32x250x40xi32, #tpu.memory_space<hbm>> -> memref<1x250x40xi32, #tpu.memory_space<hbm>>
      %dma_wait3A_160 = tpu.memref_squeeze %dma_wait3A_159 : memref<1x250x40xi32, #tpu.memory_space<hbm>> -> memref<250x40xi32, #tpu.memory_space<hbm>>
      tpu.wait_dma2 semaphore(%run_scoped3A : memref<!tpu.dma_semaphore, #tpu.memory_space<semaphore_mem>>) src(%dma_wait3A_160 : memref<250x40xi32, #tpu.memory_space<hbm>>) dst(%arg10 : memref<250x40xi32, #tpu.memory_space<vmem>>)
      tpu.yield
    }) : () -> ()
    "tpu.region"() ({
      %run_scoped3A = tpu.sem_alloc : memref<!tpu.dma_semaphore, #tpu.memory_space<semaphore_mem>>
      %dma_start3A_145 = arith.constant 0 : i32
      %dma_start3A_146 = tpu.memref_slice %arg11[%mul3A_0, %dma_start3A_145] : memref<10000x128xf32, #tpu.memory_space<vmem_shared>> -> memref<624x128xf32, #tpu.memory_space<vmem_shared>>
      %dma_start3A_147 = arith.constant 0 : i32
      %dma_start3A_148 = tpu.memref_slice %arg6[%mul3A_0, %dma_start3A_147] : memref<10000x128xf32, #tpu.memory_space<hbm>> -> memref<624x128xf32, #tpu.memory_space<hbm>>
      tpu.enqueue_dma source(%dma_start3A_148 : memref<624x128xf32, #tpu.memory_space<hbm>>) target(%dma_start3A_146 : memref<624x128xf32, #tpu.memory_space<vmem_shared>>) target_semaphore(%run_scoped3A : memref<!tpu.dma_semaphore, #tpu.memory_space<semaphore_mem>>)
      %dma_wait3A_149 = arith.constant 0 : i32
      %dma_wait3A_150 = tpu.memref_slice %arg11[%mul3A_0, %dma_wait3A_149] : memref<10000x128xf32, #tpu.memory_space<vmem_shared>> -> memref<624x128xf32, #tpu.memory_space<vmem_shared>>
      %dma_wait3A_151 = arith.constant 0 : i32
      %dma_wait3A_152 = tpu.memref_slice %arg6[%mul3A_0, %dma_wait3A_151] : memref<10000x128xf32, #tpu.memory_space<hbm>> -> memref<624x128xf32, #tpu.memory_space<hbm>>
      tpu.wait_dma2 semaphore(%run_scoped3A : memref<!tpu.dma_semaphore, #tpu.memory_space<semaphore_mem>>) src(%dma_wait3A_152 : memref<624x128xf32, #tpu.memory_space<hbm>>) dst(%dma_wait3A_150 : memref<624x128xf32, #tpu.memory_space<vmem_shared>>)
      tpu.yield
    }) : () -> ()
    %eq3A = arith.constant 0 : i32
    %eq3A_3 = arith.cmpi eq, %arg1, %eq3A : i32
    %convert_element_type3A = arith.extui %eq3A_3 : i1 to i32
    %cond3A = arith.constant 0 : i32
    %cond3A_4 = arith.cmpi ne, %convert_element_type3A, %cond3A : i32
    scf.if %cond3A_4 {
      "tpu.region"() ({
        %run_scoped3A = tpu.sem_alloc : memref<!tpu.dma_semaphore, #tpu.memory_space<semaphore_mem>>
        %dma_start3A_145 = arith.constant 9984 : i32
        %dma_start3A_146 = arith.constant 0 : i32
        %dma_start3A_147 = tpu.memref_slice %arg11[%dma_start3A_145, %dma_start3A_146] : memref<10000x128xf32, #tpu.memory_space<vmem_shared>> -> memref<16x128xf32, #tpu.memory_space<vmem_shared>>
        %dma_start3A_148 = arith.constant 9984 : i32
        %dma_start3A_149 = arith.constant 0 : i32
        %dma_start3A_150 = tpu.memref_slice %arg6[%dma_start3A_148, %dma_start3A_149] : memref<10000x128xf32, #tpu.memory_space<hbm>> -> memref<16x128xf32, #tpu.memory_space<hbm>>
        tpu.enqueue_dma source(%dma_start3A_150 : memref<16x128xf32, #tpu.memory_space<hbm>>) target(%dma_start3A_147 : memref<16x128xf32, #tpu.memory_space<vmem_shared>>) target_semaphore(%run_scoped3A : memref<!tpu.dma_semaphore, #tpu.memory_space<semaphore_mem>>)
        %dma_wait3A_151 = arith.constant 9984 : i32
        %dma_wait3A_152 = arith.constant 0 : i32
        %dma_wait3A_153 = tpu.memref_slice %arg11[%dma_wait3A_151, %dma_wait3A_152] : memref<10000x128xf32, #tpu.memory_space<vmem_shared>> -> memref<16x128xf32, #tpu.memory_space<vmem_shared>>
        %dma_wait3A_154 = arith.constant 9984 : i32
        %dma_wait3A_155 = arith.constant 0 : i32
        %dma_wait3A_156 = tpu.memref_slice %arg6[%dma_wait3A_154, %dma_wait3A_155] : memref<10000x128xf32, #tpu.memory_space<hbm>> -> memref<16x128xf32, #tpu.memory_space<hbm>>
        tpu.wait_dma2 semaphore(%run_scoped3A : memref<!tpu.dma_semaphore, #tpu.memory_space<semaphore_mem>>) src(%dma_wait3A_156 : memref<16x128xf32, #tpu.memory_space<hbm>>) dst(%dma_wait3A_153 : memref<16x128xf32, #tpu.memory_space<vmem_shared>>)
        tpu.yield
      }) : () -> ()
    } else {
    }
    %barrier3A = arith.constant 0 : index
    tpu.barrier barrier_id(%barrier3A)
    %scan3A = arith.constant 0 : i32
    %scan3A_5 = arith.constant 0 : i32
    %scan3A_6 = arith.constant 62 : i32
    %scan3A_7 = arith.addi %scan3A_5, %scan3A_6 : i32
    %scan3A_8 = arith.constant 1 : i32
    scf.for %scan3A_145 = %scan3A_5 to %scan3A_7 step %scan3A_8  : i32 {
      %mul3A_146 = arith.constant 4 : i32
      %mul3A_147 = arith.muli %scan3A_145, %mul3A_146 : i32
      %add3A_148 = arith.constant 0 : i32
      %add3A_149 = arith.addi %mul3A_147, %add3A_148 : i32
      %dma_start3A_150 = arith.constant 0 : i32
      %dma_start3A_151 = tpu.memref_slice %arg9[%add3A_149, %dma_start3A_150] : memref<250x40xi32, #tpu.memory_space<vmem>> -> memref<1x40xi32, #tpu.memory_space<vmem>>
      %dma_start3A_152 = tpu.memref_squeeze %dma_start3A_151 : memref<1x40xi32, #tpu.memory_space<vmem>> -> memref<40xi32, #tpu.memory_space<vmem>>
      %dma_start3A_153 = arith.constant 0 : i32
      %dma_start3A_154 = arith.constant 0 : i32
      %dma_start3A_155 = tpu.memref_slice %arg2[%dma_start3A_153, %dma_start3A_154] : memref<10000x128xf32, #tpu.memory_space<hbm>> -> memref<10000x128xf32, #tpu.memory_space<hbm>>
      tpu.enqueue_indirect_dma source(%dma_start3A_155 : memref<10000x128xf32, #tpu.memory_space<hbm>>) target(%arg12 : memref<40x128xf32, #tpu.memory_space<vmem>>) offsets(%dma_start3A_152 : memref<40xi32, #tpu.memory_space<vmem>>) semaphore(%arg16 : memref<!tpu.dma_semaphore, #tpu.memory_space<semaphore_mem>>)
      %add3A_156 = arith.constant 1 : i32
      %add3A_157 = arith.addi %mul3A_147, %add3A_156 : i32
      %dma_start3A_158 = arith.constant 0 : i32
      %dma_start3A_159 = tpu.memref_slice %arg9[%add3A_157, %dma_start3A_158] : memref<250x40xi32, #tpu.memory_space<vmem>> -> memref<1x40xi32, #tpu.memory_space<vmem>>
      %dma_start3A_160 = tpu.memref_squeeze %dma_start3A_159 : memref<1x40xi32, #tpu.memory_space<vmem>> -> memref<40xi32, #tpu.memory_space<vmem>>
      %dma_start3A_161 = arith.constant 0 : i32
      %dma_start3A_162 = arith.constant 0 : i32
      %dma_start3A_163 = tpu.memref_slice %arg2[%dma_start3A_161, %dma_start3A_162] : memref<10000x128xf32, #tpu.memory_space<hbm>> -> memref<10000x128xf32, #tpu.memory_space<hbm>>
      tpu.enqueue_indirect_dma source(%dma_start3A_163 : memref<10000x128xf32, #tpu.memory_space<hbm>>) target(%arg13 : memref<40x128xf32, #tpu.memory_space<vmem>>) offsets(%dma_start3A_160 : memref<40xi32, #tpu.memory_space<vmem>>) semaphore(%arg17 : memref<!tpu.dma_semaphore, #tpu.memory_space<semaphore_mem>>)
      %add3A_164 = arith.constant 2 : i32
      %add3A_165 = arith.addi %mul3A_147, %add3A_164 : i32
      %dma_start3A_166 = arith.constant 0 : i32
      %dma_start3A_167 = tpu.memref_slice %arg9[%add3A_165, %dma_start3A_166] : memref<250x40xi32, #tpu.memory_space<vmem>> -> memref<1x40xi32, #tpu.memory_space<vmem>>
      %dma_start3A_168 = tpu.memref_squeeze %dma_start3A_167 : memref<1x40xi32, #tpu.memory_space<vmem>> -> memref<40xi32, #tpu.memory_space<vmem>>
      %dma_start3A_169 = arith.constant 0 : i32
      %dma_start3A_170 = arith.constant 0 : i32
      %dma_start3A_171 = tpu.memref_slice %arg2[%dma_start3A_169, %dma_start3A_170] : memref<10000x128xf32, #tpu.memory_space<hbm>> -> memref<10000x128xf32, #tpu.memory_space<hbm>>
      tpu.enqueue_indirect_dma source(%dma_start3A_171 : memref<10000x128xf32, #tpu.memory_space<hbm>>) target(%arg14 : memref<40x128xf32, #tpu.memory_space<vmem>>) offsets(%dma_start3A_168 : memref<40xi32, #tpu.memory_space<vmem>>) semaphore(%arg18 : memref<!tpu.dma_semaphore, #tpu.memory_space<semaphore_mem>>)
      %add3A_172 = arith.constant 3 : i32
      %add3A_173 = arith.addi %mul3A_147, %add3A_172 : i32
      %dma_start3A_174 = arith.constant 0 : i32
      %dma_start3A_175 = tpu.memref_slice %arg9[%add3A_173, %dma_start3A_174] : memref<250x40xi32, #tpu.memory_space<vmem>> -> memref<1x40xi32, #tpu.memory_space<vmem>>
      %dma_start3A_176 = tpu.memref_squeeze %dma_start3A_175 : memref<1x40xi32, #tpu.memory_space<vmem>> -> memref<40xi32, #tpu.memory_space<vmem>>
      %dma_start3A_177 = arith.constant 0 : i32
      %dma_start3A_178 = arith.constant 0 : i32
      %dma_start3A_179 = tpu.memref_slice %arg2[%dma_start3A_177, %dma_start3A_178] : memref<10000x128xf32, #tpu.memory_space<hbm>> -> memref<10000x128xf32, #tpu.memory_space<hbm>>
      tpu.enqueue_indirect_dma source(%dma_start3A_179 : memref<10000x128xf32, #tpu.memory_space<hbm>>) target(%arg15 : memref<40x128xf32, #tpu.memory_space<vmem>>) offsets(%dma_start3A_176 : memref<40xi32, #tpu.memory_space<vmem>>) semaphore(%arg19 : memref<!tpu.dma_semaphore, #tpu.memory_space<semaphore_mem>>)
      %dma_wait3A_180 = arith.constant 0 : i32
      %dma_wait3A_181 = tpu.memref_slice %arg9[%add3A_149, %dma_wait3A_180] : memref<250x40xi32, #tpu.memory_space<vmem>> -> memref<1x40xi32, #tpu.memory_space<vmem>>
      %dma_wait3A_182 = tpu.memref_squeeze %dma_wait3A_181 : memref<1x40xi32, #tpu.memory_space<vmem>> -> memref<40xi32, #tpu.memory_space<vmem>>
      %dma_wait3A_183 = arith.constant 0 : i32
      %dma_wait3A_184 = arith.constant 0 : i32
      %dma_wait3A_185 = tpu.memref_slice %arg2[%dma_wait3A_183, %dma_wait3A_184] : memref<10000x128xf32, #tpu.memory_space<hbm>> -> memref<10000x128xf32, #tpu.memory_space<hbm>>
      tpu.wait_indirect_dma semaphore(%arg16 : memref<!tpu.dma_semaphore, #tpu.memory_space<semaphore_mem>>) src(%dma_wait3A_185 : memref<10000x128xf32, #tpu.memory_space<hbm>>) dst(%arg12 : memref<40x128xf32, #tpu.memory_space<vmem>>)
      %add3A_186 = arith.constant 0 : i32
      %add3A_187 = arith.addi %mul3A_147, %add3A_186 : i32
      %dma_start3A_188 = arith.constant 0 : i32
      %dma_start3A_189 = tpu.memref_slice %arg10[%add3A_187, %dma_start3A_188] : memref<250x40xi32, #tpu.memory_space<vmem>> -> memref<1x40xi32, #tpu.memory_space<vmem>>
      %dma_start3A_190 = tpu.memref_squeeze %dma_start3A_189 : memref<1x40xi32, #tpu.memory_space<vmem>> -> memref<40xi32, #tpu.memory_space<vmem>>
      %dma_start3A_191 = arith.constant 0 : i32
      %dma_start3A_192 = arith.constant 0 : i32
      %dma_start3A_193 = tpu.memref_slice %arg11[%dma_start3A_191, %dma_start3A_192] : memref<10000x128xf32, #tpu.memory_space<vmem_shared>> -> memref<10000x128xf32, #tpu.memory_space<vmem_shared>>
      tpu.enqueue_indirect_dma source(%arg12 : memref<40x128xf32, #tpu.memory_space<vmem>>) target(%dma_start3A_193 : memref<10000x128xf32, #tpu.memory_space<vmem_shared>>) offsets(%dma_start3A_190 : memref<40xi32, #tpu.memory_space<vmem>>) semaphore(%arg20 : memref<!tpu.dma_semaphore, #tpu.memory_space<semaphore_mem>>) {add = true}
      %dma_wait3A_194 = arith.constant 0 : i32
      %dma_wait3A_195 = tpu.memref_slice %arg9[%add3A_157, %dma_wait3A_194] : memref<250x40xi32, #tpu.memory_space<vmem>> -> memref<1x40xi32, #tpu.memory_space<vmem>>
      %dma_wait3A_196 = tpu.memref_squeeze %dma_wait3A_195 : memref<1x40xi32, #tpu.memory_space<vmem>> -> memref<40xi32, #tpu.memory_space<vmem>>
      %dma_wait3A_197 = arith.constant 0 : i32
      %dma_wait3A_198 = arith.constant 0 : i32
      %dma_wait3A_199 = tpu.memref_slice %arg2[%dma_wait3A_197, %dma_wait3A_198] : memref<10000x128xf32, #tpu.memory_space<hbm>> -> memref<10000x128xf32, #tpu.memory_space<hbm>>
      tpu.wait_indirect_dma semaphore(%arg17 : memref<!tpu.dma_semaphore, #tpu.memory_space<semaphore_mem>>) src(%dma_wait3A_199 : memref<10000x128xf32, #tpu.memory_space<hbm>>) dst(%arg13 : memref<40x128xf32, #tpu.memory_space<vmem>>)
      %add3A_200 = arith.constant 1 : i32
      %add3A_201 = arith.addi %mul3A_147, %add3A_200 : i32
      %dma_start3A_202 = arith.constant 0 : i32
      %dma_start3A_203 = tpu.memref_slice %arg10[%add3A_201, %dma_start3A_202] : memref<250x40xi32, #tpu.memory_space<vmem>> -> memref<1x40xi32, #tpu.memory_space<vmem>>
      %dma_start3A_204 = tpu.memref_squeeze %dma_start3A_203 : memref<1x40xi32, #tpu.memory_space<vmem>> -> memref<40xi32, #tpu.memory_space<vmem>>
      %dma_start3A_205 = arith.constant 0 : i32
      %dma_start3A_206 = arith.constant 0 : i32
      %dma_start3A_207 = tpu.memref_slice %arg11[%dma_start3A_205, %dma_start3A_206] : memref<10000x128xf32, #tpu.memory_space<vmem_shared>> -> memref<10000x128xf32, #tpu.memory_space<vmem_shared>>
      tpu.enqueue_indirect_dma source(%arg13 : memref<40x128xf32, #tpu.memory_space<vmem>>) target(%dma_start3A_207 : memref<10000x128xf32, #tpu.memory_space<vmem_shared>>) offsets(%dma_start3A_204 : memref<40xi32, #tpu.memory_space<vmem>>) semaphore(%arg21 : memref<!tpu.dma_semaphore, #tpu.memory_space<semaphore_mem>>) {add = true}
      %dma_wait3A_208 = arith.constant 0 : i32
      %dma_wait3A_209 = tpu.memref_slice %arg9[%add3A_165, %dma_wait3A_208] : memref<250x40xi32, #tpu.memory_space<vmem>> -> memref<1x40xi32, #tpu.memory_space<vmem>>
      %dma_wait3A_210 = tpu.memref_squeeze %dma_wait3A_209 : memref<1x40xi32, #tpu.memory_space<vmem>> -> memref<40xi32, #tpu.memory_space<vmem>>
      %dma_wait3A_211 = arith.constant 0 : i32
      %dma_wait3A_212 = arith.constant 0 : i32
      %dma_wait3A_213 = tpu.memref_slice %arg2[%dma_wait3A_211, %dma_wait3A_212] : memref<10000x128xf32, #tpu.memory_space<hbm>> -> memref<10000x128xf32, #tpu.memory_space<hbm>>
      tpu.wait_indirect_dma semaphore(%arg18 : memref<!tpu.dma_semaphore, #tpu.memory_space<semaphore_mem>>) src(%dma_wait3A_213 : memref<10000x128xf32, #tpu.memory_space<hbm>>) dst(%arg14 : memref<40x128xf32, #tpu.memory_space<vmem>>)
      %add3A_214 = arith.constant 2 : i32
      %add3A_215 = arith.addi %mul3A_147, %add3A_214 : i32
      %dma_start3A_216 = arith.constant 0 : i32
      %dma_start3A_217 = tpu.memref_slice %arg10[%add3A_215, %dma_start3A_216] : memref<250x40xi32, #tpu.memory_space<vmem>> -> memref<1x40xi32, #tpu.memory_space<vmem>>
      %dma_start3A_218 = tpu.memref_squeeze %dma_start3A_217 : memref<1x40xi32, #tpu.memory_space<vmem>> -> memref<40xi32, #tpu.memory_space<vmem>>
      %dma_start3A_219 = arith.constant 0 : i32
      %dma_start3A_220 = arith.constant 0 : i32
      %dma_start3A_221 = tpu.memref_slice %arg11[%dma_start3A_219, %dma_start3A_220] : memref<10000x128xf32, #tpu.memory_space<vmem_shared>> -> memref<10000x128xf32, #tpu.memory_space<vmem_shared>>
      tpu.enqueue_indirect_dma source(%arg14 : memref<40x128xf32, #tpu.memory_space<vmem>>) target(%dma_start3A_221 : memref<10000x128xf32, #tpu.memory_space<vmem_shared>>) offsets(%dma_start3A_218 : memref<40xi32, #tpu.memory_space<vmem>>) semaphore(%arg22 : memref<!tpu.dma_semaphore, #tpu.memory_space<semaphore_mem>>) {add = true}
      %dma_wait3A_222 = arith.constant 0 : i32
      %dma_wait3A_223 = tpu.memref_slice %arg9[%add3A_173, %dma_wait3A_222] : memref<250x40xi32, #tpu.memory_space<vmem>> -> memref<1x40xi32, #tpu.memory_space<vmem>>
      %dma_wait3A_224 = tpu.memref_squeeze %dma_wait3A_223 : memref<1x40xi32, #tpu.memory_space<vmem>> -> memref<40xi32, #tpu.memory_space<vmem>>
      %dma_wait3A_225 = arith.constant 0 : i32
      %dma_wait3A_226 = arith.constant 0 : i32
      %dma_wait3A_227 = tpu.memref_slice %arg2[%dma_wait3A_225, %dma_wait3A_226] : memref<10000x128xf32, #tpu.memory_space<hbm>> -> memref<10000x128xf32, #tpu.memory_space<hbm>>
      tpu.wait_indirect_dma semaphore(%arg19 : memref<!tpu.dma_semaphore, #tpu.memory_space<semaphore_mem>>) src(%dma_wait3A_227 : memref<10000x128xf32, #tpu.memory_space<hbm>>) dst(%arg15 : memref<40x128xf32, #tpu.memory_space<vmem>>)
      %add3A_228 = arith.constant 3 : i32
      %add3A_229 = arith.addi %mul3A_147, %add3A_228 : i32
      %dma_start3A_230 = arith.constant 0 : i32
      %dma_start3A_231 = tpu.memref_slice %arg10[%add3A_229, %dma_start3A_230] : memref<250x40xi32, #tpu.memory_space<vmem>> -> memref<1x40xi32, #tpu.memory_space<vmem>>
      %dma_start3A_232 = tpu.memref_squeeze %dma_start3A_231 : memref<1x40xi32, #tpu.memory_space<vmem>> -> memref<40xi32, #tpu.memory_space<vmem>>
      %dma_start3A_233 = arith.constant 0 : i32
      %dma_start3A_234 = arith.constant 0 : i32
      %dma_start3A_235 = tpu.memref_slice %arg11[%dma_start3A_233, %dma_start3A_234] : memref<10000x128xf32, #tpu.memory_space<vmem_shared>> -> memref<10000x128xf32, #tpu.memory_space<vmem_shared>>
      tpu.enqueue_indirect_dma source(%arg15 : memref<40x128xf32, #tpu.memory_space<vmem>>) target(%dma_start3A_235 : memref<10000x128xf32, #tpu.memory_space<vmem_shared>>) offsets(%dma_start3A_232 : memref<40xi32, #tpu.memory_space<vmem>>) semaphore(%arg23 : memref<!tpu.dma_semaphore, #tpu.memory_space<semaphore_mem>>) {add = true}
      %dma_wait3A_236 = arith.constant 0 : i32
      %dma_wait3A_237 = tpu.memref_slice %arg10[%add3A_187, %dma_wait3A_236] : memref<250x40xi32, #tpu.memory_space<vmem>> -> memref<1x40xi32, #tpu.memory_space<vmem>>
      %dma_wait3A_238 = tpu.memref_squeeze %dma_wait3A_237 : memref<1x40xi32, #tpu.memory_space<vmem>> -> memref<40xi32, #tpu.memory_space<vmem>>
      %dma_wait3A_239 = arith.constant 0 : i32
      %dma_wait3A_240 = arith.constant 0 : i32
      %dma_wait3A_241 = tpu.memref_slice %arg11[%dma_wait3A_239, %dma_wait3A_240] : memref<10000x128xf32, #tpu.memory_space<vmem_shared>> -> memref<10000x128xf32, #tpu.memory_space<vmem_shared>>
      tpu.wait_indirect_dma semaphore(%arg20 : memref<!tpu.dma_semaphore, #tpu.memory_space<semaphore_mem>>) src(%arg12 : memref<40x128xf32, #tpu.memory_space<vmem>>) dst(%dma_wait3A_241 : memref<10000x128xf32, #tpu.memory_space<vmem_shared>>)
      %dma_wait3A_242 = arith.constant 0 : i32
      %dma_wait3A_243 = tpu.memref_slice %arg10[%add3A_201, %dma_wait3A_242] : memref<250x40xi32, #tpu.memory_space<vmem>> -> memref<1x40xi32, #tpu.memory_space<vmem>>
      %dma_wait3A_244 = tpu.memref_squeeze %dma_wait3A_243 : memref<1x40xi32, #tpu.memory_space<vmem>> -> memref<40xi32, #tpu.memory_space<vmem>>
      %dma_wait3A_245 = arith.constant 0 : i32
      %dma_wait3A_246 = arith.constant 0 : i32
      %dma_wait3A_247 = tpu.memref_slice %arg11[%dma_wait3A_245, %dma_wait3A_246] : memref<10000x128xf32, #tpu.memory_space<vmem_shared>> -> memref<10000x128xf32, #tpu.memory_space<vmem_shared>>
      tpu.wait_indirect_dma semaphore(%arg21 : memref<!tpu.dma_semaphore, #tpu.memory_space<semaphore_mem>>) src(%arg13 : memref<40x128xf32, #tpu.memory_space<vmem>>) dst(%dma_wait3A_247 : memref<10000x128xf32, #tpu.memory_space<vmem_shared>>)
      %dma_wait3A_248 = arith.constant 0 : i32
      %dma_wait3A_249 = tpu.memref_slice %arg10[%add3A_215, %dma_wait3A_248] : memref<250x40xi32, #tpu.memory_space<vmem>> -> memref<1x40xi32, #tpu.memory_space<vmem>>
      %dma_wait3A_250 = tpu.memref_squeeze %dma_wait3A_249 : memref<1x40xi32, #tpu.memory_space<vmem>> -> memref<40xi32, #tpu.memory_space<vmem>>
      %dma_wait3A_251 = arith.constant 0 : i32
      %dma_wait3A_252 = arith.constant 0 : i32
      %dma_wait3A_253 = tpu.memref_slice %arg11[%dma_wait3A_251, %dma_wait3A_252] : memref<10000x128xf32, #tpu.memory_space<vmem_shared>> -> memref<10000x128xf32, #tpu.memory_space<vmem_shared>>
      tpu.wait_indirect_dma semaphore(%arg22 : memref<!tpu.dma_semaphore, #tpu.memory_space<semaphore_mem>>) src(%arg14 : memref<40x128xf32, #tpu.memory_space<vmem>>) dst(%dma_wait3A_253 : memref<10000x128xf32, #tpu.memory_space<vmem_shared>>)
      %dma_wait3A_254 = arith.constant 0 : i32
      %dma_wait3A_255 = tpu.memref_slice %arg10[%add3A_229, %dma_wait3A_254] : memref<250x40xi32, #tpu.memory_space<vmem>> -> memref<1x40xi32, #tpu.memory_space<vmem>>
      %dma_wait3A_256 = tpu.memref_squeeze %dma_wait3A_255 : memref<1x40xi32, #tpu.memory_space<vmem>> -> memref<40xi32, #tpu.memory_space<vmem>>
      %dma_wait3A_257 = arith.constant 0 : i32
      %dma_wait3A_258 = arith.constant 0 : i32
      %dma_wait3A_259 = tpu.memref_slice %arg11[%dma_wait3A_257, %dma_wait3A_258] : memref<10000x128xf32, #tpu.memory_space<vmem_shared>> -> memref<10000x128xf32, #tpu.memory_space<vmem_shared>>
      tpu.wait_indirect_dma semaphore(%arg23 : memref<!tpu.dma_semaphore, #tpu.memory_space<semaphore_mem>>) src(%arg15 : memref<40x128xf32, #tpu.memory_space<vmem>>) dst(%dma_wait3A_259 : memref<10000x128xf32, #tpu.memory_space<vmem_shared>>)
    }
    %scan3A_9 = arith.constant 62 : i32
    %dma_start3A = arith.constant 248 : i32
    %dma_start3A_10 = arith.constant 0 : i32
    %dma_start3A_11 = tpu.memref_slice %arg9[%dma_start3A, %dma_start3A_10] : memref<250x40xi32, #tpu.memory_space<vmem>> -> memref<1x40xi32, #tpu.memory_space<vmem>>
    %dma_start3A_12 = tpu.memref_squeeze %dma_start3A_11 : memref<1x40xi32, #tpu.memory_space<vmem>> -> memref<40xi32, #tpu.memory_space<vmem>>
    %dma_start3A_13 = arith.constant 0 : i32
    %dma_start3A_14 = arith.constant 0 : i32
    %dma_start3A_15 = tpu.memref_slice %arg2[%dma_start3A_13, %dma_start3A_14] : memref<10000x128xf32, #tpu.memory_space<hbm>> -> memref<10000x128xf32, #tpu.memory_space<hbm>>
    tpu.enqueue_indirect_dma source(%dma_start3A_15 : memref<10000x128xf32, #tpu.memory_space<hbm>>) target(%arg12 : memref<40x128xf32, #tpu.memory_space<vmem>>) offsets(%dma_start3A_12 : memref<40xi32, #tpu.memory_space<vmem>>) semaphore(%arg16 : memref<!tpu.dma_semaphore, #tpu.memory_space<semaphore_mem>>)
    %dma_start3A_16 = arith.constant 249 : i32
    %dma_start3A_17 = arith.constant 0 : i32
    %dma_start3A_18 = tpu.memref_slice %arg9[%dma_start3A_16, %dma_start3A_17] : memref<250x40xi32, #tpu.memory_space<vmem>> -> memref<1x40xi32, #tpu.memory_space<vmem>>
    %dma_start3A_19 = tpu.memref_squeeze %dma_start3A_18 : memref<1x40xi32, #tpu.memory_space<vmem>> -> memref<40xi32, #tpu.memory_space<vmem>>
    %dma_start3A_20 = arith.constant 0 : i32
    %dma_start3A_21 = arith.constant 0 : i32
    %dma_start3A_22 = tpu.memref_slice %arg2[%dma_start3A_20, %dma_start3A_21] : memref<10000x128xf32, #tpu.memory_space<hbm>> -> memref<10000x128xf32, #tpu.memory_space<hbm>>
    tpu.enqueue_indirect_dma source(%dma_start3A_22 : memref<10000x128xf32, #tpu.memory_space<hbm>>) target(%arg13 : memref<40x128xf32, #tpu.memory_space<vmem>>) offsets(%dma_start3A_19 : memref<40xi32, #tpu.memory_space<vmem>>) semaphore(%arg17 : memref<!tpu.dma_semaphore, #tpu.memory_space<semaphore_mem>>)
    %dma_wait3A = arith.constant 248 : i32
    %dma_wait3A_23 = arith.constant 0 : i32
    %dma_wait3A_24 = tpu.memref_slice %arg9[%dma_wait3A, %dma_wait3A_23] : memref<250x40xi32, #tpu.memory_space<vmem>> -> memref<1x40xi32, #tpu.memory_space<vmem>>
    %dma_wait3A_25 = tpu.memref_squeeze %dma_wait3A_24 : memref<1x40xi32, #tpu.memory_space<vmem>> -> memref<40xi32, #tpu.memory_space<vmem>>
    %dma_wait3A_26 = arith.constant 0 : i32
    %dma_wait3A_27 = arith.constant 0 : i32
    %dma_wait3A_28 = tpu.memref_slice %arg2[%dma_wait3A_26, %dma_wait3A_27] : memref<10000x128xf32, #tpu.memory_space<hbm>> -> memref<10000x128xf32, #tpu.memory_space<hbm>>
    tpu.wait_indirect_dma semaphore(%arg16 : memref<!tpu.dma_semaphore, #tpu.memory_space<semaphore_mem>>) src(%dma_wait3A_28 : memref<10000x128xf32, #tpu.memory_space<hbm>>) dst(%arg12 : memref<40x128xf32, #tpu.memory_space<vmem>>)
    %dma_start3A_29 = arith.constant 248 : i32
    %dma_start3A_30 = arith.constant 0 : i32
    %dma_start3A_31 = tpu.memref_slice %arg10[%dma_start3A_29, %dma_start3A_30] : memref<250x40xi32, #tpu.memory_space<vmem>> -> memref<1x40xi32, #tpu.memory_space<vmem>>
    %dma_start3A_32 = tpu.memref_squeeze %dma_start3A_31 : memref<1x40xi32, #tpu.memory_space<vmem>> -> memref<40xi32, #tpu.memory_space<vmem>>
    %dma_start3A_33 = arith.constant 0 : i32
    %dma_start3A_34 = arith.constant 0 : i32
    %dma_start3A_35 = tpu.memref_slice %arg11[%dma_start3A_33, %dma_start3A_34] : memref<10000x128xf32, #tpu.memory_space<vmem_shared>> -> memref<10000x128xf32, #tpu.memory_space<vmem_shared>>
    tpu.enqueue_indirect_dma source(%arg12 : memref<40x128xf32, #tpu.memory_space<vmem>>) target(%dma_start3A_35 : memref<10000x128xf32, #tpu.memory_space<vmem_shared>>) offsets(%dma_start3A_32 : memref<40xi32, #tpu.memory_space<vmem>>) semaphore(%arg20 : memref<!tpu.dma_semaphore, #tpu.memory_space<semaphore_mem>>) {add = true}
    %dma_wait3A_36 = arith.constant 249 : i32
    %dma_wait3A_37 = arith.constant 0 : i32
    %dma_wait3A_38 = tpu.memref_slice %arg9[%dma_wait3A_36, %dma_wait3A_37] : memref<250x40xi32, #tpu.memory_space<vmem>> -> memref<1x40xi32, #tpu.memory_space<vmem>>
    %dma_wait3A_39 = tpu.memref_squeeze %dma_wait3A_38 : memref<1x40xi32, #tpu.memory_space<vmem>> -> memref<40xi32, #tpu.memory_space<vmem>>
    %dma_wait3A_40 = arith.constant 0 : i32
    %dma_wait3A_41 = arith.constant 0 : i32
    %dma_wait3A_42 = tpu.memref_slice %arg2[%dma_wait3A_40, %dma_wait3A_41] : memref<10000x128xf32, #tpu.memory_space<hbm>> -> memref<10000x128xf32, #tpu.memory_space<hbm>>
    tpu.wait_indirect_dma semaphore(%arg17 : memref<!tpu.dma_semaphore, #tpu.memory_space<semaphore_mem>>) src(%dma_wait3A_42 : memref<10000x128xf32, #tpu.memory_space<hbm>>) dst(%arg13 : memref<40x128xf32, #tpu.memory_space<vmem>>)
    %dma_start3A_43 = arith.constant 249 : i32
    %dma_start3A_44 = arith.constant 0 : i32
    %dma_start3A_45 = tpu.memref_slice %arg10[%dma_start3A_43, %dma_start3A_44] : memref<250x40xi32, #tpu.memory_space<vmem>> -> memref<1x40xi32, #tpu.memory_space<vmem>>
    %dma_start3A_46 = tpu.memref_squeeze %dma_start3A_45 : memref<1x40xi32, #tpu.memory_space<vmem>> -> memref<40xi32, #tpu.memory_space<vmem>>
    %dma_start3A_47 = arith.constant 0 : i32
    %dma_start3A_48 = arith.constant 0 : i32
    %dma_start3A_49 = tpu.memref_slice %arg11[%dma_start3A_47, %dma_start3A_48] : memref<10000x128xf32, #tpu.memory_space<vmem_shared>> -> memref<10000x128xf32, #tpu.memory_space<vmem_shared>>
    tpu.enqueue_indirect_dma source(%arg13 : memref<40x128xf32, #tpu.memory_space<vmem>>) target(%dma_start3A_49 : memref<10000x128xf32, #tpu.memory_space<vmem_shared>>) offsets(%dma_start3A_46 : memref<40xi32, #tpu.memory_space<vmem>>) semaphore(%arg21 : memref<!tpu.dma_semaphore, #tpu.memory_space<semaphore_mem>>) {add = true}
    %dma_wait3A_50 = arith.constant 248 : i32
    %dma_wait3A_51 = arith.constant 0 : i32
    %dma_wait3A_52 = tpu.memref_slice %arg10[%dma_wait3A_50, %dma_wait3A_51] : memref<250x40xi32, #tpu.memory_space<vmem>> -> memref<1x40xi32, #tpu.memory_space<vmem>>
    %dma_wait3A_53 = tpu.memref_squeeze %dma_wait3A_52 : memref<1x40xi32, #tpu.memory_space<vmem>> -> memref<40xi32, #tpu.memory_space<vmem>>
    %dma_wait3A_54 = arith.constant 0 : i32
    %dma_wait3A_55 = arith.constant 0 : i32
    %dma_wait3A_56 = tpu.memref_slice %arg11[%dma_wait3A_54, %dma_wait3A_55] : memref<10000x128xf32, #tpu.memory_space<vmem_shared>> -> memref<10000x128xf32, #tpu.memory_space<vmem_shared>>
    tpu.wait_indirect_dma semaphore(%arg20 : memref<!tpu.dma_semaphore, #tpu.memory_space<semaphore_mem>>) src(%arg12 : memref<40x128xf32, #tpu.memory_space<vmem>>) dst(%dma_wait3A_56 : memref<10000x128xf32, #tpu.memory_space<vmem_shared>>)
    %dma_wait3A_57 = arith.constant 249 : i32
    %dma_wait3A_58 = arith.constant 0 : i32
    %dma_wait3A_59 = tpu.memref_slice %arg10[%dma_wait3A_57, %dma_wait3A_58] : memref<250x40xi32, #tpu.memory_space<vmem>> -> memref<1x40xi32, #tpu.memory_space<vmem>>
    %dma_wait3A_60 = tpu.memref_squeeze %dma_wait3A_59 : memref<1x40xi32, #tpu.memory_space<vmem>> -> memref<40xi32, #tpu.memory_space<vmem>>
    %dma_wait3A_61 = arith.constant 0 : i32
    %dma_wait3A_62 = arith.constant 0 : i32
    %dma_wait3A_63 = tpu.memref_slice %arg11[%dma_wait3A_61, %dma_wait3A_62] : memref<10000x128xf32, #tpu.memory_space<vmem_shared>> -> memref<10000x128xf32, #tpu.memory_space<vmem_shared>>
    tpu.wait_indirect_dma semaphore(%arg21 : memref<!tpu.dma_semaphore, #tpu.memory_space<semaphore_mem>>) src(%arg13 : memref<40x128xf32, #tpu.memory_space<vmem>>) dst(%dma_wait3A_63 : memref<10000x128xf32, #tpu.memory_space<vmem_shared>>)
    %barrier3A_64 = arith.constant 0 : index
    tpu.barrier barrier_id(%barrier3A_64)
    "tpu.region"() ({
      %run_scoped3A = tpu.sem_alloc : memref<!tpu.dma_semaphore, #tpu.memory_space<semaphore_mem>>
      %dma_start3A_145 = arith.constant 0 : i32
      %dma_start3A_146 = tpu.memref_slice %arg7[%arg0, %mul3A_0, %dma_start3A_145] : memref<2x10000x128xf32, #tpu.memory_space<hbm>> -> memref<1x624x128xf32, #tpu.memory_space<hbm>>
      %dma_start3A_147 = tpu.memref_squeeze %dma_start3A_146 : memref<1x624x128xf32, #tpu.memory_space<hbm>> -> memref<624x128xf32, #tpu.memory_space<hbm>>
      %dma_start3A_148 = arith.constant 0 : i32
      %dma_start3A_149 = tpu.memref_slice %arg11[%mul3A_0, %dma_start3A_148] : memref<10000x128xf32, #tpu.memory_space<vmem_shared>> -> memref<624x128xf32, #tpu.memory_space<vmem_shared>>
      tpu.enqueue_dma source(%dma_start3A_149 : memref<624x128xf32, #tpu.memory_space<vmem_shared>>) target(%dma_start3A_147 : memref<624x128xf32, #tpu.memory_space<hbm>>) target_semaphore(%run_scoped3A : memref<!tpu.dma_semaphore, #tpu.memory_space<semaphore_mem>>)
      %dma_wait3A_150 = arith.constant 0 : i32
      %dma_wait3A_151 = tpu.memref_slice %arg7[%arg0, %mul3A_0, %dma_wait3A_150] : memref<2x10000x128xf32, #tpu.memory_space<hbm>> -> memref<1x624x128xf32, #tpu.memory_space<hbm>>
      %dma_wait3A_152 = tpu.memref_squeeze %dma_wait3A_151 : memref<1x624x128xf32, #tpu.memory_space<hbm>> -> memref<624x128xf32, #tpu.memory_space<hbm>>
      %dma_wait3A_153 = arith.constant 0 : i32
      %dma_wait3A_154 = tpu.memref_slice %arg11[%mul3A_0, %dma_wait3A_153] : memref<10000x128xf32, #tpu.memory_space<vmem_shared>> -> memref<624x128xf32, #tpu.memory_space<vmem_shared>>
      tpu.wait_dma2 semaphore(%run_scoped3A : memref<!tpu.dma_semaphore, #tpu.memory_space<semaphore_mem>>) src(%dma_wait3A_154 : memref<624x128xf32, #tpu.memory_space<vmem_shared>>) dst(%dma_wait3A_152 : memref<624x128xf32, #tpu.memory_space<hbm>>)
      tpu.yield
    }) : () -> ()
    %eq3A_65 = arith.constant 0 : i32
    %eq3A_66 = arith.cmpi eq, %arg1, %eq3A_65 : i32
    %convert_element_type3A_67 = arith.extui %eq3A_66 : i1 to i32
    %cond3A_68 = arith.constant 0 : i32
    %cond3A_69 = arith.cmpi ne, %convert_element_type3A_67, %cond3A_68 : i32
    scf.if %cond3A_69 {
      "tpu.region"() ({
        %run_scoped3A = tpu.sem_alloc : memref<!tpu.dma_semaphore, #tpu.memory_space<semaphore_mem>>
        %dma_start3A_145 = arith.constant 9984 : i32
        %dma_start3A_146 = arith.constant 0 : i32
        %dma_start3A_147 = tpu.memref_slice %arg7[%arg0, %dma_start3A_145, %dma_start3A_146] : memref<2x10000x128xf32, #tpu.memory_space<hbm>> -> memref<1x16x128xf32, #tpu.memory_space<hbm>>
        %dma_start3A_148 = tpu.memref_squeeze %dma_start3A_147 : memref<1x16x128xf32, #tpu.memory_space<hbm>> -> memref<16x128xf32, #tpu.memory_space<hbm>>
        %dma_start3A_149 = arith.constant 9984 : i32
        %dma_start3A_150 = arith.constant 0 : i32
        %dma_start3A_151 = tpu.memref_slice %arg11[%dma_start3A_149, %dma_start3A_150] : memref<10000x128xf32, #tpu.memory_space<vmem_shared>> -> memref<16x128xf32, #tpu.memory_space<vmem_shared>>
        tpu.enqueue_dma source(%dma_start3A_151 : memref<16x128xf32, #tpu.memory_space<vmem_shared>>) target(%dma_start3A_148 : memref<16x128xf32, #tpu.memory_space<hbm>>) target_semaphore(%run_scoped3A : memref<!tpu.dma_semaphore, #tpu.memory_space<semaphore_mem>>)
        %dma_wait3A_152 = arith.constant 9984 : i32
        %dma_wait3A_153 = arith.constant 0 : i32
        %dma_wait3A_154 = tpu.memref_slice %arg7[%arg0, %dma_wait3A_152, %dma_wait3A_153] : memref<2x10000x128xf32, #tpu.memory_space<hbm>> -> memref<1x16x128xf32, #tpu.memory_space<hbm>>
        %dma_wait3A_155 = tpu.memref_squeeze %dma_wait3A_154 : memref<1x16x128xf32, #tpu.memory_space<hbm>> -> memref<16x128xf32, #tpu.memory_space<hbm>>
        %dma_wait3A_156 = arith.constant 9984 : i32
        %dma_wait3A_157 = arith.constant 0 : i32
        %dma_wait3A_158 = tpu.memref_slice %arg11[%dma_wait3A_156, %dma_wait3A_157] : memref<10000x128xf32, #tpu.memory_space<vmem_shared>> -> memref<16x128xf32, #tpu.memory_space<vmem_shared>>
        tpu.wait_dma2 semaphore(%run_scoped3A : memref<!tpu.dma_semaphore, #tpu.memory_space<semaphore_mem>>) src(%dma_wait3A_158 : memref<16x128xf32, #tpu.memory_space<vmem_shared>>) dst(%dma_wait3A_155 : memref<16x128xf32, #tpu.memory_space<hbm>>)
        tpu.yield
      }) : () -> ()
    } else {
    }
    %barrier3A_70 = arith.constant 0 : index
    tpu.barrier barrier_id(%barrier3A_70)
    "tpu.region"() ({
      %run_scoped3A = tpu.sem_alloc : memref<!tpu.dma_semaphore, #tpu.memory_space<semaphore_mem>>
      %dma_start3A_145 = arith.constant 0 : i32
      %dma_start3A_146 = tpu.memref_slice %arg11[%mul3A_0, %dma_start3A_145] : memref<10000x128xf32, #tpu.memory_space<vmem_shared>> -> memref<624x128xf32, #tpu.memory_space<vmem_shared>>
      %dma_start3A_147 = arith.constant 0 : i32
      %dma_start3A_148 = tpu.memref_slice %arg6[%mul3A_0, %dma_start3A_147] : memref<10000x128xf32, #tpu.memory_space<hbm>> -> memref<624x128xf32, #tpu.memory_space<hbm>>
      tpu.enqueue_dma source(%dma_start3A_148 : memref<624x128xf32, #tpu.memory_space<hbm>>) target(%dma_start3A_146 : memref<624x128xf32, #tpu.memory_space<vmem_shared>>) target_semaphore(%run_scoped3A : memref<!tpu.dma_semaphore, #tpu.memory_space<semaphore_mem>>)
      %dma_wait3A_149 = arith.constant 0 : i32
      %dma_wait3A_150 = tpu.memref_slice %arg11[%mul3A_0, %dma_wait3A_149] : memref<10000x128xf32, #tpu.memory_space<vmem_shared>> -> memref<624x128xf32, #tpu.memory_space<vmem_shared>>
      %dma_wait3A_151 = arith.constant 0 : i32
      %dma_wait3A_152 = tpu.memref_slice %arg6[%mul3A_0, %dma_wait3A_151] : memref<10000x128xf32, #tpu.memory_space<hbm>> -> memref<624x128xf32, #tpu.memory_space<hbm>>
      tpu.wait_dma2 semaphore(%run_scoped3A : memref<!tpu.dma_semaphore, #tpu.memory_space<semaphore_mem>>) src(%dma_wait3A_152 : memref<624x128xf32, #tpu.memory_space<hbm>>) dst(%dma_wait3A_150 : memref<624x128xf32, #tpu.memory_space<vmem_shared>>)
      tpu.yield
    }) : () -> ()
    %eq3A_71 = arith.constant 0 : i32
    %eq3A_72 = arith.cmpi eq, %arg1, %eq3A_71 : i32
    %convert_element_type3A_73 = arith.extui %eq3A_72 : i1 to i32
    %cond3A_74 = arith.constant 0 : i32
    %cond3A_75 = arith.cmpi ne, %convert_element_type3A_73, %cond3A_74 : i32
    scf.if %cond3A_75 {
      "tpu.region"() ({
        %run_scoped3A = tpu.sem_alloc : memref<!tpu.dma_semaphore, #tpu.memory_space<semaphore_mem>>
        %dma_start3A_145 = arith.constant 9984 : i32
        %dma_start3A_146 = arith.constant 0 : i32
        %dma_start3A_147 = tpu.memref_slice %arg11[%dma_start3A_145, %dma_start3A_146] : memref<10000x128xf32, #tpu.memory_space<vmem_shared>> -> memref<16x128xf32, #tpu.memory_space<vmem_shared>>
        %dma_start3A_148 = arith.constant 9984 : i32
        %dma_start3A_149 = arith.constant 0 : i32
        %dma_start3A_150 = tpu.memref_slice %arg6[%dma_start3A_148, %dma_start3A_149] : memref<10000x128xf32, #tpu.memory_space<hbm>> -> memref<16x128xf32, #tpu.memory_space<hbm>>
        tpu.enqueue_dma source(%dma_start3A_150 : memref<16x128xf32, #tpu.memory_space<hbm>>) target(%dma_start3A_147 : memref<16x128xf32, #tpu.memory_space<vmem_shared>>) target_semaphore(%run_scoped3A : memref<!tpu.dma_semaphore, #tpu.memory_space<semaphore_mem>>)
        %dma_wait3A_151 = arith.constant 9984 : i32
        %dma_wait3A_152 = arith.constant 0 : i32
        %dma_wait3A_153 = tpu.memref_slice %arg11[%dma_wait3A_151, %dma_wait3A_152] : memref<10000x128xf32, #tpu.memory_space<vmem_shared>> -> memref<16x128xf32, #tpu.memory_space<vmem_shared>>
        %dma_wait3A_154 = arith.constant 9984 : i32
        %dma_wait3A_155 = arith.constant 0 : i32
        %dma_wait3A_156 = tpu.memref_slice %arg6[%dma_wait3A_154, %dma_wait3A_155] : memref<10000x128xf32, #tpu.memory_space<hbm>> -> memref<16x128xf32, #tpu.memory_space<hbm>>
        tpu.wait_dma2 semaphore(%run_scoped3A : memref<!tpu.dma_semaphore, #tpu.memory_space<semaphore_mem>>) src(%dma_wait3A_156 : memref<16x128xf32, #tpu.memory_space<hbm>>) dst(%dma_wait3A_153 : memref<16x128xf32, #tpu.memory_space<vmem_shared>>)
        tpu.yield
      }) : () -> ()
    } else {
    }
    %barrier3A_76 = arith.constant 0 : index
    tpu.barrier barrier_id(%barrier3A_76)
    %scan3A_77 = arith.constant 0 : i32
    %scan3A_78 = arith.constant 0 : i32
    %scan3A_79 = arith.constant 62 : i32
    %scan3A_80 = arith.addi %scan3A_78, %scan3A_79 : i32
    %scan3A_81 = arith.constant 1 : i32
    scf.for %scan3A_145 = %scan3A_78 to %scan3A_80 step %scan3A_81  : i32 {
      %mul3A_146 = arith.constant 4 : i32
      %mul3A_147 = arith.muli %scan3A_145, %mul3A_146 : i32
      %add3A_148 = arith.constant 0 : i32
      %add3A_149 = arith.addi %mul3A_147, %add3A_148 : i32
      %dma_start3A_150 = arith.constant 0 : i32
      %dma_start3A_151 = tpu.memref_slice %arg9[%add3A_149, %dma_start3A_150] : memref<250x40xi32, #tpu.memory_space<vmem>> -> memref<1x40xi32, #tpu.memory_space<vmem>>
      %dma_start3A_152 = tpu.memref_squeeze %dma_start3A_151 : memref<1x40xi32, #tpu.memory_space<vmem>> -> memref<40xi32, #tpu.memory_space<vmem>>
      %dma_start3A_153 = arith.constant 0 : i32
      %dma_start3A_154 = arith.constant 0 : i32
      %dma_start3A_155 = tpu.memref_slice %arg3[%dma_start3A_153, %dma_start3A_154] : memref<10000x128xf32, #tpu.memory_space<hbm>> -> memref<10000x128xf32, #tpu.memory_space<hbm>>
      tpu.enqueue_indirect_dma source(%dma_start3A_155 : memref<10000x128xf32, #tpu.memory_space<hbm>>) target(%arg12 : memref<40x128xf32, #tpu.memory_space<vmem>>) offsets(%dma_start3A_152 : memref<40xi32, #tpu.memory_space<vmem>>) semaphore(%arg16 : memref<!tpu.dma_semaphore, #tpu.memory_space<semaphore_mem>>)
      %add3A_156 = arith.constant 1 : i32
      %add3A_157 = arith.addi %mul3A_147, %add3A_156 : i32
      %dma_start3A_158 = arith.constant 0 : i32
      %dma_start3A_159 = tpu.memref_slice %arg9[%add3A_157, %dma_start3A_158] : memref<250x40xi32, #tpu.memory_space<vmem>> -> memref<1x40xi32, #tpu.memory_space<vmem>>
      %dma_start3A_160 = tpu.memref_squeeze %dma_start3A_159 : memref<1x40xi32, #tpu.memory_space<vmem>> -> memref<40xi32, #tpu.memory_space<vmem>>
      %dma_start3A_161 = arith.constant 0 : i32
      %dma_start3A_162 = arith.constant 0 : i32
      %dma_start3A_163 = tpu.memref_slice %arg3[%dma_start3A_161, %dma_start3A_162] : memref<10000x128xf32, #tpu.memory_space<hbm>> -> memref<10000x128xf32, #tpu.memory_space<hbm>>
      tpu.enqueue_indirect_dma source(%dma_start3A_163 : memref<10000x128xf32, #tpu.memory_space<hbm>>) target(%arg13 : memref<40x128xf32, #tpu.memory_space<vmem>>) offsets(%dma_start3A_160 : memref<40xi32, #tpu.memory_space<vmem>>) semaphore(%arg17 : memref<!tpu.dma_semaphore, #tpu.memory_space<semaphore_mem>>)
      %add3A_164 = arith.constant 2 : i32
      %add3A_165 = arith.addi %mul3A_147, %add3A_164 : i32
      %dma_start3A_166 = arith.constant 0 : i32
      %dma_start3A_167 = tpu.memref_slice %arg9[%add3A_165, %dma_start3A_166] : memref<250x40xi32, #tpu.memory_space<vmem>> -> memref<1x40xi32, #tpu.memory_space<vmem>>
      %dma_start3A_168 = tpu.memref_squeeze %dma_start3A_167 : memref<1x40xi32, #tpu.memory_space<vmem>> -> memref<40xi32, #tpu.memory_space<vmem>>
      %dma_start3A_169 = arith.constant 0 : i32
      %dma_start3A_170 = arith.constant 0 : i32
      %dma_start3A_171 = tpu.memref_slice %arg3[%dma_start3A_169, %dma_start3A_170] : memref<10000x128xf32, #tpu.memory_space<hbm>> -> memref<10000x128xf32, #tpu.memory_space<hbm>>
      tpu.enqueue_indirect_dma source(%dma_start3A_171 : memref<10000x128xf32, #tpu.memory_space<hbm>>) target(%arg14 : memref<40x128xf32, #tpu.memory_space<vmem>>) offsets(%dma_start3A_168 : memref<40xi32, #tpu.memory_space<vmem>>) semaphore(%arg18 : memref<!tpu.dma_semaphore, #tpu.memory_space<semaphore_mem>>)
      %add3A_172 = arith.constant 3 : i32
      %add3A_173 = arith.addi %mul3A_147, %add3A_172 : i32
      %dma_start3A_174 = arith.constant 0 : i32
      %dma_start3A_175 = tpu.memref_slice %arg9[%add3A_173, %dma_start3A_174] : memref<250x40xi32, #tpu.memory_space<vmem>> -> memref<1x40xi32, #tpu.memory_space<vmem>>
      %dma_start3A_176 = tpu.memref_squeeze %dma_start3A_175 : memref<1x40xi32, #tpu.memory_space<vmem>> -> memref<40xi32, #tpu.memory_space<vmem>>
      %dma_start3A_177 = arith.constant 0 : i32
      %dma_start3A_178 = arith.constant 0 : i32
      %dma_start3A_179 = tpu.memref_slice %arg3[%dma_start3A_177, %dma_start3A_178] : memref<10000x128xf32, #tpu.memory_space<hbm>> -> memref<10000x128xf32, #tpu.memory_space<hbm>>
      tpu.enqueue_indirect_dma source(%dma_start3A_179 : memref<10000x128xf32, #tpu.memory_space<hbm>>) target(%arg15 : memref<40x128xf32, #tpu.memory_space<vmem>>) offsets(%dma_start3A_176 : memref<40xi32, #tpu.memory_space<vmem>>) semaphore(%arg19 : memref<!tpu.dma_semaphore, #tpu.memory_space<semaphore_mem>>)
      %dma_wait3A_180 = arith.constant 0 : i32
      %dma_wait3A_181 = tpu.memref_slice %arg9[%add3A_149, %dma_wait3A_180] : memref<250x40xi32, #tpu.memory_space<vmem>> -> memref<1x40xi32, #tpu.memory_space<vmem>>
      %dma_wait3A_182 = tpu.memref_squeeze %dma_wait3A_181 : memref<1x40xi32, #tpu.memory_space<vmem>> -> memref<40xi32, #tpu.memory_space<vmem>>
      %dma_wait3A_183 = arith.constant 0 : i32
      %dma_wait3A_184 = arith.constant 0 : i32
      %dma_wait3A_185 = tpu.memref_slice %arg3[%dma_wait3A_183, %dma_wait3A_184] : memref<10000x128xf32, #tpu.memory_space<hbm>> -> memref<10000x128xf32, #tpu.memory_space<hbm>>
      tpu.wait_indirect_dma semaphore(%arg16 : memref<!tpu.dma_semaphore, #tpu.memory_space<semaphore_mem>>) src(%dma_wait3A_185 : memref<10000x128xf32, #tpu.memory_space<hbm>>) dst(%arg12 : memref<40x128xf32, #tpu.memory_space<vmem>>)
      %add3A_186 = arith.constant 0 : i32
      %add3A_187 = arith.addi %mul3A_147, %add3A_186 : i32
      %dma_start3A_188 = arith.constant 0 : i32
      %dma_start3A_189 = tpu.memref_slice %arg10[%add3A_187, %dma_start3A_188] : memref<250x40xi32, #tpu.memory_space<vmem>> -> memref<1x40xi32, #tpu.memory_space<vmem>>
      %dma_start3A_190 = tpu.memref_squeeze %dma_start3A_189 : memref<1x40xi32, #tpu.memory_space<vmem>> -> memref<40xi32, #tpu.memory_space<vmem>>
      %dma_start3A_191 = arith.constant 0 : i32
      %dma_start3A_192 = arith.constant 0 : i32
      %dma_start3A_193 = tpu.memref_slice %arg11[%dma_start3A_191, %dma_start3A_192] : memref<10000x128xf32, #tpu.memory_space<vmem_shared>> -> memref<10000x128xf32, #tpu.memory_space<vmem_shared>>
      tpu.enqueue_indirect_dma source(%arg12 : memref<40x128xf32, #tpu.memory_space<vmem>>) target(%dma_start3A_193 : memref<10000x128xf32, #tpu.memory_space<vmem_shared>>) offsets(%dma_start3A_190 : memref<40xi32, #tpu.memory_space<vmem>>) semaphore(%arg20 : memref<!tpu.dma_semaphore, #tpu.memory_space<semaphore_mem>>) {add = true}
      %dma_wait3A_194 = arith.constant 0 : i32
      %dma_wait3A_195 = tpu.memref_slice %arg9[%add3A_157, %dma_wait3A_194] : memref<250x40xi32, #tpu.memory_space<vmem>> -> memref<1x40xi32, #tpu.memory_space<vmem>>
      %dma_wait3A_196 = tpu.memref_squeeze %dma_wait3A_195 : memref<1x40xi32, #tpu.memory_space<vmem>> -> memref<40xi32, #tpu.memory_space<vmem>>
      %dma_wait3A_197 = arith.constant 0 : i32
      %dma_wait3A_198 = arith.constant 0 : i32
      %dma_wait3A_199 = tpu.memref_slice %arg3[%dma_wait3A_197, %dma_wait3A_198] : memref<10000x128xf32, #tpu.memory_space<hbm>> -> memref<10000x128xf32, #tpu.memory_space<hbm>>
      tpu.wait_indirect_dma semaphore(%arg17 : memref<!tpu.dma_semaphore, #tpu.memory_space<semaphore_mem>>) src(%dma_wait3A_199 : memref<10000x128xf32, #tpu.memory_space<hbm>>) dst(%arg13 : memref<40x128xf32, #tpu.memory_space<vmem>>)
      %add3A_200 = arith.constant 1 : i32
      %add3A_201 = arith.addi %mul3A_147, %add3A_200 : i32
      %dma_start3A_202 = arith.constant 0 : i32
      %dma_start3A_203 = tpu.memref_slice %arg10[%add3A_201, %dma_start3A_202] : memref<250x40xi32, #tpu.memory_space<vmem>> -> memref<1x40xi32, #tpu.memory_space<vmem>>
      %dma_start3A_204 = tpu.memref_squeeze %dma_start3A_203 : memref<1x40xi32, #tpu.memory_space<vmem>> -> memref<40xi32, #tpu.memory_space<vmem>>
      %dma_start3A_205 = arith.constant 0 : i32
      %dma_start3A_206 = arith.constant 0 : i32
      %dma_start3A_207 = tpu.memref_slice %arg11[%dma_start3A_205, %dma_start3A_206] : memref<10000x128xf32, #tpu.memory_space<vmem_shared>> -> memref<10000x128xf32, #tpu.memory_space<vmem_shared>>
      tpu.enqueue_indirect_dma source(%arg13 : memref<40x128xf32, #tpu.memory_space<vmem>>) target(%dma_start3A_207 : memref<10000x128xf32, #tpu.memory_space<vmem_shared>>) offsets(%dma_start3A_204 : memref<40xi32, #tpu.memory_space<vmem>>) semaphore(%arg21 : memref<!tpu.dma_semaphore, #tpu.memory_space<semaphore_mem>>) {add = true}
      %dma_wait3A_208 = arith.constant 0 : i32
      %dma_wait3A_209 = tpu.memref_slice %arg9[%add3A_165, %dma_wait3A_208] : memref<250x40xi32, #tpu.memory_space<vmem>> -> memref<1x40xi32, #tpu.memory_space<vmem>>
      %dma_wait3A_210 = tpu.memref_squeeze %dma_wait3A_209 : memref<1x40xi32, #tpu.memory_space<vmem>> -> memref<40xi32, #tpu.memory_space<vmem>>
      %dma_wait3A_211 = arith.constant 0 : i32
      %dma_wait3A_212 = arith.constant 0 : i32
      %dma_wait3A_213 = tpu.memref_slice %arg3[%dma_wait3A_211, %dma_wait3A_212] : memref<10000x128xf32, #tpu.memory_space<hbm>> -> memref<10000x128xf32, #tpu.memory_space<hbm>>
      tpu.wait_indirect_dma semaphore(%arg18 : memref<!tpu.dma_semaphore, #tpu.memory_space<semaphore_mem>>) src(%dma_wait3A_213 : memref<10000x128xf32, #tpu.memory_space<hbm>>) dst(%arg14 : memref<40x128xf32, #tpu.memory_space<vmem>>)
      %add3A_214 = arith.constant 2 : i32
      %add3A_215 = arith.addi %mul3A_147, %add3A_214 : i32
      %dma_start3A_216 = arith.constant 0 : i32
      %dma_start3A_217 = tpu.memref_slice %arg10[%add3A_215, %dma_start3A_216] : memref<250x40xi32, #tpu.memory_space<vmem>> -> memref<1x40xi32, #tpu.memory_space<vmem>>
      %dma_start3A_218 = tpu.memref_squeeze %dma_start3A_217 : memref<1x40xi32, #tpu.memory_space<vmem>> -> memref<40xi32, #tpu.memory_space<vmem>>
      %dma_start3A_219 = arith.constant 0 : i32
      %dma_start3A_220 = arith.constant 0 : i32
      %dma_start3A_221 = tpu.memref_slice %arg11[%dma_start3A_219, %dma_start3A_220] : memref<10000x128xf32, #tpu.memory_space<vmem_shared>> -> memref<10000x128xf32, #tpu.memory_space<vmem_shared>>
      tpu.enqueue_indirect_dma source(%arg14 : memref<40x128xf32, #tpu.memory_space<vmem>>) target(%dma_start3A_221 : memref<10000x128xf32, #tpu.memory_space<vmem_shared>>) offsets(%dma_start3A_218 : memref<40xi32, #tpu.memory_space<vmem>>) semaphore(%arg22 : memref<!tpu.dma_semaphore, #tpu.memory_space<semaphore_mem>>) {add = true}
      %dma_wait3A_222 = arith.constant 0 : i32
      %dma_wait3A_223 = tpu.memref_slice %arg9[%add3A_173, %dma_wait3A_222] : memref<250x40xi32, #tpu.memory_space<vmem>> -> memref<1x40xi32, #tpu.memory_space<vmem>>
      %dma_wait3A_224 = tpu.memref_squeeze %dma_wait3A_223 : memref<1x40xi32, #tpu.memory_space<vmem>> -> memref<40xi32, #tpu.memory_space<vmem>>
      %dma_wait3A_225 = arith.constant 0 : i32
      %dma_wait3A_226 = arith.constant 0 : i32
      %dma_wait3A_227 = tpu.memref_slice %arg3[%dma_wait3A_225, %dma_wait3A_226] : memref<10000x128xf32, #tpu.memory_space<hbm>> -> memref<10000x128xf32, #tpu.memory_space<hbm>>
      tpu.wait_indirect_dma semaphore(%arg19 : memref<!tpu.dma_semaphore, #tpu.memory_space<semaphore_mem>>) src(%dma_wait3A_227 : memref<10000x128xf32, #tpu.memory_space<hbm>>) dst(%arg15 : memref<40x128xf32, #tpu.memory_space<vmem>>)
      %add3A_228 = arith.constant 3 : i32
      %add3A_229 = arith.addi %mul3A_147, %add3A_228 : i32
      %dma_start3A_230 = arith.constant 0 : i32
      %dma_start3A_231 = tpu.memref_slice %arg10[%add3A_229, %dma_start3A_230] : memref<250x40xi32, #tpu.memory_space<vmem>> -> memref<1x40xi32, #tpu.memory_space<vmem>>
      %dma_start3A_232 = tpu.memref_squeeze %dma_start3A_231 : memref<1x40xi32, #tpu.memory_space<vmem>> -> memref<40xi32, #tpu.memory_space<vmem>>
      %dma_start3A_233 = arith.constant 0 : i32
      %dma_start3A_234 = arith.constant 0 : i32
      %dma_start3A_235 = tpu.memref_slice %arg11[%dma_start3A_233, %dma_start3A_234] : memref<10000x128xf32, #tpu.memory_space<vmem_shared>> -> memref<10000x128xf32, #tpu.memory_space<vmem_shared>>
      tpu.enqueue_indirect_dma source(%arg15 : memref<40x128xf32, #tpu.memory_space<vmem>>) target(%dma_start3A_235 : memref<10000x128xf32, #tpu.memory_space<vmem_shared>>) offsets(%dma_start3A_232 : memref<40xi32, #tpu.memory_space<vmem>>) semaphore(%arg23 : memref<!tpu.dma_semaphore, #tpu.memory_space<semaphore_mem>>) {add = true}
      %dma_wait3A_236 = arith.constant 0 : i32
      %dma_wait3A_237 = tpu.memref_slice %arg10[%add3A_187, %dma_wait3A_236] : memref<250x40xi32, #tpu.memory_space<vmem>> -> memref<1x40xi32, #tpu.memory_space<vmem>>
      %dma_wait3A_238 = tpu.memref_squeeze %dma_wait3A_237 : memref<1x40xi32, #tpu.memory_space<vmem>> -> memref<40xi32, #tpu.memory_space<vmem>>
      %dma_wait3A_239 = arith.constant 0 : i32
      %dma_wait3A_240 = arith.constant 0 : i32
      %dma_wait3A_241 = tpu.memref_slice %arg11[%dma_wait3A_239, %dma_wait3A_240] : memref<10000x128xf32, #tpu.memory_space<vmem_shared>> -> memref<10000x128xf32, #tpu.memory_space<vmem_shared>>
      tpu.wait_indirect_dma semaphore(%arg20 : memref<!tpu.dma_semaphore, #tpu.memory_space<semaphore_mem>>) src(%arg12 : memref<40x128xf32, #tpu.memory_space<vmem>>) dst(%dma_wait3A_241 : memref<10000x128xf32, #tpu.memory_space<vmem_shared>>)
      %dma_wait3A_242 = arith.constant 0 : i32
      %dma_wait3A_243 = tpu.memref_slice %arg10[%add3A_201, %dma_wait3A_242] : memref<250x40xi32, #tpu.memory_space<vmem>> -> memref<1x40xi32, #tpu.memory_space<vmem>>
      %dma_wait3A_244 = tpu.memref_squeeze %dma_wait3A_243 : memref<1x40xi32, #tpu.memory_space<vmem>> -> memref<40xi32, #tpu.memory_space<vmem>>
      %dma_wait3A_245 = arith.constant 0 : i32
      %dma_wait3A_246 = arith.constant 0 : i32
      %dma_wait3A_247 = tpu.memref_slice %arg11[%dma_wait3A_245, %dma_wait3A_246] : memref<10000x128xf32, #tpu.memory_space<vmem_shared>> -> memref<10000x128xf32, #tpu.memory_space<vmem_shared>>
      tpu.wait_indirect_dma semaphore(%arg21 : memref<!tpu.dma_semaphore, #tpu.memory_space<semaphore_mem>>) src(%arg13 : memref<40x128xf32, #tpu.memory_space<vmem>>) dst(%dma_wait3A_247 : memref<10000x128xf32, #tpu.memory_space<vmem_shared>>)
      %dma_wait3A_248 = arith.constant 0 : i32
      %dma_wait3A_249 = tpu.memref_slice %arg10[%add3A_215, %dma_wait3A_248] : memref<250x40xi32, #tpu.memory_space<vmem>> -> memref<1x40xi32, #tpu.memory_space<vmem>>
      %dma_wait3A_250 = tpu.memref_squeeze %dma_wait3A_249 : memref<1x40xi32, #tpu.memory_space<vmem>> -> memref<40xi32, #tpu.memory_space<vmem>>
      %dma_wait3A_251 = arith.constant 0 : i32
      %dma_wait3A_252 = arith.constant 0 : i32
      %dma_wait3A_253 = tpu.memref_slice %arg11[%dma_wait3A_251, %dma_wait3A_252] : memref<10000x128xf32, #tpu.memory_space<vmem_shared>> -> memref<10000x128xf32, #tpu.memory_space<vmem_shared>>
      tpu.wait_indirect_dma semaphore(%arg22 : memref<!tpu.dma_semaphore, #tpu.memory_space<semaphore_mem>>) src(%arg14 : memref<40x128xf32, #tpu.memory_space<vmem>>) dst(%dma_wait3A_253 : memref<10000x128xf32, #tpu.memory_space<vmem_shared>>)
      %dma_wait3A_254 = arith.constant 0 : i32
      %dma_wait3A_255 = tpu.memref_slice %arg10[%add3A_229, %dma_wait3A_254] : memref<250x40xi32, #tpu.memory_space<vmem>> -> memref<1x40xi32, #tpu.memory_space<vmem>>
      %dma_wait3A_256 = tpu.memref_squeeze %dma_wait3A_255 : memref<1x40xi32, #tpu.memory_space<vmem>> -> memref<40xi32, #tpu.memory_space<vmem>>
      %dma_wait3A_257 = arith.constant 0 : i32
      %dma_wait3A_258 = arith.constant 0 : i32
      %dma_wait3A_259 = tpu.memref_slice %arg11[%dma_wait3A_257, %dma_wait3A_258] : memref<10000x128xf32, #tpu.memory_space<vmem_shared>> -> memref<10000x128xf32, #tpu.memory_space<vmem_shared>>
      tpu.wait_indirect_dma semaphore(%arg23 : memref<!tpu.dma_semaphore, #tpu.memory_space<semaphore_mem>>) src(%arg15 : memref<40x128xf32, #tpu.memory_space<vmem>>) dst(%dma_wait3A_259 : memref<10000x128xf32, #tpu.memory_space<vmem_shared>>)
    }
    %scan3A_82 = arith.constant 62 : i32
    %dma_start3A_83 = arith.constant 248 : i32
    %dma_start3A_84 = arith.constant 0 : i32
    %dma_start3A_85 = tpu.memref_slice %arg9[%dma_start3A_83, %dma_start3A_84] : memref<250x40xi32, #tpu.memory_space<vmem>> -> memref<1x40xi32, #tpu.memory_space<vmem>>
    %dma_start3A_86 = tpu.memref_squeeze %dma_start3A_85 : memref<1x40xi32, #tpu.memory_space<vmem>> -> memref<40xi32, #tpu.memory_space<vmem>>
    %dma_start3A_87 = arith.constant 0 : i32
    %dma_start3A_88 = arith.constant 0 : i32
    %dma_start3A_89 = tpu.memref_slice %arg3[%dma_start3A_87, %dma_start3A_88] : memref<10000x128xf32, #tpu.memory_space<hbm>> -> memref<10000x128xf32, #tpu.memory_space<hbm>>
    tpu.enqueue_indirect_dma source(%dma_start3A_89 : memref<10000x128xf32, #tpu.memory_space<hbm>>) target(%arg12 : memref<40x128xf32, #tpu.memory_space<vmem>>) offsets(%dma_start3A_86 : memref<40xi32, #tpu.memory_space<vmem>>) semaphore(%arg16 : memref<!tpu.dma_semaphore, #tpu.memory_space<semaphore_mem>>)
    %dma_start3A_90 = arith.constant 249 : i32
    %dma_start3A_91 = arith.constant 0 : i32
    %dma_start3A_92 = tpu.memref_slice %arg9[%dma_start3A_90, %dma_start3A_91] : memref<250x40xi32, #tpu.memory_space<vmem>> -> memref<1x40xi32, #tpu.memory_space<vmem>>
    %dma_start3A_93 = tpu.memref_squeeze %dma_start3A_92 : memref<1x40xi32, #tpu.memory_space<vmem>> -> memref<40xi32, #tpu.memory_space<vmem>>
    %dma_start3A_94 = arith.constant 0 : i32
    %dma_start3A_95 = arith.constant 0 : i32
    %dma_start3A_96 = tpu.memref_slice %arg3[%dma_start3A_94, %dma_start3A_95] : memref<10000x128xf32, #tpu.memory_space<hbm>> -> memref<10000x128xf32, #tpu.memory_space<hbm>>
    tpu.enqueue_indirect_dma source(%dma_start3A_96 : memref<10000x128xf32, #tpu.memory_space<hbm>>) target(%arg13 : memref<40x128xf32, #tpu.memory_space<vmem>>) offsets(%dma_start3A_93 : memref<40xi32, #tpu.memory_space<vmem>>) semaphore(%arg17 : memref<!tpu.dma_semaphore, #tpu.memory_space<semaphore_mem>>)
    %dma_wait3A_97 = arith.constant 248 : i32
    %dma_wait3A_98 = arith.constant 0 : i32
    %dma_wait3A_99 = tpu.memref_slice %arg9[%dma_wait3A_97, %dma_wait3A_98] : memref<250x40xi32, #tpu.memory_space<vmem>> -> memref<1x40xi32, #tpu.memory_space<vmem>>
    %dma_wait3A_100 = tpu.memref_squeeze %dma_wait3A_99 : memref<1x40xi32, #tpu.memory_space<vmem>> -> memref<40xi32, #tpu.memory_space<vmem>>
    %dma_wait3A_101 = arith.constant 0 : i32
    %dma_wait3A_102 = arith.constant 0 : i32
    %dma_wait3A_103 = tpu.memref_slice %arg3[%dma_wait3A_101, %dma_wait3A_102] : memref<10000x128xf32, #tpu.memory_space<hbm>> -> memref<10000x128xf32, #tpu.memory_space<hbm>>
    tpu.wait_indirect_dma semaphore(%arg16 : memref<!tpu.dma_semaphore, #tpu.memory_space<semaphore_mem>>) src(%dma_wait3A_103 : memref<10000x128xf32, #tpu.memory_space<hbm>>) dst(%arg12 : memref<40x128xf32, #tpu.memory_space<vmem>>)
    %dma_start3A_104 = arith.constant 248 : i32
    %dma_start3A_105 = arith.constant 0 : i32
    %dma_start3A_106 = tpu.memref_slice %arg10[%dma_start3A_104, %dma_start3A_105] : memref<250x40xi32, #tpu.memory_space<vmem>> -> memref<1x40xi32, #tpu.memory_space<vmem>>
    %dma_start3A_107 = tpu.memref_squeeze %dma_start3A_106 : memref<1x40xi32, #tpu.memory_space<vmem>> -> memref<40xi32, #tpu.memory_space<vmem>>
    %dma_start3A_108 = arith.constant 0 : i32
    %dma_start3A_109 = arith.constant 0 : i32
    %dma_start3A_110 = tpu.memref_slice %arg11[%dma_start3A_108, %dma_start3A_109] : memref<10000x128xf32, #tpu.memory_space<vmem_shared>> -> memref<10000x128xf32, #tpu.memory_space<vmem_shared>>
    tpu.enqueue_indirect_dma source(%arg12 : memref<40x128xf32, #tpu.memory_space<vmem>>) target(%dma_start3A_110 : memref<10000x128xf32, #tpu.memory_space<vmem_shared>>) offsets(%dma_start3A_107 : memref<40xi32, #tpu.memory_space<vmem>>) semaphore(%arg20 : memref<!tpu.dma_semaphore, #tpu.memory_space<semaphore_mem>>) {add = true}
    %dma_wait3A_111 = arith.constant 249 : i32
    %dma_wait3A_112 = arith.constant 0 : i32
    %dma_wait3A_113 = tpu.memref_slice %arg9[%dma_wait3A_111, %dma_wait3A_112] : memref<250x40xi32, #tpu.memory_space<vmem>> -> memref<1x40xi32, #tpu.memory_space<vmem>>
    %dma_wait3A_114 = tpu.memref_squeeze %dma_wait3A_113 : memref<1x40xi32, #tpu.memory_space<vmem>> -> memref<40xi32, #tpu.memory_space<vmem>>
    %dma_wait3A_115 = arith.constant 0 : i32
    %dma_wait3A_116 = arith.constant 0 : i32
    %dma_wait3A_117 = tpu.memref_slice %arg3[%dma_wait3A_115, %dma_wait3A_116] : memref<10000x128xf32, #tpu.memory_space<hbm>> -> memref<10000x128xf32, #tpu.memory_space<hbm>>
    tpu.wait_indirect_dma semaphore(%arg17 : memref<!tpu.dma_semaphore, #tpu.memory_space<semaphore_mem>>) src(%dma_wait3A_117 : memref<10000x128xf32, #tpu.memory_space<hbm>>) dst(%arg13 : memref<40x128xf32, #tpu.memory_space<vmem>>)
    %dma_start3A_118 = arith.constant 249 : i32
    %dma_start3A_119 = arith.constant 0 : i32
    %dma_start3A_120 = tpu.memref_slice %arg10[%dma_start3A_118, %dma_start3A_119] : memref<250x40xi32, #tpu.memory_space<vmem>> -> memref<1x40xi32, #tpu.memory_space<vmem>>
    %dma_start3A_121 = tpu.memref_squeeze %dma_start3A_120 : memref<1x40xi32, #tpu.memory_space<vmem>> -> memref<40xi32, #tpu.memory_space<vmem>>
    %dma_start3A_122 = arith.constant 0 : i32
    %dma_start3A_123 = arith.constant 0 : i32
    %dma_start3A_124 = tpu.memref_slice %arg11[%dma_start3A_122, %dma_start3A_123] : memref<10000x128xf32, #tpu.memory_space<vmem_shared>> -> memref<10000x128xf32, #tpu.memory_space<vmem_shared>>
    tpu.enqueue_indirect_dma source(%arg13 : memref<40x128xf32, #tpu.memory_space<vmem>>) target(%dma_start3A_124 : memref<10000x128xf32, #tpu.memory_space<vmem_shared>>) offsets(%dma_start3A_121 : memref<40xi32, #tpu.memory_space<vmem>>) semaphore(%arg21 : memref<!tpu.dma_semaphore, #tpu.memory_space<semaphore_mem>>) {add = true}
    %dma_wait3A_125 = arith.constant 248 : i32
    %dma_wait3A_126 = arith.constant 0 : i32
    %dma_wait3A_127 = tpu.memref_slice %arg10[%dma_wait3A_125, %dma_wait3A_126] : memref<250x40xi32, #tpu.memory_space<vmem>> -> memref<1x40xi32, #tpu.memory_space<vmem>>
    %dma_wait3A_128 = tpu.memref_squeeze %dma_wait3A_127 : memref<1x40xi32, #tpu.memory_space<vmem>> -> memref<40xi32, #tpu.memory_space<vmem>>
    %dma_wait3A_129 = arith.constant 0 : i32
    %dma_wait3A_130 = arith.constant 0 : i32
    %dma_wait3A_131 = tpu.memref_slice %arg11[%dma_wait3A_129, %dma_wait3A_130] : memref<10000x128xf32, #tpu.memory_space<vmem_shared>> -> memref<10000x128xf32, #tpu.memory_space<vmem_shared>>
    tpu.wait_indirect_dma semaphore(%arg20 : memref<!tpu.dma_semaphore, #tpu.memory_space<semaphore_mem>>) src(%arg12 : memref<40x128xf32, #tpu.memory_space<vmem>>) dst(%dma_wait3A_131 : memref<10000x128xf32, #tpu.memory_space<vmem_shared>>)
    %dma_wait3A_132 = arith.constant 249 : i32
    %dma_wait3A_133 = arith.constant 0 : i32
    %dma_wait3A_134 = tpu.memref_slice %arg10[%dma_wait3A_132, %dma_wait3A_133] : memref<250x40xi32, #tpu.memory_space<vmem>> -> memref<1x40xi32, #tpu.memory_space<vmem>>
    %dma_wait3A_135 = tpu.memref_squeeze %dma_wait3A_134 : memref<1x40xi32, #tpu.memory_space<vmem>> -> memref<40xi32, #tpu.memory_space<vmem>>
    %dma_wait3A_136 = arith.constant 0 : i32
    %dma_wait3A_137 = arith.constant 0 : i32
    %dma_wait3A_138 = tpu.memref_slice %arg11[%dma_wait3A_136, %dma_wait3A_137] : memref<10000x128xf32, #tpu.memory_space<vmem_shared>> -> memref<10000x128xf32, #tpu.memory_space<vmem_shared>>
    tpu.wait_indirect_dma semaphore(%arg21 : memref<!tpu.dma_semaphore, #tpu.memory_space<semaphore_mem>>) src(%arg13 : memref<40x128xf32, #tpu.memory_space<vmem>>) dst(%dma_wait3A_138 : memref<10000x128xf32, #tpu.memory_space<vmem_shared>>)
    %barrier3A_139 = arith.constant 0 : index
    tpu.barrier barrier_id(%barrier3A_139)
    "tpu.region"() ({
      %run_scoped3A = tpu.sem_alloc : memref<!tpu.dma_semaphore, #tpu.memory_space<semaphore_mem>>
      %dma_start3A_145 = arith.constant 0 : i32
      %dma_start3A_146 = tpu.memref_slice %arg8[%arg0, %mul3A_0, %dma_start3A_145] : memref<2x10000x128xf32, #tpu.memory_space<hbm>> -> memref<1x624x128xf32, #tpu.memory_space<hbm>>
      %dma_start3A_147 = tpu.memref_squeeze %dma_start3A_146 : memref<1x624x128xf32, #tpu.memory_space<hbm>> -> memref<624x128xf32, #tpu.memory_space<hbm>>
      %dma_start3A_148 = arith.constant 0 : i32
      %dma_start3A_149 = tpu.memref_slice %arg11[%mul3A_0, %dma_start3A_148] : memref<10000x128xf32, #tpu.memory_space<vmem_shared>> -> memref<624x128xf32, #tpu.memory_space<vmem_shared>>
      tpu.enqueue_dma source(%dma_start3A_149 : memref<624x128xf32, #tpu.memory_space<vmem_shared>>) target(%dma_start3A_147 : memref<624x128xf32, #tpu.memory_space<hbm>>) target_semaphore(%run_scoped3A : memref<!tpu.dma_semaphore, #tpu.memory_space<semaphore_mem>>)
      %dma_wait3A_150 = arith.constant 0 : i32
      %dma_wait3A_151 = tpu.memref_slice %arg8[%arg0, %mul3A_0, %dma_wait3A_150] : memref<2x10000x128xf32, #tpu.memory_space<hbm>> -> memref<1x624x128xf32, #tpu.memory_space<hbm>>
      %dma_wait3A_152 = tpu.memref_squeeze %dma_wait3A_151 : memref<1x624x128xf32, #tpu.memory_space<hbm>> -> memref<624x128xf32, #tpu.memory_space<hbm>>
      %dma_wait3A_153 = arith.constant 0 : i32
      %dma_wait3A_154 = tpu.memref_slice %arg11[%mul3A_0, %dma_wait3A_153] : memref<10000x128xf32, #tpu.memory_space<vmem_shared>> -> memref<624x128xf32, #tpu.memory_space<vmem_shared>>
      tpu.wait_dma2 semaphore(%run_scoped3A : memref<!tpu.dma_semaphore, #tpu.memory_space<semaphore_mem>>) src(%dma_wait3A_154 : memref<624x128xf32, #tpu.memory_space<vmem_shared>>) dst(%dma_wait3A_152 : memref<624x128xf32, #tpu.memory_space<hbm>>)
      tpu.yield
    }) : () -> ()
    %eq3A_140 = arith.constant 0 : i32
    %eq3A_141 = arith.cmpi eq, %arg1, %eq3A_140 : i32
    %convert_element_type3A_142 = arith.extui %eq3A_141 : i1 to i32
    %cond3A_143 = arith.constant 0 : i32
    %cond3A_144 = arith.cmpi ne, %convert_element_type3A_142, %cond3A_143 : i32
    scf.if %cond3A_144 {
      "tpu.region"() ({
        %run_scoped3A = tpu.sem_alloc : memref<!tpu.dma_semaphore, #tpu.memory_space<semaphore_mem>>
        %dma_start3A_145 = arith.constant 9984 : i32
        %dma_start3A_146 = arith.constant 0 : i32
        %dma_start3A_147 = tpu.memref_slice %arg8[%arg0, %dma_start3A_145, %dma_start3A_146] : memref<2x10000x128xf32, #tpu.memory_space<hbm>> -> memref<1x16x128xf32, #tpu.memory_space<hbm>>
        %dma_start3A_148 = tpu.memref_squeeze %dma_start3A_147 : memref<1x16x128xf32, #tpu.memory_space<hbm>> -> memref<16x128xf32, #tpu.memory_space<hbm>>
        %dma_start3A_149 = arith.constant 9984 : i32
        %dma_start3A_150 = arith.constant 0 : i32
        %dma_start3A_151 = tpu.memref_slice %arg11[%dma_start3A_149, %dma_start3A_150] : memref<10000x128xf32, #tpu.memory_space<vmem_shared>> -> memref<16x128xf32, #tpu.memory_space<vmem_shared>>
        tpu.enqueue_dma source(%dma_start3A_151 : memref<16x128xf32, #tpu.memory_space<vmem_shared>>) target(%dma_start3A_148 : memref<16x128xf32, #tpu.memory_space<hbm>>) target_semaphore(%run_scoped3A : memref<!tpu.dma_semaphore, #tpu.memory_space<semaphore_mem>>)
        %dma_wait3A_152 = arith.constant 9984 : i32
        %dma_wait3A_153 = arith.constant 0 : i32
        %dma_wait3A_154 = tpu.memref_slice %arg8[%arg0, %dma_wait3A_152, %dma_wait3A_153] : memref<2x10000x128xf32, #tpu.memory_space<hbm>> -> memref<1x16x128xf32, #tpu.memory_space<hbm>>
        %dma_wait3A_155 = tpu.memref_squeeze %dma_wait3A_154 : memref<1x16x128xf32, #tpu.memory_space<hbm>> -> memref<16x128xf32, #tpu.memory_space<hbm>>
        %dma_wait3A_156 = arith.constant 9984 : i32
        %dma_wait3A_157 = arith.constant 0 : i32
        %dma_wait3A_158 = tpu.memref_slice %arg11[%dma_wait3A_156, %dma_wait3A_157] : memref<10000x128xf32, #tpu.memory_space<vmem_shared>> -> memref<16x128xf32, #tpu.memory_space<vmem_shared>>
        tpu.wait_dma2 semaphore(%run_scoped3A : memref<!tpu.dma_semaphore, #tpu.memory_space<semaphore_mem>>) src(%dma_wait3A_158 : memref<16x128xf32, #tpu.memory_space<vmem_shared>>) dst(%dma_wait3A_155 : memref<16x128xf32, #tpu.memory_space<hbm>>)
        tpu.yield
      }) : () -> ()
    } else {
    }
    return
  }
}

module attributes {stable_mosaic.version = 14 : i64} {
  func.func @_tc_a_body(%arg0: i32, %arg1: memref<1x400x128xf32, #tpu.memory_space<vmem>>, %arg2: memref<1x400x128xf32, #tpu.memory_space<vmem>>, %arg3: memref<1x400x8xf32, #tpu.memory_space<vmem>>, %arg4: memref<1x400x8xf32, #tpu.memory_space<vmem>>, %arg5: memref<128x256xf32, #tpu.memory_space<vmem>>, %arg6: memref<1x256xf32, #tpu.memory_space<vmem>>, %arg7: memref<400x128xf32, #tpu.memory_space<vmem>>, %arg8: memref<400x128xf32, #tpu.memory_space<vmem>>) attributes {dimension_semantics = [#tpu.dimension_semantics<arbitrary>], iteration_bounds = array<i64: 25>, scalar_prefetch = 0 : i64, scratch_operands = 0 : i64, tpu.core_type = #tpu.core_type<tc>, window_params = [{transform_indices = @transform_0, window_bounds = array<i64: 1, 400, 128>}, {transform_indices = @transform_1, window_bounds = array<i64: 1, 400, 128>}, {transform_indices = @transform_2, window_bounds = array<i64: 1, 400, 8>}, {transform_indices = @transform_3, window_bounds = array<i64: 1, 400, 8>}, {pipeline_mode = #tpu.pipeline_mode<synchronous>, transform_indices = @transform_4, window_bounds = array<i64: 128, 256>}, {pipeline_mode = #tpu.pipeline_mode<synchronous>, transform_indices = @transform_5, window_bounds = array<i64: 1, 256>}, {transform_indices = @transform_6, window_bounds = array<i64: 400, 128>}, {transform_indices = @transform_7, window_bounds = array<i64: 400, 128>}]} {
    %get3A = arith.constant 0 : index
    %get3A_0 = arith.constant 0 : index
    %get3A_1 = arith.constant 0 : index
    %get3A_2 = vector.load %arg3[%get3A, %get3A_0, %get3A_1] : memref<1x400x8xf32, #tpu.memory_space<vmem>>, vector<1x400x1xf32>
    %get3A_3 = vector.shape_cast %get3A_2 : vector<1x400x1xf32> to vector<400x1xf32>
    %get3A_4 = arith.constant 0 : index
    %get3A_5 = arith.constant 0 : index
    %get3A_6 = arith.constant 0 : index
    %get3A_7 = vector.load %arg4[%get3A_4, %get3A_5, %get3A_6] : memref<1x400x8xf32, #tpu.memory_space<vmem>>, vector<1x400x1xf32>
    %get3A_8 = vector.shape_cast %get3A_7 : vector<1x400x1xf32> to vector<400x1xf32>
    %add3A = arith.addf %get3A_3, %get3A_8 : vector<400x1xf32>
    %max3A = arith.constant 1.000000e+00 : f32
    %max3A_9 = vector.broadcast %max3A : f32 to vector<400x1xf32>
    %max3A_10 = arith.maximumf %add3A, %max3A_9 : vector<400x1xf32>
    %div3A = arith.constant 1.000000e+00 : f32
    %div3A_11 = vector.broadcast %div3A : f32 to vector<400x1xf32>
    %div3A_12 = arith.divf %div3A_11, %max3A_10 : vector<400x1xf32>
    %get3A_13 = arith.constant 0 : index
    %get3A_14 = arith.constant 0 : index
    %get3A_15 = arith.constant 0 : index
    %get3A_16 = vector.load %arg1[%get3A_13, %get3A_14, %get3A_15] : memref<1x400x128xf32, #tpu.memory_space<vmem>>, vector<1x400x128xf32>
    %get3A_17 = vector.shape_cast %get3A_16 : vector<1x400x128xf32> to vector<400x128xf32>
    %get3A_18 = arith.constant 0 : index
    %get3A_19 = arith.constant 0 : index
    %get3A_20 = arith.constant 0 : index
    %get3A_21 = vector.load %arg2[%get3A_18, %get3A_19, %get3A_20] : memref<1x400x128xf32, #tpu.memory_space<vmem>>, vector<1x400x128xf32>
    %get3A_22 = vector.shape_cast %get3A_21 : vector<1x400x128xf32> to vector<400x128xf32>
    %add3A_23 = arith.addf %get3A_17, %get3A_22 : vector<400x128xf32>
    %mul3A = vector.broadcast %div3A_12 : vector<400x1xf32> to vector<400x128xf32>
    %mul3A_24 = arith.mulf %add3A_23, %mul3A : vector<400x128xf32>
    %get3A_25 = arith.constant 0 : index
    %get3A_26 = arith.constant 0 : index
    %get3A_27 = vector.load %arg5[%get3A_25, %get3A_26] : memref<128x256xf32, #tpu.memory_space<vmem>>, vector<128x256xf32>
    %dot_general3A = arith.constant dense<0.000000e+00> : vector<400x256xf32>
    %dot_general3A_28 = tpu.matmul %mul3A_24, %get3A_27, %dot_general3A {dimension_numbers = #tpu.dot_dimension_numbers<[1], [0], [0], [1], [0, 0, 1, 1], [], []>, transpose_lhs_hint = false} : vector<400x128xf32>, vector<128x256xf32>, vector<400x256xf32> -> vector<400x256xf32>
    %get3A_29 = arith.constant 0 : index
    %get3A_30 = arith.constant 0 : index
    %get3A_31 = vector.load %arg6[%get3A_29, %get3A_30] : memref<1x256xf32, #tpu.memory_space<vmem>>, vector<1x256xf32>
    %add3A_32 = vector.broadcast %get3A_31 : vector<1x256xf32> to vector<400x256xf32>
    %add3A_33 = arith.addf %dot_general3A_28, %add3A_32 : vector<400x256xf32>
    %max3A_34 = arith.constant 0.000000e+00 : f32
    %max3A_35 = vector.broadcast %max3A_34 : f32 to vector<400x256xf32>
    %max3A_36 = arith.maximumf %add3A_33, %max3A_35 : vector<400x256xf32>
    %slice3A = vector.extract_strided_slice %max3A_36 {offsets = [0, 0], sizes = [400, 128], strides = [1, 1]} : vector<400x256xf32> to vector<400x128xf32>
    %swap3A = arith.constant 0 : index
    %swap3A_37 = arith.constant 0 : index
    %swap3A_38 = vector.load %arg7[%swap3A, %swap3A_37] : memref<400x128xf32, #tpu.memory_space<vmem>>, vector<400x128xf32>
    tpu.vector_store %arg7[%swap3A, %swap3A_37], %slice3A {strides = array<i32>} : memref<400x128xf32, #tpu.memory_space<vmem>>, vector<400x128xf32>,
    %slice3A_39 = vector.extract_strided_slice %max3A_36 {offsets = [0, 128], sizes = [400, 128], strides = [1, 1]} : vector<400x256xf32> to vector<400x128xf32>
    %swap3A_40 = arith.constant 0 : index
    %swap3A_41 = arith.constant 0 : index
    %swap3A_42 = vector.load %arg8[%swap3A_40, %swap3A_41] : memref<400x128xf32, #tpu.memory_space<vmem>>, vector<400x128xf32>
    tpu.vector_store %arg8[%swap3A_40, %swap3A_41], %slice3A_39 {strides = array<i32>} : memref<400x128xf32, #tpu.memory_space<vmem>>, vector<400x128xf32>,
    return
  }
  func.func @transform_0(%arg0: i32) -> (i32, i32, i32) {
    %c0_i32 = arith.constant 0 : i32
    %c0_i32_0 = arith.constant 0 : i32
    %c0_i32_1 = arith.constant 0 : i32
    return %c0_i32, %arg0, %c0_i32_0 : i32, i32, i32
  }
  func.func @transform_1(%arg0: i32) -> (i32, i32, i32) {
    %c1_i32 = arith.constant 1 : i32
    %c0_i32 = arith.constant 0 : i32
    %c0_i32_0 = arith.constant 0 : i32
    return %c1_i32, %arg0, %c0_i32 : i32, i32, i32
  }
  func.func @transform_2(%arg0: i32) -> (i32, i32, i32) {
    %c0_i32 = arith.constant 0 : i32
    %c0_i32_0 = arith.constant 0 : i32
    %c0_i32_1 = arith.constant 0 : i32
    return %c0_i32, %arg0, %c0_i32_0 : i32, i32, i32
  }
  func.func @transform_3(%arg0: i32) -> (i32, i32, i32) {
    %c1_i32 = arith.constant 1 : i32
    %c0_i32 = arith.constant 0 : i32
    %c0_i32_0 = arith.constant 0 : i32
    return %c1_i32, %arg0, %c0_i32 : i32, i32, i32
  }
  func.func @transform_4(%arg0: i32) -> (i32, i32) {
    %c0_i32 = arith.constant 0 : i32
    %c0_i32_0 = arith.constant 0 : i32
    %c0_i32_1 = arith.constant 0 : i32
    return %c0_i32, %c0_i32_0 : i32, i32
  }
  func.func @transform_5(%arg0: i32) -> (i32, i32) {
    %c0_i32 = arith.constant 0 : i32
    %c0_i32_0 = arith.constant 0 : i32
    %c0_i32_1 = arith.constant 0 : i32
    return %c0_i32, %c0_i32_0 : i32, i32
  }
  func.func @transform_6(%arg0: i32) -> (i32, i32) {
    %c0_i32 = arith.constant 0 : i32
    %c0_i32_0 = arith.constant 0 : i32
    return %arg0, %c0_i32 : i32, i32
  }
  func.func @transform_7(%arg0: i32) -> (i32, i32) {
    %c0_i32 = arith.constant 0 : i32
    %c0_i32_0 = arith.constant 0 : i32
    return %arg0, %c0_i32 : i32, i32
  }
}

module attributes {stable_mosaic.version = 14 : i64} {
  func.func @_tc_b_body(%arg0: i32, %arg1: memref<1x400x128xf32, #tpu.memory_space<vmem>>, %arg2: memref<1x400x128xf32, #tpu.memory_space<vmem>>, %arg3: memref<1x400x128xf32, #tpu.memory_space<vmem>>, %arg4: memref<1x400x128xf32, #tpu.memory_space<vmem>>, %arg5: memref<1x400x8xf32, #tpu.memory_space<vmem>>, %arg6: memref<1x400x8xf32, #tpu.memory_space<vmem>>, %arg7: memref<128x256xf32, #tpu.memory_space<vmem>>, %arg8: memref<128x256xf32, #tpu.memory_space<vmem>>, %arg9: memref<1x256xf32, #tpu.memory_space<vmem>>, %arg10: memref<256x64xf32, #tpu.memory_space<vmem>>, %arg11: memref<400x64xf32, #tpu.memory_space<vmem>>) attributes {dimension_semantics = [#tpu.dimension_semantics<arbitrary>], iteration_bounds = array<i64: 25>, scalar_prefetch = 0 : i64, scratch_operands = 0 : i64, tpu.core_type = #tpu.core_type<tc>, window_params = [{transform_indices = @transform_0, window_bounds = array<i64: 1, 400, 128>}, {transform_indices = @transform_1, window_bounds = array<i64: 1, 400, 128>}, {transform_indices = @transform_2, window_bounds = array<i64: 1, 400, 128>}, {transform_indices = @transform_3, window_bounds = array<i64: 1, 400, 128>}, {transform_indices = @transform_4, window_bounds = array<i64: 1, 400, 8>}, {transform_indices = @transform_5, window_bounds = array<i64: 1, 400, 8>}, {pipeline_mode = #tpu.pipeline_mode<synchronous>, transform_indices = @transform_6, window_bounds = array<i64: 128, 256>}, {pipeline_mode = #tpu.pipeline_mode<synchronous>, transform_indices = @transform_7, window_bounds = array<i64: 128, 256>}, {pipeline_mode = #tpu.pipeline_mode<synchronous>, transform_indices = @transform_8, window_bounds = array<i64: 1, 256>}, {pipeline_mode = #tpu.pipeline_mode<synchronous>, transform_indices = @transform_9, window_bounds = array<i64: 256, 64>}, {transform_indices = @transform_10, window_bounds = array<i64: 400, 64>}]} {
    %get3A = arith.constant 0 : index
    %get3A_0 = arith.constant 0 : index
    %get3A_1 = arith.constant 0 : index
    %get3A_2 = vector.load %arg5[%get3A, %get3A_0, %get3A_1] : memref<1x400x8xf32, #tpu.memory_space<vmem>>, vector<1x400x1xf32>
    %get3A_3 = vector.shape_cast %get3A_2 : vector<1x400x1xf32> to vector<400x1xf32>
    %get3A_4 = arith.constant 0 : index
    %get3A_5 = arith.constant 0 : index
    %get3A_6 = arith.constant 0 : index
    %get3A_7 = vector.load %arg6[%get3A_4, %get3A_5, %get3A_6] : memref<1x400x8xf32, #tpu.memory_space<vmem>>, vector<1x400x1xf32>
    %get3A_8 = vector.shape_cast %get3A_7 : vector<1x400x1xf32> to vector<400x1xf32>
    %add3A = arith.addf %get3A_3, %get3A_8 : vector<400x1xf32>
    %max3A = arith.constant 1.000000e+00 : f32
    %max3A_9 = vector.broadcast %max3A : f32 to vector<400x1xf32>
    %max3A_10 = arith.maximumf %add3A, %max3A_9 : vector<400x1xf32>
    %div3A = arith.constant 1.000000e+00 : f32
    %div3A_11 = vector.broadcast %div3A : f32 to vector<400x1xf32>
    %div3A_12 = arith.divf %div3A_11, %max3A_10 : vector<400x1xf32>
    %get3A_13 = arith.constant 0 : index
    %get3A_14 = arith.constant 0 : index
    %get3A_15 = arith.constant 0 : index
    %get3A_16 = vector.load %arg1[%get3A_13, %get3A_14, %get3A_15] : memref<1x400x128xf32, #tpu.memory_space<vmem>>, vector<1x400x128xf32>
    %get3A_17 = vector.shape_cast %get3A_16 : vector<1x400x128xf32> to vector<400x128xf32>
    %get3A_18 = arith.constant 0 : index
    %get3A_19 = arith.constant 0 : index
    %get3A_20 = arith.constant 0 : index
    %get3A_21 = vector.load %arg2[%get3A_18, %get3A_19, %get3A_20] : memref<1x400x128xf32, #tpu.memory_space<vmem>>, vector<1x400x128xf32>
    %get3A_22 = vector.shape_cast %get3A_21 : vector<1x400x128xf32> to vector<400x128xf32>
    %add3A_23 = arith.addf %get3A_17, %get3A_22 : vector<400x128xf32>
    %mul3A = vector.broadcast %div3A_12 : vector<400x1xf32> to vector<400x128xf32>
    %mul3A_24 = arith.mulf %add3A_23, %mul3A : vector<400x128xf32>
    %get3A_25 = arith.constant 0 : index
    %get3A_26 = arith.constant 0 : index
    %get3A_27 = arith.constant 0 : index
    %get3A_28 = vector.load %arg3[%get3A_25, %get3A_26, %get3A_27] : memref<1x400x128xf32, #tpu.memory_space<vmem>>, vector<1x400x128xf32>
    %get3A_29 = vector.shape_cast %get3A_28 : vector<1x400x128xf32> to vector<400x128xf32>
    %get3A_30 = arith.constant 0 : index
    %get3A_31 = arith.constant 0 : index
    %get3A_32 = arith.constant 0 : index
    %get3A_33 = vector.load %arg4[%get3A_30, %get3A_31, %get3A_32] : memref<1x400x128xf32, #tpu.memory_space<vmem>>, vector<1x400x128xf32>
    %get3A_34 = vector.shape_cast %get3A_33 : vector<1x400x128xf32> to vector<400x128xf32>
    %add3A_35 = arith.addf %get3A_29, %get3A_34 : vector<400x128xf32>
    %mul3A_36 = vector.broadcast %div3A_12 : vector<400x1xf32> to vector<400x128xf32>
    %mul3A_37 = arith.mulf %add3A_35, %mul3A_36 : vector<400x128xf32>
    %get3A_38 = arith.constant 0 : index
    %get3A_39 = arith.constant 0 : index
    %get3A_40 = vector.load %arg7[%get3A_38, %get3A_39] : memref<128x256xf32, #tpu.memory_space<vmem>>, vector<128x256xf32>
    %dot_general3A = arith.constant dense<0.000000e+00> : vector<400x256xf32>
    %dot_general3A_41 = tpu.matmul %mul3A_24, %get3A_40, %dot_general3A {dimension_numbers = #tpu.dot_dimension_numbers<[1], [0], [0], [1], [0, 0, 1, 1], [], []>, transpose_lhs_hint = false} : vector<400x128xf32>, vector<128x256xf32>, vector<400x256xf32> -> vector<400x256xf32>
    %get3A_42 = arith.constant 0 : index
    %get3A_43 = arith.constant 0 : index
    %get3A_44 = vector.load %arg8[%get3A_42, %get3A_43] : memref<128x256xf32, #tpu.memory_space<vmem>>, vector<128x256xf32>
    %dot_general3A_45 = arith.constant dense<0.000000e+00> : vector<400x256xf32>
    %dot_general3A_46 = tpu.matmul %mul3A_37, %get3A_44, %dot_general3A_45 {dimension_numbers = #tpu.dot_dimension_numbers<[1], [0], [0], [1], [0, 0, 1, 1], [], []>, transpose_lhs_hint = false} : vector<400x128xf32>, vector<128x256xf32>, vector<400x256xf32> -> vector<400x256xf32>
    %add3A_47 = arith.addf %dot_general3A_41, %dot_general3A_46 : vector<400x256xf32>
    %get3A_48 = arith.constant 0 : index
    %get3A_49 = arith.constant 0 : index
    %get3A_50 = vector.load %arg9[%get3A_48, %get3A_49] : memref<1x256xf32, #tpu.memory_space<vmem>>, vector<1x256xf32>
    %add3A_51 = vector.broadcast %get3A_50 : vector<1x256xf32> to vector<400x256xf32>
    %add3A_52 = arith.addf %add3A_47, %add3A_51 : vector<400x256xf32>
    %max3A_53 = arith.constant 0.000000e+00 : f32
    %max3A_54 = vector.broadcast %max3A_53 : f32 to vector<400x256xf32>
    %max3A_55 = arith.maximumf %add3A_52, %max3A_54 : vector<400x256xf32>
    %get3A_56 = arith.constant 0 : index
    %get3A_57 = arith.constant 0 : index
    %get3A_58 = vector.load %arg10[%get3A_56, %get3A_57] : memref<256x64xf32, #tpu.memory_space<vmem>>, vector<256x64xf32>
    %dot_general3A_59 = arith.constant dense<0.000000e+00> : vector<400x64xf32>
    %dot_general3A_60 = tpu.matmul %max3A_55, %get3A_58, %dot_general3A_59 {dimension_numbers = #tpu.dot_dimension_numbers<[1], [0], [0], [1], [0, 0, 1, 1], [], []>, transpose_lhs_hint = false} : vector<400x256xf32>, vector<256x64xf32>, vector<400x64xf32> -> vector<400x64xf32>
    %swap3A = arith.constant 0 : index
    %swap3A_61 = arith.constant 0 : index
    %swap3A_62 = vector.load %arg11[%swap3A, %swap3A_61] : memref<400x64xf32, #tpu.memory_space<vmem>>, vector<400x64xf32>
    tpu.vector_store %arg11[%swap3A, %swap3A_61], %dot_general3A_60 {strides = array<i32>} : memref<400x64xf32, #tpu.memory_space<vmem>>, vector<400x64xf32>,
    return
  }
  func.func @transform_0(%arg0: i32) -> (i32, i32, i32) {
    %c0_i32 = arith.constant 0 : i32
    %c0_i32_0 = arith.constant 0 : i32
    %c0_i32_1 = arith.constant 0 : i32
    return %c0_i32, %arg0, %c0_i32_0 : i32, i32, i32
  }
  func.func @transform_1(%arg0: i32) -> (i32, i32, i32) {
    %c1_i32 = arith.constant 1 : i32
    %c0_i32 = arith.constant 0 : i32
    %c0_i32_0 = arith.constant 0 : i32
    return %c1_i32, %arg0, %c0_i32 : i32, i32, i32
  }
  func.func @transform_2(%arg0: i32) -> (i32, i32, i32) {
    %c0_i32 = arith.constant 0 : i32
    %c0_i32_0 = arith.constant 0 : i32
    %c0_i32_1 = arith.constant 0 : i32
    return %c0_i32, %arg0, %c0_i32_0 : i32, i32, i32
  }
  func.func @transform_3(%arg0: i32) -> (i32, i32, i32) {
    %c1_i32 = arith.constant 1 : i32
    %c0_i32 = arith.constant 0 : i32
    %c0_i32_0 = arith.constant 0 : i32
    return %c1_i32, %arg0, %c0_i32 : i32, i32, i32
  }
  func.func @transform_4(%arg0: i32) -> (i32, i32, i32) {
    %c0_i32 = arith.constant 0 : i32
    %c0_i32_0 = arith.constant 0 : i32
    %c0_i32_1 = arith.constant 0 : i32
    return %c0_i32, %arg0, %c0_i32_0 : i32, i32, i32
  }
  func.func @transform_5(%arg0: i32) -> (i32, i32, i32) {
    %c1_i32 = arith.constant 1 : i32
    %c0_i32 = arith.constant 0 : i32
    %c0_i32_0 = arith.constant 0 : i32
    return %c1_i32, %arg0, %c0_i32 : i32, i32, i32
  }
  func.func @transform_6(%arg0: i32) -> (i32, i32) {
    %c0_i32 = arith.constant 0 : i32
    %c0_i32_0 = arith.constant 0 : i32
    %c0_i32_1 = arith.constant 0 : i32
    return %c0_i32, %c0_i32_0 : i32, i32
  }
  func.func @transform_7(%arg0: i32) -> (i32, i32) {
    %c0_i32 = arith.constant 0 : i32
    %c0_i32_0 = arith.constant 0 : i32
    %c0_i32_1 = arith.constant 0 : i32
    return %c0_i32, %c0_i32_0 : i32, i32
  }
  func.func @transform_8(%arg0: i32) -> (i32, i32) {
    %c0_i32 = arith.constant 0 : i32
    %c0_i32_0 = arith.constant 0 : i32
    %c0_i32_1 = arith.constant 0 : i32
    return %c0_i32, %c0_i32_0 : i32, i32
  }
  func.func @transform_9(%arg0: i32) -> (i32, i32) {
    %c0_i32 = arith.constant 0 : i32
    %c0_i32_0 = arith.constant 0 : i32
    %c0_i32_1 = arith.constant 0 : i32
    return %c0_i32, %c0_i32_0 : i32, i32
  }
  func.func @transform_10(%arg0: i32) -> (i32, i32) {
    %c0_i32 = arith.constant 0 : i32
    %c0_i32_0 = arith.constant 0 : i32
    return %arg0, %c0_i32 : i32, i32
  }
}

module attributes {stable_mosaic.version = 14 : i64} {
  func.func @_tc_c_body(%arg0: i32, %arg1: memref<1x400x64xf32, #tpu.memory_space<vmem>>, %arg2: memref<1x400x64xf32, #tpu.memory_space<vmem>>, %arg3: memref<1x400x8xf32, #tpu.memory_space<vmem>>, %arg4: memref<1x400x8xf32, #tpu.memory_space<vmem>>, %arg5: memref<1x64xf32, #tpu.memory_space<vmem>>, %arg6: memref<400x64xf32, #tpu.memory_space<vmem>>) attributes {dimension_semantics = [#tpu.dimension_semantics<arbitrary>], iteration_bounds = array<i64: 25>, scalar_prefetch = 0 : i64, scratch_operands = 0 : i64, tpu.core_type = #tpu.core_type<tc>, window_params = [{transform_indices = @transform_0, window_bounds = array<i64: 1, 400, 64>}, {transform_indices = @transform_1, window_bounds = array<i64: 1, 400, 64>}, {transform_indices = @transform_2, window_bounds = array<i64: 1, 400, 8>}, {transform_indices = @transform_3, window_bounds = array<i64: 1, 400, 8>}, {pipeline_mode = #tpu.pipeline_mode<synchronous>, transform_indices = @transform_4, window_bounds = array<i64: 1, 64>}, {transform_indices = @transform_5, window_bounds = array<i64: 400, 64>}]} {
    %get3A = arith.constant 0 : index
    %get3A_0 = arith.constant 0 : index
    %get3A_1 = arith.constant 0 : index
    %get3A_2 = vector.load %arg3[%get3A, %get3A_0, %get3A_1] : memref<1x400x8xf32, #tpu.memory_space<vmem>>, vector<1x400x1xf32>
    %get3A_3 = vector.shape_cast %get3A_2 : vector<1x400x1xf32> to vector<400x1xf32>
    %get3A_4 = arith.constant 0 : index
    %get3A_5 = arith.constant 0 : index
    %get3A_6 = arith.constant 0 : index
    %get3A_7 = vector.load %arg4[%get3A_4, %get3A_5, %get3A_6] : memref<1x400x8xf32, #tpu.memory_space<vmem>>, vector<1x400x1xf32>
    %get3A_8 = vector.shape_cast %get3A_7 : vector<1x400x1xf32> to vector<400x1xf32>
    %add3A = arith.addf %get3A_3, %get3A_8 : vector<400x1xf32>
    %max3A = arith.constant 1.000000e+00 : f32
    %max3A_9 = vector.broadcast %max3A : f32 to vector<400x1xf32>
    %max3A_10 = arith.maximumf %add3A, %max3A_9 : vector<400x1xf32>
    %div3A = arith.constant 1.000000e+00 : f32
    %div3A_11 = vector.broadcast %div3A : f32 to vector<400x1xf32>
    %div3A_12 = arith.divf %div3A_11, %max3A_10 : vector<400x1xf32>
    %get3A_13 = arith.constant 0 : index
    %get3A_14 = arith.constant 0 : index
    %get3A_15 = arith.constant 0 : index
    %get3A_16 = vector.load %arg1[%get3A_13, %get3A_14, %get3A_15] : memref<1x400x64xf32, #tpu.memory_space<vmem>>, vector<1x400x64xf32>
    %get3A_17 = vector.shape_cast %get3A_16 : vector<1x400x64xf32> to vector<400x64xf32>
    %get3A_18 = arith.constant 0 : index
    %get3A_19 = arith.constant 0 : index
    %get3A_20 = arith.constant 0 : index
    %get3A_21 = vector.load %arg2[%get3A_18, %get3A_19, %get3A_20] : memref<1x400x64xf32, #tpu.memory_space<vmem>>, vector<1x400x64xf32>
    %get3A_22 = vector.shape_cast %get3A_21 : vector<1x400x64xf32> to vector<400x64xf32>
    %add3A_23 = arith.addf %get3A_17, %get3A_22 : vector<400x64xf32>
    %mul3A = vector.broadcast %div3A_12 : vector<400x1xf32> to vector<400x64xf32>
    %mul3A_24 = arith.mulf %add3A_23, %mul3A : vector<400x64xf32>
    %get3A_25 = arith.constant 0 : index
    %get3A_26 = arith.constant 0 : index
    %get3A_27 = vector.load %arg5[%get3A_25, %get3A_26] : memref<1x64xf32, #tpu.memory_space<vmem>>, vector<1x64xf32>
    %add3A_28 = vector.broadcast %get3A_27 : vector<1x64xf32> to vector<400x64xf32>
    %add3A_29 = arith.addf %mul3A_24, %add3A_28 : vector<400x64xf32>
    %swap3A = arith.constant 0 : index
    %swap3A_30 = arith.constant 0 : index
    %swap3A_31 = vector.load %arg6[%swap3A, %swap3A_30] : memref<400x64xf32, #tpu.memory_space<vmem>>, vector<400x64xf32>
    tpu.vector_store %arg6[%swap3A, %swap3A_30], %add3A_29 {strides = array<i32>} : memref<400x64xf32, #tpu.memory_space<vmem>>, vector<400x64xf32>,
    return
  }
  func.func @transform_0(%arg0: i32) -> (i32, i32, i32) {
    %c0_i32 = arith.constant 0 : i32
    %c0_i32_0 = arith.constant 0 : i32
    %c0_i32_1 = arith.constant 0 : i32
    return %c0_i32, %arg0, %c0_i32_0 : i32, i32, i32
  }
  func.func @transform_1(%arg0: i32) -> (i32, i32, i32) {
    %c1_i32 = arith.constant 1 : i32
    %c0_i32 = arith.constant 0 : i32
    %c0_i32_0 = arith.constant 0 : i32
    return %c1_i32, %arg0, %c0_i32 : i32, i32, i32
  }
  func.func @transform_2(%arg0: i32) -> (i32, i32, i32) {
    %c0_i32 = arith.constant 0 : i32
    %c0_i32_0 = arith.constant 0 : i32
    %c0_i32_1 = arith.constant 0 : i32
    return %c0_i32, %arg0, %c0_i32_0 : i32, i32, i32
  }
  func.func @transform_3(%arg0: i32) -> (i32, i32, i32) {
    %c1_i32 = arith.constant 1 : i32
    %c0_i32 = arith.constant 0 : i32
    %c0_i32_0 = arith.constant 0 : i32
    return %c1_i32, %arg0, %c0_i32 : i32, i32, i32
  }
  func.func @transform_4(%arg0: i32) -> (i32, i32) {
    %c0_i32 = arith.constant 0 : i32
    %c0_i32_0 = arith.constant 0 : i32
    %c0_i32_1 = arith.constant 0 : i32
    return %c0_i32, %c0_i32_0 : i32, i32
  }
  func.func @transform_5(%arg0: i32) -> (i32, i32) {
    %c0_i32 = arith.constant 0 : i32
    %c0_i32_0 = arith.constant 0 : i32
    return %arg0, %c0_i32 : i32, i32
  }
}

</mosaic_0001>

<sc_bundles>
// kernel: kernel.11.cloned.1.call-start
scs
__scs_entry_jumppad:
0x0: {  	(pc) =	sbr.rel $0x88, $3  }
0x1: {  	(tag) =	ssettag $0x0;
	lr =	simm.s32 $0x1  }
0x2: {  	[smem:$0x3F99] =	sst lr;
	_ =	strace $0xD0000000  }
0x3: {  	_ = 	snop  }
0x4: {  	_ = 	snop  }
0x5: {  	_ = 	snop  }
0x6: {  	_ = 	snop  }
0x7: {  	_ = 	snop  }
__scs_overlays_trampoline_lowered:
0x8: {  	[smem:$0x3FA8] =	sst s0  }
0x9: {  	[smem:$0x3FA9] =	sst s1  }
0xa: {  	[smem:$0x3FAA] =	sst s2  }
0xb: {  	[smem:$0x3FAB] =	sst s3  }
0xc: {  	[smem:$0x3FAC] =	sst s4  }
0xd: {  	[smem:$0x3FAD] =	sst s5  }
0xe: {  	[smem:$0x3FAE] =	sst s6  }
0xf: {  	[smem:$0x3FAF] =	sst s7  }
0x10: {  	[smem:$0x3FB0] =	sst s8  }
0x11: {  	[smem:$0x3FB1] =	sst s9;
	s0 =	simm.s32 @!p0 $0x0  }
0x12: {  	s1 =	sld [smem:$0x3F97];
	s0 =	simm.s32 @p0 $0x1  }
0x13: {  	[smem:$0x3FB2] =	sst s0;
	s0 =	simm.s32 @!p1 $0x0  }
0x14: {  	s2 =	sld [smem:$0x3F96];
	s0 =	simm.s32 @p1 $0x1  }
0x15: {  	[smem:$0x3FB3] =	sst s0;
	s0 =	simm.s32 @!p2 $0x0  }
0x16: {  	s3 =	sld [smem:$0x3FDB];
	s0 =	simm.s32 @p2 $0x1  }
0x17: {  	s4 =	simm.s32 $0x1BF5;
	[smem:$0x3FB5] =	sst s0  }
0x18: {  	s0 =	sld [smem:$0x3F98];
	_ =	swait.ge [sflag:s4], $0x0  }
0x19: {  	s7 =	sld [smem:$0x3F99]  }
0x1a: {  	s8 =	sadd.s32 $0xFFFFE003, lr  }
0x1b: {  	s9 =	sadd.s32 $0xFFFFFEF7, lr;
	s5 =	simm.s32 $0xFFFFFFFF;
	p2 =	slt.u32 s8, $0xFFFFF086  }
0x1c: {  	p1 =	slt.u32 s9, $0xF7A;
	s5 =	simm.s32 @!p2 $0x0  }
0x1d: {  	s5 =	simm.s32 @p1 $0x1;
	p0 =	seq.s32 s7, s2  }
0x1e: {  	s7 =	smul.u32 @!p0 $0xF7A, s2;
	p2 =	seq.s32 @!p0 s5, $0x0  }
0x1f: {  	s9 =	smul.u32 $0xF7A, s1;
	s8 =	simm.s32 @!p0 $0x1BF5;
	p2 =	por !p2, p0  }
0x20: {  	[sflag:s8] =	ssyncset.s32 @!p0 $0xFFFFF086;
	s6 =	sadd.s32 @!p0 s3, s7;
	s7 =	simm.s32 @!p0 $0x108  }
0x21: {  	s3 =	sadd.s32 s3, s9;
	s6 =	sadd.s32 @!p0 $0x88, s6;
	s7 =	simm.s32 @p2 $0x1082  }
0x22: {  	[simem:s7], [sflag:s8] =	dma.local @!p0 [hbm:s6], $0xF7A  }
0x23: {  	s9 =	sor.u32 $0xD0000000, s2;
	s6 =	simm.s32 $0x108;
	_ =	swait.ge @!p0 [sflag:s8], $0x0  }
0x24: {  	s3 =	sadd.s32 $0x88, s3;
	s6 =	simm.s32 @!p1 $0x1082;
	[sflag:s4] =	ssyncset.s32 $0xFFFFF086  }
0x25: {  	[simem:s6], [sflag:s4] =	dma.local [hbm:s3], $0xF7A  }
0x26: {  	[smem:$0x3F99] =	sst s1;
	(tag) =	ssettag s2;
	_ =	strace s9  }
0x27: {  	s1 =	sld [smem:$0x3FA9]  }
0x28: {  	s2 =	sld [smem:$0x3FAA]  }
0x29: {  	s4 =	sld [smem:$0x3FAC]  }
0x2a: {  	p0 =	seq.s32 s5, $0x0;
	s5 =	sld [smem:$0x3FAD]  }
0x2b: {  	s6 =	sld [smem:$0x3FAE]  }
0x2c: {  	s7 =	sld [smem:$0x3FAF]  }
0x2d: {  	s3 =	simm.s32 $0x108;
	s8 =	sld [smem:$0x3FB0]  }
0x2e: {  	s3 =	simm.s32 @!p0 $0x1082;
	s9 =	sld [smem:$0x3FB1]  }
0x2f: {  	lr =	sadd.s32 s0, s3;
	s0 =	sld [smem:$0x3FA8]  }
0x30: {  	s3 =	sld [smem:$0x3FAB]  }
0x31: {  	[smem:$0x3FB4] =	sst s10  }
0x32: {  	s10 =	sld [smem:$0x3FB2];
	_ =	sdelay $0x3  }
0x33: {  	p0 =	seq.s32 s10, $0x1;
	s10 =	sld [smem:$0x3FB4];
	_ =	sdelay $0x3  }
0x34: {  	[smem:$0x3FB4] =	sst s10  }
0x35: {  	s10 =	sld [smem:$0x3FB3];
	_ =	sdelay $0x3  }
0x36: {  	p1 =	seq.s32 s10, $0x1;
	s10 =	sld [smem:$0x3FB4];
	_ =	sdelay $0x3  }
0x37: {  	[smem:$0x3FB4] =	sst s10  }
0x38: {  	s10 =	sld [smem:$0x3FB5]  }
0x39: {  	_ = 	snop;
	(pc) =	sbr.ind lr, $3  }
0x3a: {  	_ = 	snop  }
0x3b: {  	_ = 	snop  }
0x3c: {  	p2 =	seq.s32 s10, $0x1;
	s10 =	sld [smem:$0x3FB4]  }
0x3d: {  	_ =	shalt  }
0x3e: {  	_ =	shalt  }
0x3f: {  	_ =	shalt  }
0x40: {  	_ =	shalt  }
0x41: {  	_ =	shalt  }
0x42: {  	_ =	shalt  }
0x43: {  	_ =	shalt  }
0x44: {  	_ =	shalt  }
0x45: {  	_ =	shalt  }
0x46: {  	_ =	shalt  }
0x47: {  	_ =	shalt  }
0x48: {  	_ =	shalt  }
0x49: {  	_ =	shalt  }
0x4a: {  	_ =	shalt  }
0x4b: {  	_ =	shalt  }
0x4c: {  	_ =	shalt  }
0x4d: {  	_ =	shalt  }
0x4e: {  	_ =	shalt  }
0x4f: {  	_ =	shalt  }
0x50: {  	_ =	shalt  }
0x51: {  	_ =	shalt  }
0x52: {  	_ =	shalt  }
0x53: {  	_ =	shalt  }
0x54: {  	_ =	shalt  }
0x55: {  	_ =	shalt  }
0x56: {  	_ =	shalt  }
0x57: {  	_ =	shalt  }
0x58: {  	_ =	shalt  }
0x59: {  	_ =	shalt  }
0x5a: {  	_ =	shalt  }
0x5b: {  	_ =	shalt  }
0x5c: {  	_ =	shalt  }
0x5d: {  	_ =	shalt  }
0x5e: {  	_ =	shalt  }
0x5f: {  	_ =	shalt  }
0x60: {  	_ =	shalt  }
0x61: {  	_ =	shalt  }
0x62: {  	_ =	shalt  }
0x63: {  	_ =	shalt  }
0x64: {  	_ =	shalt  }
0x65: {  	_ =	shalt  }
0x66: {  	_ =	shalt  }
0x67: {  	_ =	shalt  }
0x68: {  	_ =	shalt  }
0x69: {  	_ =	shalt  }
0x6a: {  	_ =	shalt  }
0x6b: {  	_ =	shalt  }
0x6c: {  	_ =	shalt  }
0x6d: {  	_ =	shalt  }
0x6e: {  	_ =	shalt  }
0x6f: {  	_ =	shalt  }
0x70: {  	_ =	shalt  }
0x71: {  	_ =	shalt  }
0x72: {  	_ =	shalt  }
0x73: {  	_ =	shalt  }
0x74: {  	_ =	shalt  }
0x75: {  	_ =	shalt  }
0x76: {  	_ =	shalt  }
0x77: {  	_ =	shalt  }
0x78: {  	_ =	shalt  }
0x79: {  	_ =	shalt  }
0x7a: {  	_ =	shalt  }
0x7b: {  	_ =	shalt  }
0x7c: {  	_ =	shalt  }
0x7d: {  	_ =	shalt  }
0x7e: {  	_ =	shalt  }
0x7f: {  	_ =	shalt  }
0x80: {  	_ =	shalt  }
0x81: {  	_ =	shalt  }
0x82: {  	_ =	shalt  }
0x83: {  	_ =	shalt  }
0x84: {  	_ =	shalt  }
0x85: {  	_ =	shalt  }
0x86: {  	_ =	shalt  }
0x87: {  	_ =	shalt  }
.Lfunc_end0:
.L_simem_size_0:
called_computation.1_lowered:
.L_overlay_start_0:
0x88: {  	s2 =	sld [smem:$0x3FD9]  }
0x89: {  	s3 =	sld [smem:$0x3FFE];
	_ =	sdelay $0x1  }
0x8a: {  	s1 =	srdreg.scid  }
0x8b: {  	s0 =	sand.u32 $0x1, s1  }
0x8c: {  	s16 =	sshll.u32 s0, $0xA;
	s2 =	sadd.s32 s3, s2  }
0x8d: {  	s2 =	sadd.s32 s2, s16  }
0x8e: {  	[smem:$0x3FC0] =	sst s2  }
0x8f: {  	_ = 	snop  }
0x90: {  	(tm) =	ssettm $0x1  }
0x91: {  	s17 =	sld [smem:$0x3FFB];
	_ =	sdelay $0x3  }
0x92: {  	_ =	strace s17  }
0x93: {  	s2 =	sld [smem:$0x3FFC];
	_ =	sdelay $0x3  }
0x94: {  	_ =	strace s2  }
0x95: {  	s2 =	sld [smem:$0x3FFD];
	_ =	sdelay $0x3  }
0x96: {  	_ =	strace s2  }
0x97: {  	_ =	strace $0x8FFFFFFF  }
0x98: {  	s18 =	sld [smem:$0x3FDB];
	_ =	sdelay $0x1  }
0x99: {  	s19 =	simm.s32 $_scs_section_size  }
0x9a: {  	s4 =	simm.s32 $_size__tile_overlayer_lowered;
	s5 =	simm.s32 $_tile_overlayer_lowered  }
0x9b: {  	s22 =	simm.s32 $0x1BFF;
	s21 =	sshll.u32 s5, $0x1;
	s2 =	sadd.s32 s19, s18  }
0x9c: {  	s6 =	simm.s32 $0x0;
	s20 =	sshll.u32 s4, $0x1;
	s4 =	sadd.s32 s21, s2  }
0x9d: {  	[timem:s6], [sflag:s22] =	dma.local [hbm:s4], s20  }
0x9e: {  	_ =	swait.ge [sflag:s22], s20  }
0x9f: {  	s3 =	ssub.s32 $0x0, s20;
	[sflag:s22] =	ssyncset.done $0x0  }
0xa0: {  	[sflag:s22] =	ssyncadd.s32 s3;
	_ =	sdelay $0x1  }
0xa1: {  	s23 =	simm.s32 $0x1B8B  }
0xa2: {  	_ =	swait.ge [sflag:s23], $0x1  }
0xa3: {  	[sflag:s23] =	ssyncset.done $0x0  }
0xa4: {  	s25 =	simm.s32 $0x1B8E;
	s24 =	sld [smem:$0x3FFE];
	[sflag:s23] =	ssyncadd.s32 $0xFFFFFFFF  }
0xa5: {  	s26 =	simm.s32 $execute0_lowered;
	[smem:$0x3FD2] =	sst s25  }
0xa6: {  	s4 =	sshll.u32 s26, $0x1;
	_ =	strace $0x80000049;
	[dreg:$0x1] =	wrdreg $0xFFFFFFFF  }
0xa7: {  	s28 =	simm.s32 $_size_execute0_lowered;
	s2 =	sadd.s32 s2, s4;
	[dreg:$0x0] =	wrdreg $0x0  }
0xa8: {  	s4 =	sshll.u32 s28, $0x1;
	[dreg:$0x2] =	wrdreg s2  }
0xa9: {  	[dreg:$0x3] =	wrdreg s4  }
0xaa: {  	[dreg:$0x4] =	wrdreg $0xC0  }
0xab: {  	_ =	task [dreg:s6], $0x5FFFF  }
0xac: {  	[dreg:$0x1] =	wrdreg $0xFFFFFFFF  }
0xad: {  	[dreg:$0x0] =	wrdreg $0x60  }
0xae: {  	[dreg:$0x2] =	wrdreg s24  }
0xaf: {  	[dreg:$0x3] =	wrdreg $0x4E200  }
0xb0: {  	[dreg:$0x4] =	wrdreg $0x9  }
0xb1: {  	_ =	task.clear_ibuf [dreg:s6], $0x5FFFF;
	_ =	strace $0x90000049  }
0xb2: {  	s29 =	simm.s32 $0x9;
	_ =	strace $0x8000004B  }
0xb3: {  	_ =	swait.ge [sflag:s29], $0x1  }
0xb4: {  	[sflag:s29] =	ssyncadd.s32 $0xFFFFFFFF  }
0xb5: {  	_ =	strace $0x9000004B  }
0xb6: {  	_ =	sfence  }
0xb7: {  	s30 =	sld [smem:$0x0];
	_ =	sdelay $0x2  }
0xb8: {  	s31 =	sshll.u32 s1, $0xD;
	s1 =	sshrl.u32 s1, $0x2  }
0xb9: {  	s3 =	sand.u32 $0x4000, s31;
	s1 =	sadd.s32 s1, s30  }
0xba: {  	s0 =	sor.u32 s3, s0;
	s1 =	sshll.u32 s1, $0x11  }
0xbb: {  	s0 =	sor.u32 s1, s0  }
0xbc: {  	s0 =	sadd.s32 $0x8F2B, s0  }
0xbd: {  	[sflag:s0] =	ssyncadd.remote.s32 $0x1  }
0xbe: {  	_ =	sfence.sel $0xFFFF  }
0xbf: {  	[dreg:$0x0] =	wrdreg $0xFFFFFFFF;
	(pc) =	sbr.abs _section_cstart, $3  }
0xc0: {  	[dreg:$0x1] =	wrdreg $0xFFFFFFFF  }
0xc1: {  	_ =	task.clear_ibuf [dreg:s6], $0x2FFFF;
	_ =	strace $0x9FFFFFFF  }
0xc2: {  	(tm) =	ssettm $0x7FFFFFFF  }
0xc3: {  	_ =	shalt  }
tec
execute0_lowered:
.L_overlay_start_1:
0x0: {  	(tag) =	ssettag $0x1  }
0x1: {  	s0 =	srdreg.scid;
	s2 =	rddreg [dreg:$0x0]  }
0x2: {  	s5 =	stileid.u32;
	s1 =	rddreg [dreg:$0x1];
	s4 =	simm.s32 $0x0  }
0x3: {  	s16 =	simm.s32 $0x9;
	s28 =	simm.s32 $0x3;
	s29 =	simm.s32 $0x4  }
0x4: {  	s30 =	simm.s32 $0x5;
	s31 =	simm.s32 $0x6;
	s17 =	simm.s32 $0x8  }
0x5: {  	s0 =	sand.u32 $0x1, s0;
	[smem:$0x7FF] =	sst s4;
	s9 =	smul.u32 $0x13800, s5  }
0x6: {  	s4 =	sadd.s32 $0x64A00, s2;
	s11 =	sadd.s32 $0xDC600, s2;
	s12 =	sadd.s32 $0x12A800, s2  }
0x7: {  	s21 =	sadd.s32 $0x138000, s1;
	p0 =	sne.s32 s5, $0x0;
	s26 =	sshll.u32 s5, $0x6  }
0x8: {  	s3 =	sshll.u32 s0, $0x4;
	_ =	strace $0x8000004A;
	s8 =	ssub.s32 $0x2, s0  }
0x9: {  	s0 =	smul.u32 $0x138800, s0;
	[dreg:$0x5] =	wrdreg s21;
	s21 =	simm.s32 $0x186A0  }
0xa: {  	s3 =	sor.u32 s5, s3;
	s7 =	sshrl.u32 s9, $0x3;
	s18 =	sshrl.u32 s8, $0x1  }
0xb: {  	s5 =	simm.s32 $0x26E8;
	s6 =	smul.u32 $0x4E2, s3;
	s3 =	sadd.s32 $0x3D800, s2  }
0xc: {  	s10 =	sadd.s32 s7, s2;
	s13 =	ssub.s32 s8, s18;
	s7 =	sadd.s32 s9, s1  }
0xd: {  	s20 =	sadd.s32 s9, s0;
	s0 =	sshrl.u32 s0, $0x3;
	s18 =	sor.u32 $0x1C09, s26  }
0xe: {  	s26 =	simm.s32 $0x2;
	s9 =	simm.s32 $0x4DF8;
	s8 =	sadd.s32 $0x16600, s10  }
0xf: {  	s0 =	sadd.s32 $0x27000, s0;
	s10 =	sadd.s32 $0x3D600, s2;
	s25 =	smax.u32 s13, $0x1  }
0x10: {  	s6 =	sadd.s32 s6, s2;
	s23 =	sadd.s32 s11, s0;
	[dreg:$0xa] =	wrdreg s25  }
0x11: {  	s0 =	sadd.s32 s12, s0;
	s25 =	simm.s32 $0x1;
	[dreg:$0x7] =	wrdreg s23  }
0x12: {  	s19 =	sadd.s32 $0x2A00, s6;
	s6 =	sadd.s32 $0xC800, s6;
	[dreg:$0x9] =	wrdreg s0  }
0x13: {  	s23 =	simm.s32 $0x1AEA0;
	s0 =	simm.s32 $0x7;
	[dreg:$0x3] =	wrdreg s19  }
0x14: {  	[dreg:$0x4] =	wrdreg s6;
	s6 =	sshrl.u32 s20, $0x3;
	s19 =	sshrl.u32 s7, $0x3  }
0x15: {  	s20 =	simm.s32 $0x28;
	s22 =	sadd.s32 s11, s6;
	s24 =	sadd.s32 s12, s6  }
0x16: {  	s6 =	simm.s32 $0x4DD0;
	s11 =	simm.s32 $0x0;
	[dreg:$0x6] =	wrdreg s22  }
0x17: {  	[dreg:$0x8] =	wrdreg s24;
	s22 =	simm.s32 $0x19AA0;
	s24 =	simm.s32 $0x1C2A0  }
.LBB2_1:
0x18: {  	s2 =	simm.s32 $0x0;
	s12 =	rddreg [dreg:$0x3]  }
0x19: {  	[tilespmem:s2], [sflag:$0x9] =	stream.linear.gather [hbm4b:s12+s2], $0x2710, $0x38;
	[tilespmem:$0x1D6A0] =	vst v63  }
0x1a: {  	_ =	swait.ge [sflag:s16], $0x2710  }
0x1b: {  	[sflag:s16] =	ssyncset.done $0x0  }
0x1c: {  	s13 =	simm.s32 $0x2710;
	s15 =	rddreg [dreg:$0x4];
	[sflag:s16] =	ssyncadd.s32 $0xFFFFD8F0  }
0x1d: {  	[tilespmem:s13], [sflag:$0x9] =	stream.linear.gather [hbm4b:s15+s2], $0x2710, $0x38;
	[tilespmem:$0x1D6A0] =	vst v63  }
0x1e: {  	_ =	swait.ge [sflag:s16], $0x2710  }
0x1f: {  	[sflag:s16] =	ssyncset.done $0x0  }
0x20: {  	[sflag:s16] =	ssyncadd.s32 $0xFFFFD8F0  }
0x21: {  	[spmem:s19], [sflag:s18] =	dma.local [hbm:s8], $0x2700  }
0x22: {  	_ =	swait.ge [sflag:s16], $0x2700  }
0x23: {  	[sflag:s16] =	ssyncset.done $0x0;
	s2 =	rddreg [dreg:$0x5]  }
0x24: {  	s13 =	simm.s32 @!p0 $0x9;
	[sflag:s16] =	ssyncadd.s32 $0xFFFFD900;
	s12 =	sshrl.u32 @!p0 s2, $0x3  }
0x25: {  	[spmem:s12], [sflag:s18] =	dma.local @!p0 [hbm:s10], $0x100  }
0x26: {  	_ =	swait.ge @!p0 [sflag:s13], $0x100  }
0x27: {  	[sflag:s13] =	ssyncset.done @!p0 $0x0  }
0x28: {  	[sflag:s13] =	ssyncadd.s32 @!p0 $0xFFFFFF00  }
0x29: {  	s14 =	simm.s32 $0x0;
	[bflag:$0x0] =	sbarrier.arrive $0xFFFF  }
0x2a: {  	[tilespmem:s21], [sflag:$0x1] =	stream.indirect.gather [hbm4b:s3+s20], $0x80, s14, s20, $0xb8;
	[tilespmem:$0x1D6A0] =	vst v63  }
0x2b: {  	s15 =	simm.s32 $0x28  }
0x2c: {  	[tilespmem:s22], [sflag:$0x2] =	stream.indirect.gather [hbm4b:s3+s20], $0x80, s15, s20, $0xb8;
	[tilespmem:$0x1D6A0] =	vst v63  }
0x2d: {  	s2 =	simm.s32 $0x50  }
0x2e: {  	[tilespmem:s23], [sflag:$0x3] =	stream.indirect.gather [hbm4b:s3+s20], $0x80, s2, s20, $0xb8;
	[tilespmem:$0x1D6A0] =	vst v63  }
0x2f: {  	s14 =	simm.s32 $0x78  }
0x30: {  	[tilespmem:s24], [sflag:$0x4] =	stream.indirect.gather [hbm4b:s3+s20], $0x80, s14, s20, $0xb8;
	[tilespmem:$0x1D6A0] =	vst v63  }
0x31: {  	_ =	swait.ge [sflag:s25], $0x1400  }
0x32: {  	[sflag:s25] =	ssyncset.done $0x0  }
0x33: {  	s15 =	simm.s32 $0x2710;
	[sflag:s25] =	ssyncadd.s32 $0xFFFFEC00  }
0x34: {  	[spmem:s1] =	stream.indirect.scatter.add.f32 [tilespmem:s21], [sflag:$0x5], $0x80, s15, s20, $0xb8;
	[tilespmem:$0x1D6A0] =	vst v63  }
0x35: {  	_ =	swait.ge [sflag:s26], $0x1400  }
0x36: {  	[sflag:s26] =	ssyncset.done $0x0  }
0x37: {  	s2 =	simm.s32 $0x2738;
	[sflag:s26] =	ssyncadd.s32 $0xFFFFEC00  }
0x38: {  	[spmem:s1] =	stream.indirect.scatter.add.f32 [tilespmem:s22], [sflag:$0x6], $0x80, s2, s20, $0xb8;
	[tilespmem:$0x1D6A0] =	vst v63  }
0x39: {  	_ =	swait.ge [sflag:s28], $0x1400  }
0x3a: {  	[sflag:s28] =	ssyncset.done $0x0  }
0x3b: {  	s14 =	simm.s32 $0x2760;
	[sflag:s28] =	ssyncadd.s32 $0xFFFFEC00  }
0x3c: {  	[spmem:s1] =	stream.indirect.scatter.add.f32 [tilespmem:s23], [sflag:$0x7], $0x80, s14, s20, $0xb8;
	[tilespmem:$0x1D6A0] =	vst v63  }
0x3d: {  	_ =	swait.ge [sflag:s29], $0x1400  }
0x3e: {  	[sflag:s29] =	ssyncset.done $0x0  }
0x3f: {  	s15 =	simm.s32 $0x2788;
	[sflag:s29] =	ssyncadd.s32 $0xFFFFEC00  }
0x40: {  	[spmem:s1] =	stream.indirect.scatter.add.f32 [tilespmem:s24], [sflag:$0x8], $0x80, s15, s20, $0xb8;
	[tilespmem:$0x1D6A0] =	vst v63  }
0x41: {  	_ =	swait.ge [sflag:s30], $0x1400  }
0x42: {  	[sflag:s30] =	ssyncset.done $0x0  }
0x43: {  	[sflag:s30] =	ssyncadd.s32 $0xFFFFEC00  }
0x44: {  	_ =	swait.ge [sflag:s31], $0x1400  }
0x45: {  	[sflag:s31] =	ssyncset.done $0x0  }
0x46: {  	[sflag:s31] =	ssyncadd.s32 $0xFFFFEC00  }
0x47: {  	_ =	swait.ge [sflag:s0], $0x1400  }
0x48: {  	[sflag:s0] =	ssyncset.done $0x0  }
0x49: {  	[sflag:s0] =	ssyncadd.s32 $0xFFFFEC00  }
0x4a: {  	_ =	swait.ge [sflag:s17], $0x1400  }
0x4b: {  	s13 =	simm.s32 $0x280;
	s14 =	simm.s32 $0x500;
	[sflag:s17] =	ssyncset.done $0x0  }
.LBB2_2:
0x4c: {  	s2 =	sshra.s32 s13, $0x2  }
0x4d: {  	[sflag:s17] =	ssyncadd.s32 $0xFFFFEC00;
	s13 =	smov.u32 s14;
	s15 =	sadd.s32 $0x280, s14  }
0x4e: {  	[tilespmem:s21], [sflag:$0x1] =	stream.indirect.gather [hbm4b:s3+s20], $0x80, s2, s20, $0xb8;
	[tilespmem:$0x1D6A0] =	vst v63  }
0x4f: {  	p1 =	sne.s32 s14, $0x9880;
	s14 =	sadd.s32 $0x28, s2  }
0x50: {  	[tilespmem:s22], [sflag:$0x2] =	stream.indirect.gather [hbm4b:s3+s20], $0x80, s14, s20, $0xb8;
	[tilespmem:$0x1D6A0] =	vst v63  }
0x51: {  	s14 =	sadd.s32 $0x50, s2  }
0x52: {  	[tilespmem:s23], [sflag:$0x3] =	stream.indirect.gather [hbm4b:s3+s20], $0x80, s14, s20, $0xb8;
	[tilespmem:$0x1D6A0] =	vst v63  }
0x53: {  	s14 =	sadd.s32 $0x78, s2  }
0x54: {  	[tilespmem:s24], [sflag:$0x4] =	stream.indirect.gather [hbm4b:s3+s20], $0x80, s14, s20, $0xb8;
	[tilespmem:$0x1D6A0] =	vst v63  }
0x55: {  	_ =	swait.ge [sflag:s25], $0x1400  }
0x56: {  	[sflag:s25] =	ssyncset.done $0x0  }
0x57: {  	s14 =	sadd.s32 $0x2710, s2;
	[sflag:s25] =	ssyncadd.s32 $0xFFFFEC00  }
0x58: {  	[spmem:s1] =	stream.indirect.scatter.add.f32 [tilespmem:s21], [sflag:$0x5], $0x80, s14, s20, $0xb8;
	[tilespmem:$0x1D6A0] =	vst v63  }
0x59: {  	_ =	swait.ge [sflag:s26], $0x1400  }
0x5a: {  	[sflag:s26] =	ssyncset.done $0x0  }
0x5b: {  	s14 =	sadd.s32 $0x2738, s2;
	[sflag:s26] =	ssyncadd.s32 $0xFFFFEC00  }
0x5c: {  	[spmem:s1] =	stream.indirect.scatter.add.f32 [tilespmem:s22], [sflag:$0x6], $0x80, s14, s20, $0xb8;
	[tilespmem:$0x1D6A0] =	vst v63  }
0x5d: {  	_ =	swait.ge [sflag:s28], $0x1400  }
0x5e: {  	[sflag:s28] =	ssyncset.done $0x0  }
0x5f: {  	s14 =	sadd.s32 $0x2760, s2;
	[sflag:s28] =	ssyncadd.s32 $0xFFFFEC00  }
0x60: {  	[spmem:s1] =	stream.indirect.scatter.add.f32 [tilespmem:s23], [sflag:$0x7], $0x80, s14, s20, $0xb8;
	[tilespmem:$0x1D6A0] =	vst v63  }
0x61: {  	_ =	swait.ge [sflag:s29], $0x1400  }
0x62: {  	[sflag:s29] =	ssyncset.done $0x0  }
0x63: {  	s2 =	sadd.s32 $0x2788, s2;
	[sflag:s29] =	ssyncadd.s32 $0xFFFFEC00  }
0x64: {  	[spmem:s1] =	stream.indirect.scatter.add.f32 [tilespmem:s24], [sflag:$0x8], $0x80, s2, s20, $0xb8;
	[tilespmem:$0x1D6A0] =	vst v63  }
0x65: {  	_ =	swait.ge [sflag:s30], $0x1400  }
0x66: {  	[sflag:s30] =	ssyncset.done $0x0  }
0x67: {  	[sflag:s30] =	ssyncadd.s32 $0xFFFFEC00  }
0x68: {  	_ =	swait.ge [sflag:s31], $0x1400  }
0x69: {  	[sflag:s31] =	ssyncset.done $0x0  }
0x6a: {  	[sflag:s31] =	ssyncadd.s32 $0xFFFFEC00  }
.Ltmp0:
0x6b: {  	_ =	swait.ge [sflag:s0], $0x1400;
	(pc) =	sbr.rel @p1 .LBB2_2-.Ltmp0, $4  }
0x6c: {  	[sflag:s0] =	ssyncset.done $0x0  }
0x6d: {  	[sflag:s0] =	ssyncadd.s32 $0xFFFFEC00  }
0x6e: {  	_ =	swait.ge [sflag:s17], $0x1400  }
0x6f: {  	s14 =	smov.u32 s15;
	[sflag:s17] =	ssyncset.done $0x0  }
0x70: {  	s2 =	sshra.s32 s13, $0x2;
	[sflag:s17] =	ssyncadd.s32 $0xFFFFEC00  }
0x71: {  	[tilespmem:s21], [sflag:$0x1] =	stream.indirect.gather [hbm4b:s3+s20], $0x80, s2, s20, $0xb8;
	[tilespmem:$0x1D6A0] =	vst v63  }
0x72: {  	s13 =	sadd.s32 $0x28, s2  }
0x73: {  	[tilespmem:s22], [sflag:$0x2] =	stream.indirect.gather [hbm4b:s3+s20], $0x80, s13, s20, $0xb8;
	[tilespmem:$0x1D6A0] =	vst v63  }
0x74: {  	s14 =	sadd.s32 $0x50, s2  }
0x75: {  	[tilespmem:s23], [sflag:$0x3] =	stream.indirect.gather [hbm4b:s3+s20], $0x80, s14, s20, $0xb8;
	[tilespmem:$0x1D6A0] =	vst v63  }
0x76: {  	s15 =	sadd.s32 $0x78, s2  }
0x77: {  	[tilespmem:s24], [sflag:$0x4] =	stream.indirect.gather [hbm4b:s3+s20], $0x80, s15, s20, $0xb8;
	[tilespmem:$0x1D6A0] =	vst v63  }
0x78: {  	_ =	swait.ge [sflag:s25], $0x1400  }
0x79: {  	[sflag:s25] =	ssyncset.done $0x0  }
0x7a: {  	s14 =	sadd.s32 $0x2710, s2;
	[sflag:s25] =	ssyncadd.s32 $0xFFFFEC00  }
0x7b: {  	[spmem:s1] =	stream.indirect.scatter.add.f32 [tilespmem:s21], [sflag:$0x5], $0x80, s14, s20, $0xb8;
	[tilespmem:$0x1D6A0] =	vst v63  }
0x7c: {  	_ =	swait.ge [sflag:s26], $0x1400  }
0x7d: {  	[sflag:s26] =	ssyncset.done $0x0  }
0x7e: {  	s15 =	sadd.s32 $0x2738, s2;
	[sflag:s26] =	ssyncadd.s32 $0xFFFFEC00  }
0x7f: {  	[spmem:s1] =	stream.indirect.scatter.add.f32 [tilespmem:s22], [sflag:$0x6], $0x80, s15, s20, $0xb8;
	[tilespmem:$0x1D6A0] =	vst v63  }
0x80: {  	_ =	swait.ge [sflag:s28], $0x1400  }
0x81: {  	[sflag:s28] =	ssyncset.done $0x0  }
0x82: {  	s14 =	sadd.s32 $0x2760, s2;
	[sflag:s28] =	ssyncadd.s32 $0xFFFFEC00  }
0x83: {  	[spmem:s1] =	stream.indirect.scatter.add.f32 [tilespmem:s23], [sflag:$0x7], $0x80, s14, s20, $0xb8;
	[tilespmem:$0x1D6A0] =	vst v63  }
0x84: {  	_ =	swait.ge [sflag:s29], $0x1400  }
0x85: {  	[sflag:s29] =	ssyncset.done $0x0  }
0x86: {  	s2 =	sadd.s32 $0x2788, s2;
	[sflag:s29] =	ssyncadd.s32 $0xFFFFEC00  }
0x87: {  	[spmem:s1] =	stream.indirect.scatter.add.f32 [tilespmem:s24], [sflag:$0x8], $0x80, s2, s20, $0xb8;
	[tilespmem:$0x1D6A0] =	vst v63  }
0x88: {  	_ =	swait.ge [sflag:s30], $0x1400  }
0x89: {  	[sflag:s30] =	ssyncset.done $0x0  }
0x8a: {  	[sflag:s30] =	ssyncadd.s32 $0xFFFFEC00  }
0x8b: {  	_ =	swait.ge [sflag:s31], $0x1400  }
0x8c: {  	[sflag:s31] =	ssyncset.done $0x0  }
0x8d: {  	[sflag:s31] =	ssyncadd.s32 $0xFFFFEC00  }
0x8e: {  	_ =	swait.ge [sflag:s0], $0x1400  }
0x8f: {  	[sflag:s0] =	ssyncset.done $0x0  }
0x90: {  	[sflag:s0] =	ssyncadd.s32 $0xFFFFEC00  }
0x91: {  	_ =	swait.ge [sflag:s17], $0x1400  }
0x92: {  	[sflag:s17] =	ssyncset.done $0x0  }
0x93: {  	s15 =	simm.s32 $0x26C0;
	[sflag:s17] =	ssyncadd.s32 $0xFFFFEC00  }
0x94: {  	[tilespmem:s21], [sflag:$0x1] =	stream.indirect.gather [hbm4b:s3+s20], $0x80, s15, s20, $0xb8;
	[tilespmem:$0x1D6A0] =	vst v63  }
0x95: {  	_ = 	snop  }
0x96: {  	[tilespmem:s22], [sflag:$0x2] =	stream.indirect.gather [hbm4b:s3+s20], $0x80, s5, s20, $0xb8;
	[tilespmem:$0x1D6A0] =	vst v63  }
0x97: {  	_ =	swait.ge [sflag:s25], $0x1400  }
0x98: {  	[sflag:s25] =	ssyncset.done $0x0  }
0x99: {  	[sflag:s25] =	ssyncadd.s32 $0xFFFFEC00  }
0x9a: {  	[spmem:s1] =	stream.indirect.scatter.add.f32 [tilespmem:s21], [sflag:$0x5], $0x80, s6, s20, $0xb8;
	[tilespmem:$0x1D6A0] =	vst v63  }
0x9b: {  	_ =	swait.ge [sflag:s26], $0x1400  }
0x9c: {  	[sflag:s26] =	ssyncset.done $0x0  }
0x9d: {  	[sflag:s26] =	ssyncadd.s32 $0xFFFFEC00  }
0x9e: {  	[spmem:s1] =	stream.indirect.scatter.add.f32 [tilespmem:s22], [sflag:$0x6], $0x80, s9, s20, $0xb8;
	[tilespmem:$0x1D6A0] =	vst v63  }
0x9f: {  	_ =	swait.ge [sflag:s30], $0x1400  }
0xa0: {  	[sflag:s30] =	ssyncset.done $0x0  }
0xa1: {  	[sflag:s30] =	ssyncadd.s32 $0xFFFFEC00  }
0xa2: {  	_ =	swait.ge [sflag:s31], $0x1400  }
0xa3: {  	[sflag:s31] =	ssyncset.done $0x0  }
0xa4: {  	[sflag:s31] =	ssyncadd.s32 $0xFFFFEC00  }
0xa5: {  	[bflag:$0x0] =	sbarrier.arrive $0xFFFF  }
0xa6: {  	s13 =	rddreg [dreg:$0x6]  }
0xa7: {  	[hbm:s13], [sflag:s18] =	dma.local [spmem:s19], $0x2700  }
0xa8: {  	_ =	swait.ge [sflag:s16], $0x2700  }
0xa9: {  	[sflag:s16] =	ssyncset.done $0x0  }
0xaa: {  	[sflag:s16] =	ssyncadd.s32 $0xFFFFD900  }
0xab: {  	s2 =	sshrl.u32 @p0 s7, $0x3;
	[bflag:$0x0] =	sbarrier.arrive @p0 $0xFFFF  }
0xac: {  	[spmem:s2], [sflag:s18] =	dma.local @p0 [hbm:s8], $0x2700  }
0xad: {  	s2 =	simm.s32 @p0 $0x9  }
0xae: {  	_ =	swait.ge @p0 [sflag:s2], $0x2700  }
0xaf: {  	[sflag:s2] =	ssyncset.done @p0 $0x0  }
0xb0: {  	[sflag:s2] =	ssyncadd.s32 @p0 $0xFFFFD900;
	s2 =	rddreg [dreg:$0x7]  }
0xb1: {  	[hbm:s2], [sflag:s18] =	dma.local @!p0 [spmem:s12], $0x100  }
0xb2: {  	s2 =	simm.s32 @!p0 $0x9  }
0xb3: {  	_ =	swait.ge @!p0 [sflag:s2], $0x100  }
0xb4: {  	[sflag:s2] =	ssyncset.done @!p0 $0x0  }
0xb5: {  	[sflag:s2] =	ssyncadd.s32 @!p0 $0xFFFFFF00  }
0xb6: {  	s13 =	sshrl.u32 @!p0 s7, $0x3;
	[bflag:$0x0] =	sbarrier.arrive @!p0 $0xFFFF  }
0xb7: {  	[spmem:s13], [sflag:s18] =	dma.local @!p0 [hbm:s8], $0x2700  }
0xb8: {  	_ =	swait.ge @!p0 [sflag:s2], $0x2700  }
0xb9: {  	[sflag:s2] =	ssyncset.done @!p0 $0x0  }
0xba: {  	[sflag:s2] =	ssyncadd.s32 @!p0 $0xFFFFD900  }
0xbb: {  	[spmem:s12], [sflag:s18] =	dma.local @!p0 [hbm:s10], $0x100  }
0xbc: {  	_ =	swait.ge @!p0 [sflag:s2], $0x100  }
0xbd: {  	[sflag:s2] =	ssyncset.done @!p0 $0x0  }
0xbe: {  	[sflag:s2] =	ssyncadd.s32 @!p0 $0xFFFFFF00  }
0xbf: {  	s14 =	simm.s32 $0x0;
	[bflag:$0x0] =	sbarrier.arrive $0xFFFF  }
0xc0: {  	[tilespmem:s21], [sflag:$0x1] =	stream.indirect.gather [hbm4b:s4+s20], $0x80, s14, s20, $0xb8;
	[tilespmem:$0x1D6A0] =	vst v63  }
0xc1: {  	s15 =	simm.s32 $0x28  }
0xc2: {  	[tilespmem:s22], [sflag:$0x2] =	stream.indirect.gather [hbm4b:s4+s20], $0x80, s15, s20, $0xb8;
	[tilespmem:$0x1D6A0] =	vst v63  }
0xc3: {  	s13 =	simm.s32 $0x50  }
0xc4: {  	[tilespmem:s23], [sflag:$0x3] =	stream.indirect.gather [hbm4b:s4+s20], $0x80, s13, s20, $0xb8;
	[tilespmem:$0x1D6A0] =	vst v63  }
0xc5: {  	s14 =	simm.s32 $0x78  }
0xc6: {  	[tilespmem:s24], [sflag:$0x4] =	stream.indirect.gather [hbm4b:s4+s20], $0x80, s14, s20, $0xb8;
	[tilespmem:$0x1D6A0] =	vst v63  }
0xc7: {  	_ =	swait.ge [sflag:s25], $0x1400  }
0xc8: {  	[sflag:s25] =	ssyncset.done $0x0  }
0xc9: {  	s15 =	simm.s32 $0x2710;
	[sflag:s25] =	ssyncadd.s32 $0xFFFFEC00  }
0xca: {  	[spmem:s1] =	stream.indirect.scatter.add.f32 [tilespmem:s21], [sflag:$0x5], $0x80, s15, s20, $0xb8;
	[tilespmem:$0x1D6A0] =	vst v63  }
0xcb: {  	_ =	swait.ge [sflag:s26], $0x1400  }
0xcc: {  	[sflag:s26] =	ssyncset.done $0x0  }
0xcd: {  	s13 =	simm.s32 $0x2738;
	[sflag:s26] =	ssyncadd.s32 $0xFFFFEC00  }
0xce: {  	[spmem:s1] =	stream.indirect.scatter.add.f32 [tilespmem:s22], [sflag:$0x6], $0x80, s13, s20, $0xb8;
	[tilespmem:$0x1D6A0] =	vst v63  }
0xcf: {  	_ =	swait.ge [sflag:s28], $0x1400  }
0xd0: {  	[sflag:s28] =	ssyncset.done $0x0  }
0xd1: {  	s14 =	simm.s32 $0x2760;
	[sflag:s28] =	ssyncadd.s32 $0xFFFFEC00  }
0xd2: {  	[spmem:s1] =	stream.indirect.scatter.add.f32 [tilespmem:s23], [sflag:$0x7], $0x80, s14, s20, $0xb8;
	[tilespmem:$0x1D6A0] =	vst v63  }
0xd3: {  	_ =	swait.ge [sflag:s29], $0x1400  }
0xd4: {  	[sflag:s29] =	ssyncset.done $0x0  }
0xd5: {  	s15 =	simm.s32 $0x2788;
	[sflag:s29] =	ssyncadd.s32 $0xFFFFEC00  }
0xd6: {  	[spmem:s1] =	stream.indirect.scatter.add.f32 [tilespmem:s24], [sflag:$0x8], $0x80, s15, s20, $0xb8;
	[tilespmem:$0x1D6A0] =	vst v63  }
0xd7: {  	_ =	swait.ge [sflag:s30], $0x1400  }
0xd8: {  	[sflag:s30] =	ssyncset.done $0x0  }
0xd9: {  	[sflag:s30] =	ssyncadd.s32 $0xFFFFEC00  }
0xda: {  	_ =	swait.ge [sflag:s31], $0x1400  }
0xdb: {  	[sflag:s31] =	ssyncset.done $0x0  }
0xdc: {  	[sflag:s31] =	ssyncadd.s32 $0xFFFFEC00  }
0xdd: {  	_ =	swait.ge [sflag:s0], $0x1400  }
0xde: {  	[sflag:s0] =	ssyncset.done $0x0  }
0xdf: {  	[sflag:s0] =	ssyncadd.s32 $0xFFFFEC00  }
0xe0: {  	_ =	swait.ge [sflag:s17], $0x1400  }
0xe1: {  	s13 =	simm.s32 $0x280;
	s15 =	simm.s32 $0x500;
	[sflag:s17] =	ssyncset.done $0x0  }
.LBB2_4:
0xe2: {  	s2 =	sshra.s32 s13, $0x2  }
0xe3: {  	[sflag:s17] =	ssyncadd.s32 $0xFFFFEC00;
	s13 =	smov.u32 s15;
	s14 =	sadd.s32 $0x280, s15  }
0xe4: {  	[tilespmem:s21], [sflag:$0x1] =	stream.indirect.gather [hbm4b:s4+s20], $0x80, s2, s20, $0xb8;
	[tilespmem:$0x1D6A0] =	vst v63  }
0xe5: {  	p1 =	sne.s32 s15, $0x9880;
	s15 =	sadd.s32 $0x28, s2  }
0xe6: {  	[tilespmem:s22], [sflag:$0x2] =	stream.indirect.gather [hbm4b:s4+s20], $0x80, s15, s20, $0xb8;
	[tilespmem:$0x1D6A0] =	vst v63  }
0xe7: {  	s15 =	sadd.s32 $0x50, s2  }
0xe8: {  	[tilespmem:s23], [sflag:$0x3] =	stream.indirect.gather [hbm4b:s4+s20], $0x80, s15, s20, $0xb8;
	[tilespmem:$0x1D6A0] =	vst v63  }
0xe9: {  	s15 =	sadd.s32 $0x78, s2  }
0xea: {  	[tilespmem:s24], [sflag:$0x4] =	stream.indirect.gather [hbm4b:s4+s20], $0x80, s15, s20, $0xb8;
	[tilespmem:$0x1D6A0] =	vst v63  }
0xeb: {  	_ =	swait.ge [sflag:s25], $0x1400  }
0xec: {  	[sflag:s25] =	ssyncset.done $0x0  }
0xed: {  	s15 =	sadd.s32 $0x2710, s2;
	[sflag:s25] =	ssyncadd.s32 $0xFFFFEC00  }
0xee: {  	[spmem:s1] =	stream.indirect.scatter.add.f32 [tilespmem:s21], [sflag:$0x5], $0x80, s15, s20, $0xb8;
	[tilespmem:$0x1D6A0] =	vst v63  }
0xef: {  	_ =	swait.ge [sflag:s26], $0x1400  }
0xf0: {  	[sflag:s26] =	ssyncset.done $0x0  }
0xf1: {  	s15 =	sadd.s32 $0x2738, s2;
	[sflag:s26] =	ssyncadd.s32 $0xFFFFEC00  }
0xf2: {  	[spmem:s1] =	stream.indirect.scatter.add.f32 [tilespmem:s22], [sflag:$0x6], $0x80, s15, s20, $0xb8;
	[tilespmem:$0x1D6A0] =	vst v63  }
0xf3: {  	_ =	swait.ge [sflag:s28], $0x1400  }
0xf4: {  	[sflag:s28] =	ssyncset.done $0x0  }
0xf5: {  	s15 =	sadd.s32 $0x2760, s2;
	[sflag:s28] =	ssyncadd.s32 $0xFFFFEC00  }
0xf6: {  	[spmem:s1] =	stream.indirect.scatter.add.f32 [tilespmem:s23], [sflag:$0x7], $0x80, s15, s20, $0xb8;
	[tilespmem:$0x1D6A0] =	vst v63  }
0xf7: {  	_ =	swait.ge [sflag:s29], $0x1400  }
0xf8: {  	[sflag:s29] =	ssyncset.done $0x0  }
0xf9: {  	s2 =	sadd.s32 $0x2788, s2;
	[sflag:s29] =	ssyncadd.s32 $0xFFFFEC00  }
0xfa: {  	[spmem:s1] =	stream.indirect.scatter.add.f32 [tilespmem:s24], [sflag:$0x8], $0x80, s2, s20, $0xb8;
	[tilespmem:$0x1D6A0] =	vst v63  }
0xfb: {  	_ =	swait.ge [sflag:s30], $0x1400  }
0xfc: {  	[sflag:s30] =	ssyncset.done $0x0  }
0xfd: {  	[sflag:s30] =	ssyncadd.s32 $0xFFFFEC00  }
0xfe: {  	_ =	swait.ge [sflag:s31], $0x1400  }
0xff: {  	[sflag:s31] =	ssyncset.done $0x0  }
0x100: {  	[sflag:s31] =	ssyncadd.s32 $0xFFFFEC00  }
.Ltmp1:
0x101: {  	_ =	swait.ge [sflag:s0], $0x1400;
	(pc) =	sbr.rel @p1 .LBB2_4-.Ltmp1, $4  }
0x102: {  	[sflag:s0] =	ssyncset.done $0x0  }
0x103: {  	[sflag:s0] =	ssyncadd.s32 $0xFFFFEC00  }
0x104: {  	_ =	swait.ge [sflag:s17], $0x1400  }
0x105: {  	s15 =	smov.u32 s14;
	[sflag:s17] =	ssyncset.done $0x0  }
0x106: {  	s2 =	sshra.s32 s13, $0x2;
	[sflag:s17] =	ssyncadd.s32 $0xFFFFEC00  }
0x107: {  	[tilespmem:s21], [sflag:$0x1] =	stream.indirect.gather [hbm4b:s4+s20], $0x80, s2, s20, $0xb8;
	[tilespmem:$0x1D6A0] =	vst v63  }
0x108: {  	s13 =	sadd.s32 $0x28, s2  }
0x109: {  	[tilespmem:s22], [sflag:$0x2] =	stream.indirect.gather [hbm4b:s4+s20], $0x80, s13, s20, $0xb8;
	[tilespmem:$0x1D6A0] =	vst v63  }
0x10a: {  	s15 =	sadd.s32 $0x50, s2  }
0x10b: {  	[tilespmem:s23], [sflag:$0x3] =	stream.indirect.gather [hbm4b:s4+s20], $0x80, s15, s20, $0xb8;
	[tilespmem:$0x1D6A0] =	vst v63  }
0x10c: {  	s14 =	sadd.s32 $0x78, s2  }
0x10d: {  	[tilespmem:s24], [sflag:$0x4] =	stream.indirect.gather [hbm4b:s4+s20], $0x80, s14, s20, $0xb8;
	[tilespmem:$0x1D6A0] =	vst v63  }
0x10e: {  	_ =	swait.ge [sflag:s25], $0x1400  }
0x10f: {  	[sflag:s25] =	ssyncset.done $0x0  }
0x110: {  	s15 =	sadd.s32 $0x2710, s2;
	[sflag:s25] =	ssyncadd.s32 $0xFFFFEC00  }
0x111: {  	[spmem:s1] =	stream.indirect.scatter.add.f32 [tilespmem:s21], [sflag:$0x5], $0x80, s15, s20, $0xb8;
	[tilespmem:$0x1D6A0] =	vst v63  }
0x112: {  	_ =	swait.ge [sflag:s26], $0x1400  }
0x113: {  	[sflag:s26] =	ssyncset.done $0x0  }
0x114: {  	s14 =	sadd.s32 $0x2738, s2;
	[sflag:s26] =	ssyncadd.s32 $0xFFFFEC00  }
0x115: {  	[spmem:s1] =	stream.indirect.scatter.add.f32 [tilespmem:s22], [sflag:$0x6], $0x80, s14, s20, $0xb8;
	[tilespmem:$0x1D6A0] =	vst v63  }
0x116: {  	_ =	swait.ge [sflag:s28], $0x1400  }
0x117: {  	[sflag:s28] =	ssyncset.done $0x0  }
0x118: {  	s15 =	sadd.s32 $0x2760, s2;
	[sflag:s28] =	ssyncadd.s32 $0xFFFFEC00  }
0x119: {  	[spmem:s1] =	stream.indirect.scatter.add.f32 [tilespmem:s23], [sflag:$0x7], $0x80, s15, s20, $0xb8;
	[tilespmem:$0x1D6A0] =	vst v63  }
0x11a: {  	_ =	swait.ge [sflag:s29], $0x1400  }
0x11b: {  	[sflag:s29] =	ssyncset.done $0x0  }
0x11c: {  	s2 =	sadd.s32 $0x2788, s2;
	[sflag:s29] =	ssyncadd.s32 $0xFFFFEC00  }
0x11d: {  	[spmem:s1] =	stream.indirect.scatter.add.f32 [tilespmem:s24], [sflag:$0x8], $0x80, s2, s20, $0xb8;
	[tilespmem:$0x1D6A0] =	vst v63  }
0x11e: {  	_ =	swait.ge [sflag:s30], $0x1400  }
0x11f: {  	[sflag:s30] =	ssyncset.done $0x0  }
0x120: {  	[sflag:s30] =	ssyncadd.s32 $0xFFFFEC00  }
0x121: {  	_ =	swait.ge [sflag:s31], $0x1400  }
0x122: {  	[sflag:s31] =	ssyncset.done $0x0  }
0x123: {  	[sflag:s31] =	ssyncadd.s32 $0xFFFFEC00  }
0x124: {  	_ =	swait.ge [sflag:s0], $0x1400  }
0x125: {  	[sflag:s0] =	ssyncset.done $0x0  }
0x126: {  	[sflag:s0] =	ssyncadd.s32 $0xFFFFEC00  }
0x127: {  	_ =	swait.ge [sflag:s17], $0x1400  }
0x128: {  	[sflag:s17] =	ssyncset.done $0x0  }
0x129: {  	s13 =	simm.s32 $0x26C0;
	[sflag:s17] =	ssyncadd.s32 $0xFFFFEC00  }
0x12a: {  	[tilespmem:s21], [sflag:$0x1] =	stream.indirect.gather [hbm4b:s4+s20], $0x80, s13, s20, $0xb8;
	[tilespmem:$0x1D6A0] =	vst v63  }
0x12b: {  	_ = 	snop  }
0x12c: {  	[tilespmem:s22], [sflag:$0x2] =	stream.indirect.gather [hbm4b:s4+s20], $0x80, s5, s20, $0xb8;
	[tilespmem:$0x1D6A0] =	vst v63  }
0x12d: {  	_ =	swait.ge [sflag:s25], $0x1400  }
0x12e: {  	[sflag:s25] =	ssyncset.done $0x0  }
0x12f: {  	[sflag:s25] =	ssyncadd.s32 $0xFFFFEC00  }
0x130: {  	[spmem:s1] =	stream.indirect.scatter.add.f32 [tilespmem:s21], [sflag:$0x5], $0x80, s6, s20, $0xb8;
	[tilespmem:$0x1D6A0] =	vst v63  }
0x131: {  	_ =	swait.ge [sflag:s26], $0x1400  }
0x132: {  	[sflag:s26] =	ssyncset.done $0x0  }
0x133: {  	[sflag:s26] =	ssyncadd.s32 $0xFFFFEC00  }
0x134: {  	[spmem:s1] =	stream.indirect.scatter.add.f32 [tilespmem:s22], [sflag:$0x6], $0x80, s9, s20, $0xb8;
	[tilespmem:$0x1D6A0] =	vst v63  }
0x135: {  	_ =	swait.ge [sflag:s30], $0x1400  }
0x136: {  	[sflag:s30] =	ssyncset.done $0x0  }
0x137: {  	[sflag:s30] =	ssyncadd.s32 $0xFFFFEC00  }
0x138: {  	_ =	swait.ge [sflag:s31], $0x1400  }
0x139: {  	[sflag:s31] =	ssyncset.done $0x0  }
0x13a: {  	[sflag:s31] =	ssyncadd.s32 $0xFFFFEC00  }
0x13b: {  	[bflag:$0x0] =	sbarrier.arrive $0xFFFF  }
0x13c: {  	s14 =	rddreg [dreg:$0x8]  }
0x13d: {  	[hbm:s14], [sflag:s18] =	dma.local [spmem:s19], $0x2700  }
0x13e: {  	_ =	swait.ge [sflag:s16], $0x2700  }
0x13f: {  	[sflag:s16] =	ssyncset.done $0x0  }
0x140: {  	s2 =	rddreg [dreg:$0x9];
	[sflag:s16] =	ssyncadd.s32 $0xFFFFD900  }
0x141: {  	[hbm:s2], [sflag:s18] =	dma.local @!p0 [spmem:s12], $0x100  }
0x142: {  	s2 =	simm.s32 @!p0 $0x9  }
0x143: {  	_ =	swait.ge @!p0 [sflag:s2], $0x100  }
0x144: {  	s11 =	sadd.s32 $0x1, s11;
	s15 =	rddreg [dreg:$0xa]  }
0x145: {  	p1 =	sne.s32 s11, s15  }
.Ltmp2:
0x146: {  	_ = 	snop;
	(pc) =	sbr.rel @p1 .LBB2_1-.Ltmp2, $3  }
0x147: {  	_ =	sdelay $0x1  }
0x148: {  	[sflag:s2] =	ssyncset.done @!p0 $0x0  }
0x149: {  	[sflag:s2] =	ssyncadd.s32 @!p0 $0xFFFFFF00  }
0x14a: {  	_ =	sfence.sel $0x180000  }
0x14b: {  	[bflag:$0x0] =	sbarrier.arrive $0xFFFF  }
0x14c: {  	_ =	strace $0x9000004A  }
0x14d: {  	[bflag:$0x2] =	sbarrier.arrive $0xFFFF  }
0x14e: {  	s0 =	rddreg [dreg:$0x2]  }
0x14f: {  	s0 =	sadd.s32 @!p0 $0x100000, s0  }
0x150: {  	[sflag:s0] =	ssyncadd.tile.s32 @!p0 $0x1;
	_ =	shalt  }
.Lfunc_end2:
_tile_overlayer_lowered:
.L_overlay_start_2:
0x151: {  	(tag) =	ssettag $0x2  }
0x152: {  	s0 =	rddreg [dreg:$0x0];
	s2 =	stileid.u32  }
0x153: {  	s1 =	rddreg [dreg:$0x1];
	p0 =	sne.s32 s2, $0x0  }
0x154: {  	s3 =	rddreg [dreg:$0x2];
	[bflag:$0x3] =	sbarrier.arrive $0xFFFF;
	s2 =	simm.s32 @!p0 $0x1C09  }
0x155: {  	[timem:s3], [sflag:s2] =	dma.local @!p0 [hbm:s0], s1  }
0x156: {  	s0 =	simm.s32 @!p0 $0x9  }
0x157: {  	_ =	swait.ge @!p0 [sflag:s0], s1  }
0x158: {  	s1 =	ssub.s32 @!p0 $0x0, s1;
	[sflag:s0] =	ssyncset.done @!p0 $0x0  }
0x159: {  	[sflag:s0] =	ssyncadd.s32 @!p0 s1  }
0x15a: {  	[bflag:$0x3] =	sbarrier.arrive $0xFFFF  }
0x15b: {  	_ =	shalt  }

// kernel: kernel.14.cloned.1.call-start
scs
__scs_entry_jumppad:
0x0: {  	(pc) =	sbr.rel $0x88, $3  }
0x1: {  	(tag) =	ssettag $0x0;
	lr =	simm.s32 $0x1  }
0x2: {  	[smem:$0x3F99] =	sst lr;
	_ =	strace $0xD0000000  }
0x3: {  	_ = 	snop  }
0x4: {  	_ = 	snop  }
0x5: {  	_ = 	snop  }
0x6: {  	_ = 	snop  }
0x7: {  	_ = 	snop  }
__scs_overlays_trampoline_lowered:
0x8: {  	[smem:$0x3FA8] =	sst s0  }
0x9: {  	[smem:$0x3FA9] =	sst s1  }
0xa: {  	[smem:$0x3FAA] =	sst s2  }
0xb: {  	[smem:$0x3FAB] =	sst s3  }
0xc: {  	[smem:$0x3FAC] =	sst s4  }
0xd: {  	[smem:$0x3FAD] =	sst s5  }
0xe: {  	[smem:$0x3FAE] =	sst s6  }
0xf: {  	[smem:$0x3FAF] =	sst s7  }
0x10: {  	[smem:$0x3FB0] =	sst s8  }
0x11: {  	[smem:$0x3FB1] =	sst s9;
	s0 =	simm.s32 @!p0 $0x0  }
0x12: {  	s1 =	sld [smem:$0x3F97];
	s0 =	simm.s32 @p0 $0x1  }
0x13: {  	[smem:$0x3FB2] =	sst s0;
	s0 =	simm.s32 @!p1 $0x0  }
0x14: {  	s2 =	sld [smem:$0x3F96];
	s0 =	simm.s32 @p1 $0x1  }
0x15: {  	[smem:$0x3FB3] =	sst s0;
	s0 =	simm.s32 @!p2 $0x0  }
0x16: {  	s3 =	sld [smem:$0x3FDB];
	s0 =	simm.s32 @p2 $0x1  }
0x17: {  	s4 =	simm.s32 $0x1BF5;
	[smem:$0x3FB5] =	sst s0  }
0x18: {  	s0 =	sld [smem:$0x3F98];
	_ =	swait.ge [sflag:s4], $0x0  }
0x19: {  	s7 =	sld [smem:$0x3F99]  }
0x1a: {  	s8 =	sadd.s32 $0xFFFFE003, lr  }
0x1b: {  	s9 =	sadd.s32 $0xFFFFFEF7, lr;
	s5 =	simm.s32 $0xFFFFFFFF;
	p2 =	slt.u32 s8, $0xFFFFF086  }
0x1c: {  	p1 =	slt.u32 s9, $0xF7A;
	s5 =	simm.s32 @!p2 $0x0  }
0x1d: {  	s5 =	simm.s32 @p1 $0x1;
	p0 =	seq.s32 s7, s2  }
0x1e: {  	s7 =	smul.u32 @!p0 $0xF7A, s2;
	p2 =	seq.s32 @!p0 s5, $0x0  }
0x1f: {  	s9 =	smul.u32 $0xF7A, s1;
	s8 =	simm.s32 @!p0 $0x1BF5;
	p2 =	por !p2, p0  }
0x20: {  	[sflag:s8] =	ssyncset.s32 @!p0 $0xFFFFF086;
	s6 =	sadd.s32 @!p0 s3, s7;
	s7 =	simm.s32 @!p0 $0x108  }
0x21: {  	s3 =	sadd.s32 s3, s9;
	s6 =	sadd.s32 @!p0 $0x88, s6;
	s7 =	simm.s32 @p2 $0x1082  }
0x22: {  	[simem:s7], [sflag:s8] =	dma.local @!p0 [hbm:s6], $0xF7A  }
0x23: {  	s9 =	sor.u32 $0xD0000000, s2;
	s6 =	simm.s32 $0x108;
	_ =	swait.ge @!p0 [sflag:s8], $0x0  }
0x24: {  	s3 =	sadd.s32 $0x88, s3;
	s6 =	simm.s32 @!p1 $0x1082;
	[sflag:s4] =	ssyncset.s32 $0xFFFFF086  }
0x25: {  	[simem:s6], [sflag:s4] =	dma.local [hbm:s3], $0xF7A  }
0x26: {  	[smem:$0x3F99] =	sst s1;
	(tag) =	ssettag s2;
	_ =	strace s9  }
0x27: {  	s1 =	sld [smem:$0x3FA9]  }
0x28: {  	s2 =	sld [smem:$0x3FAA]  }
0x29: {  	s4 =	sld [smem:$0x3FAC]  }
0x2a: {  	p0 =	seq.s32 s5, $0x0;
	s5 =	sld [smem:$0x3FAD]  }
0x2b: {  	s6 =	sld [smem:$0x3FAE]  }
0x2c: {  	s7 =	sld [smem:$0x3FAF]  }
0x2d: {  	s3 =	simm.s32 $0x108;
	s8 =	sld [smem:$0x3FB0]  }
0x2e: {  	s3 =	simm.s32 @!p0 $0x1082;
	s9 =	sld [smem:$0x3FB1]  }
0x2f: {  	lr =	sadd.s32 s0, s3;
	s0 =	sld [smem:$0x3FA8]  }
0x30: {  	s3 =	sld [smem:$0x3FAB]  }
0x31: {  	[smem:$0x3FB4] =	sst s10  }
0x32: {  	s10 =	sld [smem:$0x3FB2];
	_ =	sdelay $0x3  }
0x33: {  	p0 =	seq.s32 s10, $0x1;
	s10 =	sld [smem:$0x3FB4];
	_ =	sdelay $0x3  }
0x34: {  	[smem:$0x3FB4] =	sst s10  }
0x35: {  	s10 =	sld [smem:$0x3FB3];
	_ =	sdelay $0x3  }
0x36: {  	p1 =	seq.s32 s10, $0x1;
	s10 =	sld [smem:$0x3FB4];
	_ =	sdelay $0x3  }
0x37: {  	[smem:$0x3FB4] =	sst s10  }
0x38: {  	s10 =	sld [smem:$0x3FB5]  }
0x39: {  	_ = 	snop;
	(pc) =	sbr.ind lr, $3  }
0x3a: {  	_ = 	snop  }
0x3b: {  	_ = 	snop  }
0x3c: {  	p2 =	seq.s32 s10, $0x1;
	s10 =	sld [smem:$0x3FB4]  }
0x3d: {  	_ =	shalt  }
0x3e: {  	_ =	shalt  }
0x3f: {  	_ =	shalt  }
0x40: {  	_ =	shalt  }
0x41: {  	_ =	shalt  }
0x42: {  	_ =	shalt  }
0x43: {  	_ =	shalt  }
0x44: {  	_ =	shalt  }
0x45: {  	_ =	shalt  }
0x46: {  	_ =	shalt  }
0x47: {  	_ =	shalt  }
0x48: {  	_ =	shalt  }
0x49: {  	_ =	shalt  }
0x4a: {  	_ =	shalt  }
0x4b: {  	_ =	shalt  }
0x4c: {  	_ =	shalt  }
0x4d: {  	_ =	shalt  }
0x4e: {  	_ =	shalt  }
0x4f: {  	_ =	shalt  }
0x50: {  	_ =	shalt  }
0x51: {  	_ =	shalt  }
0x52: {  	_ =	shalt  }
0x53: {  	_ =	shalt  }
0x54: {  	_ =	shalt  }
0x55: {  	_ =	shalt  }
0x56: {  	_ =	shalt  }
0x57: {  	_ =	shalt  }
0x58: {  	_ =	shalt  }
0x59: {  	_ =	shalt  }
0x5a: {  	_ =	shalt  }
0x5b: {  	_ =	shalt  }
0x5c: {  	_ =	shalt  }
0x5d: {  	_ =	shalt  }
0x5e: {  	_ =	shalt  }
0x5f: {  	_ =	shalt  }
0x60: {  	_ =	shalt  }
0x61: {  	_ =	shalt  }
0x62: {  	_ =	shalt  }
0x63: {  	_ =	shalt  }
0x64: {  	_ =	shalt  }
0x65: {  	_ =	shalt  }
0x66: {  	_ =	shalt  }
0x67: {  	_ =	shalt  }
0x68: {  	_ =	shalt  }
0x69: {  	_ =	shalt  }
0x6a: {  	_ =	shalt  }
0x6b: {  	_ =	shalt  }
0x6c: {  	_ =	shalt  }
0x6d: {  	_ =	shalt  }
0x6e: {  	_ =	shalt  }
0x6f: {  	_ =	shalt  }
0x70: {  	_ =	shalt  }
0x71: {  	_ =	shalt  }
0x72: {  	_ =	shalt  }
0x73: {  	_ =	shalt  }
0x74: {  	_ =	shalt  }
0x75: {  	_ =	shalt  }
0x76: {  	_ =	shalt  }
0x77: {  	_ =	shalt  }
0x78: {  	_ =	shalt  }
0x79: {  	_ =	shalt  }
0x7a: {  	_ =	shalt  }
0x7b: {  	_ =	shalt  }
0x7c: {  	_ =	shalt  }
0x7d: {  	_ =	shalt  }
0x7e: {  	_ =	shalt  }
0x7f: {  	_ =	shalt  }
0x80: {  	_ =	shalt  }
0x81: {  	_ =	shalt  }
0x82: {  	_ =	shalt  }
0x83: {  	_ =	shalt  }
0x84: {  	_ =	shalt  }
0x85: {  	_ =	shalt  }
0x86: {  	_ =	shalt  }
0x87: {  	_ =	shalt  }
.Lfunc_end0:
.L_simem_size_0:
called_computation.2_lowered:
.L_overlay_start_0:
0x88: {  	s2 =	sld [smem:$0x3FD9]  }
0x89: {  	s3 =	sld [smem:$0x3FFE];
	_ =	sdelay $0x1  }
0x8a: {  	s1 =	srdreg.scid  }
0x8b: {  	s0 =	sand.u32 $0x1, s1  }
0x8c: {  	s17 =	sshll.u32 s0, $0xA;
	s2 =	sadd.s32 s3, s2  }
0x8d: {  	s2 =	sadd.s32 s2, s17  }
0x8e: {  	[smem:$0x3FC0] =	sst s2  }
0x8f: {  	_ = 	snop  }
0x90: {  	s2 =	sld [smem:$0x3FD0];
	(tm) =	ssettm $0x1  }
0x91: {  	s18 =	sld [smem:$0x3FFB];
	_ =	sdelay $0x3  }
0x92: {  	_ =	strace s18  }
0x93: {  	s3 =	sld [smem:$0x3FFC];
	_ =	sdelay $0x3  }
0x94: {  	_ =	strace s3  }
0x95: {  	s3 =	sld [smem:$0x3FFD];
	_ =	sdelay $0x3  }
0x96: {  	_ =	strace s3  }
0x97: {  	_ =	strace $0x8FFFFFFF  }
0x98: {  	s19 =	sld [smem:$0x3FDB];
	_ =	sdelay $0x1  }
0x99: {  	s4 =	simm.s32 $_scs_section_size  }
0x9a: {  	s5 =	simm.s32 $_size__tile_overlayer_lowered;
	s6 =	simm.s32 $_tile_overlayer_lowered  }
0x9b: {  	s22 =	simm.s32 $0x1BFF;
	s21 =	sshll.u32 s6, $0x1;
	s3 =	sadd.s32 s4, s19  }
0x9c: {  	s7 =	simm.s32 $0x0;
	s20 =	sshll.u32 s5, $0x1;
	s5 =	sadd.s32 s21, s3  }
0x9d: {  	[timem:s7], [sflag:s22] =	dma.local [hbm:s5], s20  }
0x9e: {  	_ =	swait.ge [sflag:s22], s20  }
0x9f: {  	s4 =	ssub.s32 $0x0, s20;
	[sflag:s22] =	ssyncset.done $0x0  }
0xa0: {  	[sflag:s22] =	ssyncadd.s32 s4;
	_ =	sdelay $0x1  }
0xa1: {  	s23 =	simm.s32 $0x1B8B  }
0xa2: {  	_ =	swait.ge [sflag:s23], $0x1  }
0xa3: {  	[sflag:s23] =	ssyncset.done $0x0  }
0xa4: {  	s25 =	simm.s32 $0x1B8E;
	s24 =	sld [smem:$0x3FFE];
	[sflag:s23] =	ssyncadd.s32 $0xFFFFFFFF  }
0xa5: {  	s26 =	simm.s32 $execute0_lowered;
	[smem:$0x3FD2] =	sst s25  }
0xa6: {  	s5 =	sshll.u32 s26, $0x1;
	_ =	strace $0x8000004C;
	[dreg:$0x1] =	wrdreg $0xFFFFFFFF  }
0xa7: {  	s28 =	simm.s32 $_size_execute0_lowered;
	s3 =	sadd.s32 s3, s5;
	[dreg:$0x0] =	wrdreg $0x0  }
0xa8: {  	s5 =	sshll.u32 s28, $0x1;
	[dreg:$0x2] =	wrdreg s3  }
0xa9: {  	[dreg:$0x3] =	wrdreg s5  }
0xaa: {  	[dreg:$0x4] =	wrdreg $0xC0  }
0xab: {  	_ =	task [dreg:s7], $0x5FFFF  }
0xac: {  	[dreg:$0x1] =	wrdreg $0xFFFFFFFF  }
0xad: {  	[dreg:$0x0] =	wrdreg $0x60  }
0xae: {  	[dreg:$0x2] =	wrdreg s2  }
0xaf: {  	[dreg:$0x3] =	wrdreg s24  }
0xb0: {  	[dreg:$0x4] =	wrdreg $0x4E200  }
0xb1: {  	[dreg:$0x5] =	wrdreg $0x9  }
0xb2: {  	_ =	task.clear_ibuf [dreg:s7], $0x6FFFF;
	_ =	strace $0x9000004C  }
0xb3: {  	s29 =	simm.s32 $0x9;
	_ =	strace $0x8000004E  }
0xb4: {  	_ =	swait.ge [sflag:s29], $0x1  }
0xb5: {  	[sflag:s29] =	ssyncadd.s32 $0xFFFFFFFF  }
0xb6: {  	_ =	strace $0x9000004E  }
0xb7: {  	_ =	sfence  }
0xb8: {  	s30 =	sld [smem:$0x0];
	_ =	sdelay $0x2  }
0xb9: {  	s31 =	sshll.u32 s1, $0xD;
	s1 =	sshrl.u32 s1, $0x2  }
0xba: {  	s3 =	sand.u32 $0x4000, s31;
	s1 =	sadd.s32 s1, s30  }
0xbb: {  	s0 =	sor.u32 s3, s0;
	s1 =	sshll.u32 s1, $0x11  }
0xbc: {  	s0 =	sor.u32 s1, s0  }
0xbd: {  	s0 =	sadd.s32 $0x8F2B, s0  }
0xbe: {  	[sflag:s0] =	ssyncadd.remote.s32 $0x1  }
0xbf: {  	_ =	sfence.sel $0xFFFF  }
0xc0: {  	[dreg:$0x0] =	wrdreg $0xFFFFFFFF;
	(pc) =	sbr.abs _section_cstart, $3  }
0xc1: {  	[dreg:$0x1] =	wrdreg $0xFFFFFFFF  }
0xc2: {  	_ =	task.clear_ibuf [dreg:s7], $0x2FFFF;
	_ =	strace $0x9FFFFFFF  }
0xc3: {  	(tm) =	ssettm $0x7FFFFFFF  }
tec
execute0_lowered:
.L_overlay_start_1:
0x0: {  	(tag) =	ssettag $0x1  }
0x1: {  	s1 =	rddreg [dreg:$0x0]  }
0x2: {  	s0 =	rddreg [dreg:$0x1];
	s3 =	srdreg.scid  }
0x3: {  	s2 =	rddreg [dreg:$0x2];
	s12 =	stileid.u32;
	s24 =	simm.s32 $0x0  }
0x4: {  	s16 =	simm.s32 $0x28;
	s17 =	simm.s32 $0xEA60;
	s18 =	simm.s32 $0xF460  }
0x5: {  	s19 =	simm.s32 $0xFE60;
	s20 =	simm.s32 $0x10860;
	s21 =	simm.s32 $0x1  }
0x6: {  	s22 =	simm.s32 $0x2;
	s23 =	simm.s32 $0x3;
	s28 =	simm.s32 $0x7  }
0x7: {  	s29 =	simm.s32 $0x8;
	s30 =	simm.s32 $0x0;
	s4 =	sand.u32 $0x1, s3  }
0x8: {  	s7 =	smul.u32 $0x9C00, s12;
	[smem:$0x7FF] =	sst s24;
	s9 =	sadd.s32 $0x2A000, s0  }
0x9: {  	s15 =	sadd.s32 $0x9C000, s2;
	p0 =	sne.s32 s12, $0x0;
	s31 =	sshll.u32 s12, $0x6  }
0xa: {  	s24 =	simm.s32 $0x4;
	s5 =	sshll.u32 s4, $0x4;
	_ =	strace $0x8000004D  }
0xb: {  	s8 =	ssub.s32 $0x2, s4;
	s11 =	smul.u32 $0x9C400, s4;
	s13 =	sor.u32 $0x1C09, s31  }
0xc: {  	s15 =	sshrl.u32 @!p0 s15, $0x3;
	s5 =	sor.u32 s12, s5;
	s6 =	sshrl.u32 s7, $0x3  }
0xd: {  	s10 =	sshrl.u32 s8, $0x1;
	s14 =	sadd.s32 s7, s2;
	s5 =	smul.u32 $0x4E2, s5  }
0xe: {  	s6 =	sadd.s32 s6, s0;
	s10 =	ssub.s32 s8, s10;
	s7 =	sadd.s32 s7, s11  }
0xf: {  	s11 =	sshrl.u32 s11, $0x3;
	s14 =	sshrl.u32 s14, $0x3;
	s6 =	sadd.s32 $0x16600, s6  }
0x10: {  	s25 =	sshrl.u32 s7, $0x3;
	s7 =	sadd.s32 $0x29E00, s0;
	s26 =	sadd.s32 s9, s11  }
0x11: {  	s10 =	smax.u32 s10, $0x1;
	s11 =	simm.s32 $0x9;
	s5 =	sadd.s32 s5, s0  }
0x12: {  	s8 =	sadd.s32 s9, s25;
	s9 =	sadd.s32 $0x13800, s26;
	s25 =	simm.s32 $0x5  }
0x13: {  	s26 =	simm.s32 $0x6;
	s4 =	sadd.s32 $0x2A00, s5;
	s5 =	sadd.s32 $0xC800, s5  }
.LBB2_1:
0x14: {  	s0 =	simm.s32 $0x0  }
0x15: {  	[tilespmem:s0], [sflag:$0x9] =	stream.linear.gather [hbm4b:s4+s0], $0x2710, $0x38;
	[tilespmem:$0x11260] =	vst v63  }
0x16: {  	_ =	swait.ge [sflag:s11], $0x2710  }
0x17: {  	[sflag:s11] =	ssyncset.done $0x0  }
0x18: {  	s3 =	simm.s32 $0x2710;
	[sflag:s11] =	ssyncadd.s32 $0xFFFFD8F0  }
0x19: {  	[tilespmem:s3], [sflag:$0x9] =	stream.linear.gather [hbm4b:s5+s0], $0x2710, $0x38;
	[tilespmem:$0x11260] =	vst v63  }
0x1a: {  	_ =	swait.ge [sflag:s11], $0x2710  }
0x1b: {  	[sflag:s11] =	ssyncset.done $0x0  }
0x1c: {  	[sflag:s11] =	ssyncadd.s32 $0xFFFFD8F0  }
0x1d: {  	[spmem:s14], [sflag:s13] =	dma.local [hbm:s6], $0x1380  }
0x1e: {  	_ =	swait.ge [sflag:s11], $0x1380  }
0x1f: {  	[sflag:s11] =	ssyncset.done $0x0  }
0x20: {  	s0 =	simm.s32 @!p0 $0x9;
	[sflag:s11] =	ssyncadd.s32 $0xFFFFEC80  }
0x21: {  	[spmem:s15], [sflag:s13] =	dma.local @!p0 [hbm:s7], $0x80  }
0x22: {  	_ =	swait.ge @!p0 [sflag:s0], $0x80  }
0x23: {  	[sflag:s0] =	ssyncset.done @!p0 $0x0  }
0x24: {  	[sflag:s0] =	ssyncadd.s32 @!p0 $0xFFFFFF80  }
0x25: {  	s3 =	simm.s32 $0x0;
	[bflag:$0x0] =	sbarrier.arrive $0xFFFF  }
0x26: {  	[tilespmem:s17], [sflag:$0x1] =	stream.indirect.gather [hbm4b:s1+s16], $0x40, s3, s16, $0xb8;
	[tilespmem:$0x11260] =	vst v63  }
0x27: {  	s12 =	simm.s32 $0x28  }
0x28: {  	[tilespmem:s18], [sflag:$0x2] =	stream.indirect.gather [hbm4b:s1+s16], $0x40, s12, s16, $0xb8;
	[tilespmem:$0x11260] =	vst v63  }
0x29: {  	s3 =	simm.s32 $0x50  }
0x2a: {  	[tilespmem:s19], [sflag:$0x3] =	stream.indirect.gather [hbm4b:s1+s16], $0x40, s3, s16, $0xb8;
	[tilespmem:$0x11260] =	vst v63  }
0x2b: {  	s12 =	simm.s32 $0x78  }
0x2c: {  	[tilespmem:s20], [sflag:$0x4] =	stream.indirect.gather [hbm4b:s1+s16], $0x40, s12, s16, $0xb8;
	[tilespmem:$0x11260] =	vst v63  }
0x2d: {  	_ =	swait.ge [sflag:s21], $0xA00  }
0x2e: {  	[sflag:s21] =	ssyncset.done $0x0  }
0x2f: {  	s3 =	simm.s32 $0x2710;
	[sflag:s21] =	ssyncadd.s32 $0xFFFFF600  }
0x30: {  	[spmem:s2] =	stream.indirect.scatter.add.f32 [tilespmem:s17], [sflag:$0x5], $0x40, s3, s16, $0xb8;
	[tilespmem:$0x11260] =	vst v63  }
0x31: {  	_ =	swait.ge [sflag:s22], $0xA00  }
0x32: {  	[sflag:s22] =	ssyncset.done $0x0  }
0x33: {  	s12 =	simm.s32 $0x2738;
	[sflag:s22] =	ssyncadd.s32 $0xFFFFF600  }
0x34: {  	[spmem:s2] =	stream.indirect.scatter.add.f32 [tilespmem:s18], [sflag:$0x6], $0x40, s12, s16, $0xb8;
	[tilespmem:$0x11260] =	vst v63  }
0x35: {  	_ =	swait.ge [sflag:s23], $0xA00  }
0x36: {  	[sflag:s23] =	ssyncset.done $0x0  }
0x37: {  	s3 =	simm.s32 $0x2760;
	[sflag:s23] =	ssyncadd.s32 $0xFFFFF600  }
0x38: {  	[spmem:s2] =	stream.indirect.scatter.add.f32 [tilespmem:s19], [sflag:$0x7], $0x40, s3, s16, $0xb8;
	[tilespmem:$0x11260] =	vst v63  }
0x39: {  	_ =	swait.ge [sflag:s24], $0xA00  }
0x3a: {  	[sflag:s24] =	ssyncset.done $0x0  }
0x3b: {  	s12 =	simm.s32 $0x2788;
	[sflag:s24] =	ssyncadd.s32 $0xFFFFF600  }
0x3c: {  	[spmem:s2] =	stream.indirect.scatter.add.f32 [tilespmem:s20], [sflag:$0x8], $0x40, s12, s16, $0xb8;
	[tilespmem:$0x11260] =	vst v63  }
0x3d: {  	_ =	swait.ge [sflag:s25], $0xA00  }
0x3e: {  	[sflag:s25] =	ssyncset.done $0x0  }
0x3f: {  	[sflag:s25] =	ssyncadd.s32 $0xFFFFF600  }
0x40: {  	_ =	swait.ge [sflag:s26], $0xA00  }
0x41: {  	[sflag:s26] =	ssyncset.done $0x0  }
0x42: {  	[sflag:s26] =	ssyncadd.s32 $0xFFFFF600  }
0x43: {  	_ =	swait.ge [sflag:s28], $0xA00  }
0x44: {  	[sflag:s28] =	ssyncset.done $0x0  }
0x45: {  	[sflag:s28] =	ssyncadd.s32 $0xFFFFF600  }
0x46: {  	_ =	swait.ge [sflag:s29], $0xA00  }
0x47: {  	s31 =	simm.s32 $0x280;
	s0 =	simm.s32 $0x500;
	[sflag:s29] =	ssyncset.done $0x0  }
.LBB2_2:
0x48: {  	s3 =	sshra.s32 s31, $0x2  }
0x49: {  	[sflag:s29] =	ssyncadd.s32 $0xFFFFF600;
	s31 =	smov.u32 s0;
	s12 =	sadd.s32 $0x280, s0  }
0x4a: {  	[tilespmem:s17], [sflag:$0x1] =	stream.indirect.gather [hbm4b:s1+s16], $0x40, s3, s16, $0xb8;
	[tilespmem:$0x11260] =	vst v63  }
0x4b: {  	p1 =	sne.s32 s0, $0x9880;
	s0 =	sadd.s32 $0x28, s3  }
0x4c: {  	[tilespmem:s18], [sflag:$0x2] =	stream.indirect.gather [hbm4b:s1+s16], $0x40, s0, s16, $0xb8;
	[tilespmem:$0x11260] =	vst v63  }
0x4d: {  	s0 =	sadd.s32 $0x50, s3  }
0x4e: {  	[tilespmem:s19], [sflag:$0x3] =	stream.indirect.gather [hbm4b:s1+s16], $0x40, s0, s16, $0xb8;
	[tilespmem:$0x11260] =	vst v63  }
0x4f: {  	s0 =	sadd.s32 $0x78, s3  }
0x50: {  	[tilespmem:s20], [sflag:$0x4] =	stream.indirect.gather [hbm4b:s1+s16], $0x40, s0, s16, $0xb8;
	[tilespmem:$0x11260] =	vst v63  }
0x51: {  	_ =	swait.ge [sflag:s21], $0xA00  }
0x52: {  	[sflag:s21] =	ssyncset.done $0x0  }
0x53: {  	s0 =	sadd.s32 $0x2710, s3;
	[sflag:s21] =	ssyncadd.s32 $0xFFFFF600  }
0x54: {  	[spmem:s2] =	stream.indirect.scatter.add.f32 [tilespmem:s17], [sflag:$0x5], $0x40, s0, s16, $0xb8;
	[tilespmem:$0x11260] =	vst v63  }
0x55: {  	_ =	swait.ge [sflag:s22], $0xA00  }
0x56: {  	[sflag:s22] =	ssyncset.done $0x0  }
0x57: {  	s0 =	sadd.s32 $0x2738, s3;
	[sflag:s22] =	ssyncadd.s32 $0xFFFFF600  }
0x58: {  	[spmem:s2] =	stream.indirect.scatter.add.f32 [tilespmem:s18], [sflag:$0x6], $0x40, s0, s16, $0xb8;
	[tilespmem:$0x11260] =	vst v63  }
0x59: {  	_ =	swait.ge [sflag:s23], $0xA00  }
0x5a: {  	[sflag:s23] =	ssyncset.done $0x0  }
0x5b: {  	s0 =	sadd.s32 $0x2760, s3;
	[sflag:s23] =	ssyncadd.s32 $0xFFFFF600  }
0x5c: {  	[spmem:s2] =	stream.indirect.scatter.add.f32 [tilespmem:s19], [sflag:$0x7], $0x40, s0, s16, $0xb8;
	[tilespmem:$0x11260] =	vst v63  }
0x5d: {  	_ =	swait.ge [sflag:s24], $0xA00  }
0x5e: {  	[sflag:s24] =	ssyncset.done $0x0  }
0x5f: {  	s0 =	sadd.s32 $0x2788, s3;
	[sflag:s24] =	ssyncadd.s32 $0xFFFFF600  }
0x60: {  	[spmem:s2] =	stream.indirect.scatter.add.f32 [tilespmem:s20], [sflag:$0x8], $0x40, s0, s16, $0xb8;
	[tilespmem:$0x11260] =	vst v63  }
0x61: {  	_ =	swait.ge [sflag:s25], $0xA00  }
0x62: {  	[sflag:s25] =	ssyncset.done $0x0  }
0x63: {  	[sflag:s25] =	ssyncadd.s32 $0xFFFFF600  }
0x64: {  	_ =	swait.ge [sflag:s26], $0xA00  }
0x65: {  	[sflag:s26] =	ssyncset.done $0x0  }
0x66: {  	[sflag:s26] =	ssyncadd.s32 $0xFFFFF600  }
.Ltmp0:
0x67: {  	_ =	swait.ge [sflag:s28], $0xA00;
	(pc) =	sbr.rel @p1 .LBB2_2-.Ltmp0, $4  }
0x68: {  	[sflag:s28] =	ssyncset.done $0x0  }
0x69: {  	[sflag:s28] =	ssyncadd.s32 $0xFFFFF600  }
0x6a: {  	_ =	swait.ge [sflag:s29], $0xA00  }
0x6b: {  	s0 =	smov.u32 s12;
	[sflag:s29] =	ssyncset.done $0x0  }
0x6c: {  	s0 =	sshra.s32 s31, $0x2;
	[sflag:s29] =	ssyncadd.s32 $0xFFFFF600  }
0x6d: {  	[tilespmem:s17], [sflag:$0x1] =	stream.indirect.gather [hbm4b:s1+s16], $0x40, s0, s16, $0xb8;
	[tilespmem:$0x11260] =	vst v63  }
0x6e: {  	s3 =	sadd.s32 $0x28, s0  }
0x6f: {  	[tilespmem:s18], [sflag:$0x2] =	stream.indirect.gather [hbm4b:s1+s16], $0x40, s3, s16, $0xb8;
	[tilespmem:$0x11260] =	vst v63  }
0x70: {  	s12 =	sadd.s32 $0x50, s0  }
0x71: {  	[tilespmem:s19], [sflag:$0x3] =	stream.indirect.gather [hbm4b:s1+s16], $0x40, s12, s16, $0xb8;
	[tilespmem:$0x11260] =	vst v63  }
0x72: {  	s31 =	sadd.s32 $0x78, s0  }
0x73: {  	[tilespmem:s20], [sflag:$0x4] =	stream.indirect.gather [hbm4b:s1+s16], $0x40, s31, s16, $0xb8;
	[tilespmem:$0x11260] =	vst v63  }
0x74: {  	_ =	swait.ge [sflag:s21], $0xA00  }
0x75: {  	[sflag:s21] =	ssyncset.done $0x0  }
0x76: {  	s12 =	sadd.s32 $0x2710, s0;
	[sflag:s21] =	ssyncadd.s32 $0xFFFFF600  }
0x77: {  	[spmem:s2] =	stream.indirect.scatter.add.f32 [tilespmem:s17], [sflag:$0x5], $0x40, s12, s16, $0xb8;
	[tilespmem:$0x11260] =	vst v63  }
0x78: {  	_ =	swait.ge [sflag:s22], $0xA00  }
0x79: {  	[sflag:s22] =	ssyncset.done $0x0  }
0x7a: {  	s31 =	sadd.s32 $0x2738, s0;
	[sflag:s22] =	ssyncadd.s32 $0xFFFFF600  }
0x7b: {  	[spmem:s2] =	stream.indirect.scatter.add.f32 [tilespmem:s18], [sflag:$0x6], $0x40, s31, s16, $0xb8;
	[tilespmem:$0x11260] =	vst v63  }
0x7c: {  	_ =	swait.ge [sflag:s23], $0xA00  }
0x7d: {  	[sflag:s23] =	ssyncset.done $0x0  }
0x7e: {  	s12 =	sadd.s32 $0x2760, s0;
	[sflag:s23] =	ssyncadd.s32 $0xFFFFF600  }
0x7f: {  	[spmem:s2] =	stream.indirect.scatter.add.f32 [tilespmem:s19], [sflag:$0x7], $0x40, s12, s16, $0xb8;
	[tilespmem:$0x11260] =	vst v63  }
0x80: {  	_ =	swait.ge [sflag:s24], $0xA00  }
0x81: {  	[sflag:s24] =	ssyncset.done $0x0  }
0x82: {  	s0 =	sadd.s32 $0x2788, s0;
	[sflag:s24] =	ssyncadd.s32 $0xFFFFF600  }
0x83: {  	[spmem:s2] =	stream.indirect.scatter.add.f32 [tilespmem:s20], [sflag:$0x8], $0x40, s0, s16, $0xb8;
	[tilespmem:$0x11260] =	vst v63  }
0x84: {  	_ =	swait.ge [sflag:s25], $0xA00  }
0x85: {  	[sflag:s25] =	ssyncset.done $0x0  }
0x86: {  	[sflag:s25] =	ssyncadd.s32 $0xFFFFF600  }
0x87: {  	_ =	swait.ge [sflag:s26], $0xA00  }
0x88: {  	[sflag:s26] =	ssyncset.done $0x0  }
0x89: {  	[sflag:s26] =	ssyncadd.s32 $0xFFFFF600  }
0x8a: {  	_ =	swait.ge [sflag:s28], $0xA00  }
0x8b: {  	[sflag:s28] =	ssyncset.done $0x0  }
0x8c: {  	[sflag:s28] =	ssyncadd.s32 $0xFFFFF600  }
0x8d: {  	_ =	swait.ge [sflag:s29], $0xA00  }
0x8e: {  	[sflag:s29] =	ssyncset.done $0x0  }
0x8f: {  	s31 =	simm.s32 $0x26C0;
	[sflag:s29] =	ssyncadd.s32 $0xFFFFF600  }
0x90: {  	[tilespmem:s17], [sflag:$0x1] =	stream.indirect.gather [hbm4b:s1+s16], $0x40, s31, s16, $0xb8;
	[tilespmem:$0x11260] =	vst v63  }
0x91: {  	s3 =	simm.s32 $0x26E8  }
0x92: {  	[tilespmem:s18], [sflag:$0x2] =	stream.indirect.gather [hbm4b:s1+s16], $0x40, s3, s16, $0xb8;
	[tilespmem:$0x11260] =	vst v63  }
0x93: {  	_ =	swait.ge [sflag:s21], $0xA00  }
0x94: {  	[sflag:s21] =	ssyncset.done $0x0  }
0x95: {  	s12 =	simm.s32 $0x4DD0;
	[sflag:s21] =	ssyncadd.s32 $0xFFFFF600  }
0x96: {  	[spmem:s2] =	stream.indirect.scatter.add.f32 [tilespmem:s17], [sflag:$0x5], $0x40, s12, s16, $0xb8;
	[tilespmem:$0x11260] =	vst v63  }
0x97: {  	_ =	swait.ge [sflag:s22], $0xA00  }
0x98: {  	[sflag:s22] =	ssyncset.done $0x0  }
0x99: {  	s31 =	simm.s32 $0x4DF8;
	[sflag:s22] =	ssyncadd.s32 $0xFFFFF600  }
0x9a: {  	[spmem:s2] =	stream.indirect.scatter.add.f32 [tilespmem:s18], [sflag:$0x6], $0x40, s31, s16, $0xb8;
	[tilespmem:$0x11260] =	vst v63  }
0x9b: {  	_ =	swait.ge [sflag:s25], $0xA00  }
0x9c: {  	[sflag:s25] =	ssyncset.done $0x0  }
0x9d: {  	[sflag:s25] =	ssyncadd.s32 $0xFFFFF600  }
0x9e: {  	_ =	swait.ge [sflag:s26], $0xA00  }
0x9f: {  	[sflag:s26] =	ssyncset.done $0x0  }
0xa0: {  	[sflag:s26] =	ssyncadd.s32 $0xFFFFF600  }
0xa1: {  	[bflag:$0x0] =	sbarrier.arrive $0xFFFF  }
0xa2: {  	[hbm:s8], [sflag:s13] =	dma.local [spmem:s14], $0x1380  }
0xa3: {  	s30 =	sadd.s32 $0x1, s30;
	_ =	swait.ge [sflag:s11], $0x1380  }
0xa4: {  	p1 =	sne.s32 s30, s10;
	[sflag:s11] =	ssyncset.done $0x0  }
.Ltmp1:
0xa5: {  	s0 =	simm.s32 @!p0 $0x9;
	[sflag:s11] =	ssyncadd.s32 $0xFFFFEC80;
	(pc) =	sbr.rel @p1 .LBB2_1-.Ltmp1, $4  }
0xa6: {  	[hbm:s9], [sflag:s13] =	dma.local @!p0 [spmem:s15], $0x80  }
0xa7: {  	_ =	swait.ge @!p0 [sflag:s0], $0x80  }
0xa8: {  	[sflag:s0] =	ssyncset.done @!p0 $0x0  }
0xa9: {  	[sflag:s0] =	ssyncadd.s32 @!p0 $0xFFFFFF80  }
0xaa: {  	_ =	sfence.sel $0x180000  }
0xab: {  	[bflag:$0x0] =	sbarrier.arrive $0xFFFF  }
0xac: {  	_ =	strace $0x9000004D  }
0xad: {  	[bflag:$0x2] =	sbarrier.arrive $0xFFFF  }
0xae: {  	s0 =	rddreg [dreg:$0x3]  }
0xaf: {  	s0 =	sadd.s32 @!p0 $0x100000, s0  }
0xb0: {  	[sflag:s0] =	ssyncadd.tile.s32 @!p0 $0x1;
	_ =	shalt  }
.Lfunc_end2:
_tile_overlayer_lowered:
.L_overlay_start_2:
0xb1: {  	(tag) =	ssettag $0x2  }
0xb2: {  	s0 =	rddreg [dreg:$0x0];
	s2 =	stileid.u32  }
0xb3: {  	s1 =	rddreg [dreg:$0x1];
	p0 =	sne.s32 s2, $0x0  }
0xb4: {  	s3 =	rddreg [dreg:$0x2];
	[bflag:$0x3] =	sbarrier.arrive $0xFFFF;
	s2 =	simm.s32 @!p0 $0x1C09  }
0xb5: {  	[timem:s3], [sflag:s2] =	dma.local @!p0 [hbm:s0], s1  }
0xb6: {  	s0 =	simm.s32 @!p0 $0x9  }
0xb7: {  	_ =	swait.ge @!p0 [sflag:s0], s1  }
0xb8: {  	s1 =	ssub.s32 @!p0 $0x0, s1;
	[sflag:s0] =	ssyncset.done @!p0 $0x0  }
0xb9: {  	[sflag:s0] =	ssyncadd.s32 @!p0 s1  }
0xba: {  	[bflag:$0x3] =	sbarrier.arrive $0xFFFF  }
0xbb: {  	_ =	shalt  }

// kernel: kernel.8.cloned.1.call-start
scs
__scs_entry_jumppad:
0x0: {  	(pc) =	sbr.rel $0x88, $3  }
0x1: {  	(tag) =	ssettag $0x0;
	lr =	simm.s32 $0x1  }
0x2: {  	[smem:$0x3F99] =	sst lr;
	_ =	strace $0xD0000000  }
0x3: {  	_ = 	snop  }
0x4: {  	_ = 	snop  }
0x5: {  	_ = 	snop  }
0x6: {  	_ = 	snop  }
0x7: {  	_ = 	snop  }
__scs_overlays_trampoline_lowered:
0x8: {  	[smem:$0x3FA8] =	sst s0  }
0x9: {  	[smem:$0x3FA9] =	sst s1  }
0xa: {  	[smem:$0x3FAA] =	sst s2  }
0xb: {  	[smem:$0x3FAB] =	sst s3  }
0xc: {  	[smem:$0x3FAC] =	sst s4  }
0xd: {  	[smem:$0x3FAD] =	sst s5  }
0xe: {  	[smem:$0x3FAE] =	sst s6  }
0xf: {  	[smem:$0x3FAF] =	sst s7  }
0x10: {  	[smem:$0x3FB0] =	sst s8  }
0x11: {  	[smem:$0x3FB1] =	sst s9;
	s0 =	simm.s32 @!p0 $0x0  }
0x12: {  	s1 =	sld [smem:$0x3F97];
	s0 =	simm.s32 @p0 $0x1  }
0x13: {  	[smem:$0x3FB2] =	sst s0;
	s0 =	simm.s32 @!p1 $0x0  }
0x14: {  	s2 =	sld [smem:$0x3F96];
	s0 =	simm.s32 @p1 $0x1  }
0x15: {  	[smem:$0x3FB3] =	sst s0;
	s0 =	simm.s32 @!p2 $0x0  }
0x16: {  	s3 =	sld [smem:$0x3FDB];
	s0 =	simm.s32 @p2 $0x1  }
0x17: {  	s4 =	simm.s32 $0x1BF5;
	[smem:$0x3FB5] =	sst s0  }
0x18: {  	s0 =	sld [smem:$0x3F98];
	_ =	swait.ge [sflag:s4], $0x0  }
0x19: {  	s7 =	sld [smem:$0x3F99]  }
0x1a: {  	s8 =	sadd.s32 $0xFFFFE003, lr  }
0x1b: {  	s9 =	sadd.s32 $0xFFFFFEF7, lr;
	s5 =	simm.s32 $0xFFFFFFFF;
	p2 =	slt.u32 s8, $0xFFFFF086  }
0x1c: {  	p1 =	slt.u32 s9, $0xF7A;
	s5 =	simm.s32 @!p2 $0x0  }
0x1d: {  	s5 =	simm.s32 @p1 $0x1;
	p0 =	seq.s32 s7, s2  }
0x1e: {  	s7 =	smul.u32 @!p0 $0xF7A, s2;
	p2 =	seq.s32 @!p0 s5, $0x0  }
0x1f: {  	s9 =	smul.u32 $0xF7A, s1;
	s8 =	simm.s32 @!p0 $0x1BF5;
	p2 =	por !p2, p0  }
0x20: {  	[sflag:s8] =	ssyncset.s32 @!p0 $0xFFFFF086;
	s6 =	sadd.s32 @!p0 s3, s7;
	s7 =	simm.s32 @!p0 $0x108  }
0x21: {  	s3 =	sadd.s32 s3, s9;
	s6 =	sadd.s32 @!p0 $0x88, s6;
	s7 =	simm.s32 @p2 $0x1082  }
0x22: {  	[simem:s7], [sflag:s8] =	dma.local @!p0 [hbm:s6], $0xF7A  }
0x23: {  	s9 =	sor.u32 $0xD0000000, s2;
	s6 =	simm.s32 $0x108;
	_ =	swait.ge @!p0 [sflag:s8], $0x0  }
0x24: {  	s3 =	sadd.s32 $0x88, s3;
	s6 =	simm.s32 @!p1 $0x1082;
	[sflag:s4] =	ssyncset.s32 $0xFFFFF086  }
0x25: {  	[simem:s6], [sflag:s4] =	dma.local [hbm:s3], $0xF7A  }
0x26: {  	[smem:$0x3F99] =	sst s1;
	(tag) =	ssettag s2;
	_ =	strace s9  }
0x27: {  	s1 =	sld [smem:$0x3FA9]  }
0x28: {  	s2 =	sld [smem:$0x3FAA]  }
0x29: {  	s4 =	sld [smem:$0x3FAC]  }
0x2a: {  	p0 =	seq.s32 s5, $0x0;
	s5 =	sld [smem:$0x3FAD]  }
0x2b: {  	s6 =	sld [smem:$0x3FAE]  }
0x2c: {  	s7 =	sld [smem:$0x3FAF]  }
0x2d: {  	s3 =	simm.s32 $0x108;
	s8 =	sld [smem:$0x3FB0]  }
0x2e: {  	s3 =	simm.s32 @!p0 $0x1082;
	s9 =	sld [smem:$0x3FB1]  }
0x2f: {  	lr =	sadd.s32 s0, s3;
	s0 =	sld [smem:$0x3FA8]  }
0x30: {  	s3 =	sld [smem:$0x3FAB]  }
0x31: {  	[smem:$0x3FB4] =	sst s10  }
0x32: {  	s10 =	sld [smem:$0x3FB2];
	_ =	sdelay $0x3  }
0x33: {  	p0 =	seq.s32 s10, $0x1;
	s10 =	sld [smem:$0x3FB4];
	_ =	sdelay $0x3  }
0x34: {  	[smem:$0x3FB4] =	sst s10  }
0x35: {  	s10 =	sld [smem:$0x3FB3];
	_ =	sdelay $0x3  }
0x36: {  	p1 =	seq.s32 s10, $0x1;
	s10 =	sld [smem:$0x3FB4];
	_ =	sdelay $0x3  }
0x37: {  	[smem:$0x3FB4] =	sst s10  }
0x38: {  	s10 =	sld [smem:$0x3FB5]  }
0x39: {  	_ = 	snop;
	(pc) =	sbr.ind lr, $3  }
0x3a: {  	_ = 	snop  }
0x3b: {  	_ = 	snop  }
0x3c: {  	p2 =	seq.s32 s10, $0x1;
	s10 =	sld [smem:$0x3FB4]  }
0x3d: {  	_ =	shalt  }
0x3e: {  	_ =	shalt  }
0x3f: {  	_ =	shalt  }
0x40: {  	_ =	shalt  }
0x41: {  	_ =	shalt  }
0x42: {  	_ =	shalt  }
0x43: {  	_ =	shalt  }
0x44: {  	_ =	shalt  }
0x45: {  	_ =	shalt  }
0x46: {  	_ =	shalt  }
0x47: {  	_ =	shalt  }
0x48: {  	_ =	shalt  }
0x49: {  	_ =	shalt  }
0x4a: {  	_ =	shalt  }
0x4b: {  	_ =	shalt  }
0x4c: {  	_ =	shalt  }
0x4d: {  	_ =	shalt  }
0x4e: {  	_ =	shalt  }
0x4f: {  	_ =	shalt  }
0x50: {  	_ =	shalt  }
0x51: {  	_ =	shalt  }
0x52: {  	_ =	shalt  }
0x53: {  	_ =	shalt  }
0x54: {  	_ =	shalt  }
0x55: {  	_ =	shalt  }
0x56: {  	_ =	shalt  }
0x57: {  	_ =	shalt  }
0x58: {  	_ =	shalt  }
0x59: {  	_ =	shalt  }
0x5a: {  	_ =	shalt  }
0x5b: {  	_ =	shalt  }
0x5c: {  	_ =	shalt  }
0x5d: {  	_ =	shalt  }
0x5e: {  	_ =	shalt  }
0x5f: {  	_ =	shalt  }
0x60: {  	_ =	shalt  }
0x61: {  	_ =	shalt  }
0x62: {  	_ =	shalt  }
0x63: {  	_ =	shalt  }
0x64: {  	_ =	shalt  }
0x65: {  	_ =	shalt  }
0x66: {  	_ =	shalt  }
0x67: {  	_ =	shalt  }
0x68: {  	_ =	shalt  }
0x69: {  	_ =	shalt  }
0x6a: {  	_ =	shalt  }
0x6b: {  	_ =	shalt  }
0x6c: {  	_ =	shalt  }
0x6d: {  	_ =	shalt  }
0x6e: {  	_ =	shalt  }
0x6f: {  	_ =	shalt  }
0x70: {  	_ =	shalt  }
0x71: {  	_ =	shalt  }
0x72: {  	_ =	shalt  }
0x73: {  	_ =	shalt  }
0x74: {  	_ =	shalt  }
0x75: {  	_ =	shalt  }
0x76: {  	_ =	shalt  }
0x77: {  	_ =	shalt  }
0x78: {  	_ =	shalt  }
0x79: {  	_ =	shalt  }
0x7a: {  	_ =	shalt  }
0x7b: {  	_ =	shalt  }
0x7c: {  	_ =	shalt  }
0x7d: {  	_ =	shalt  }
0x7e: {  	_ =	shalt  }
0x7f: {  	_ =	shalt  }
0x80: {  	_ =	shalt  }
0x81: {  	_ =	shalt  }
0x82: {  	_ =	shalt  }
0x83: {  	_ =	shalt  }
0x84: {  	_ =	shalt  }
0x85: {  	_ =	shalt  }
0x86: {  	_ =	shalt  }
0x87: {  	_ =	shalt  }
.Lfunc_end0:
.L_simem_size_0:
called_computation_lowered:
.L_overlay_start_0:
0x88: {  	s2 =	sld [smem:$0x3FD9]  }
0x89: {  	s3 =	sld [smem:$0x3FFE];
	_ =	sdelay $0x1  }
0x8a: {  	s1 =	srdreg.scid  }
0x8b: {  	s0 =	sand.u32 $0x1, s1  }
0x8c: {  	s17 =	sshll.u32 s0, $0xA;
	s2 =	sadd.s32 s3, s2  }
0x8d: {  	s2 =	sadd.s32 s2, s17  }
0x8e: {  	[smem:$0x3FC0] =	sst s2  }
0x8f: {  	_ = 	snop  }
0x90: {  	s2 =	sld [smem:$0x3FC9]  }
0x91: {  	s18 =	sld [smem:$0x3FD0];
	(tm) =	ssettm $0x1  }
0x92: {  	s4 =	sld [smem:$0x3FFB];
	_ =	sdelay $0x3  }
0x93: {  	_ =	strace s4  }
0x94: {  	s4 =	sld [smem:$0x3FFC];
	_ =	sdelay $0x3  }
0x95: {  	_ =	strace s4  }
0x96: {  	s4 =	sld [smem:$0x3FFD];
	_ =	sdelay $0x3  }
0x97: {  	_ =	strace s4  }
0x98: {  	_ =	strace $0x8FFFFFFF  }
0x99: {  	s19 =	sld [smem:$0x3FDB];
	_ =	sdelay $0x1  }
0x9a: {  	s5 =	simm.s32 $_scs_section_size  }
0x9b: {  	s6 =	simm.s32 $_size__tile_overlayer_lowered;
	s7 =	simm.s32 $_tile_overlayer_lowered  }
0x9c: {  	s22 =	simm.s32 $0x1BFF;
	s21 =	sshll.u32 s7, $0x1;
	s4 =	sadd.s32 s5, s19  }
0x9d: {  	s8 =	simm.s32 $0x0;
	s20 =	sshll.u32 s6, $0x1;
	s6 =	sadd.s32 s21, s4  }
0x9e: {  	[timem:s8], [sflag:s22] =	dma.local [hbm:s6], s20  }
0x9f: {  	_ =	swait.ge [sflag:s22], s20  }
0xa0: {  	s5 =	ssub.s32 $0x0, s20;
	[sflag:s22] =	ssyncset.done $0x0  }
0xa1: {  	[sflag:s22] =	ssyncadd.s32 s5;
	_ =	sdelay $0x1  }
0xa2: {  	s23 =	simm.s32 $0x1B8B  }
0xa3: {  	_ =	swait.ge [sflag:s23], $0x1  }
0xa4: {  	[sflag:s23] =	ssyncset.done $0x0  }
0xa5: {  	s25 =	simm.s32 $0x1B8E;
	s24 =	sld [smem:$0x3FFE];
	[sflag:s23] =	ssyncadd.s32 $0xFFFFFFFF  }
0xa6: {  	s26 =	simm.s32 $execute0_lowered;
	[smem:$0x3FD2] =	sst s25  }
0xa7: {  	s6 =	sshll.u32 s26, $0x1;
	_ =	strace $0x80000046;
	[dreg:$0x1] =	wrdreg $0xFFFFFFFF  }
0xa8: {  	s28 =	simm.s32 $_size_execute0_lowered;
	s4 =	sadd.s32 s4, s6;
	[dreg:$0x0] =	wrdreg $0x0  }
0xa9: {  	s6 =	sshll.u32 s28, $0x1;
	[dreg:$0x2] =	wrdreg s4  }
0xaa: {  	[dreg:$0x3] =	wrdreg s6  }
0xab: {  	[dreg:$0x4] =	wrdreg $0xC0  }
0xac: {  	_ =	task [dreg:s8], $0x5FFFF  }
0xad: {  	[dreg:$0x1] =	wrdreg $0xFFFFFFFF  }
0xae: {  	[dreg:$0x0] =	wrdreg $0x60  }
0xaf: {  	[dreg:$0x2] =	wrdreg s2  }
0xb0: {  	[dreg:$0x3] =	wrdreg s24  }
0xb1: {  	[dreg:$0x4] =	wrdreg s18  }
0xb2: {  	[dreg:$0x5] =	wrdreg $0x1D7E00  }
0xb3: {  	[dreg:$0x6] =	wrdreg $0x4E200  }
0xb4: {  	[dreg:$0x7] =	wrdreg $0x9  }
0xb5: {  	_ =	task.clear_ibuf [dreg:s8], $0x8FFFF;
	_ =	strace $0x90000046  }
0xb6: {  	s29 =	simm.s32 $0x9;
	_ =	strace $0x80000048  }
0xb7: {  	_ =	swait.ge [sflag:s29], $0x1  }
0xb8: {  	[sflag:s29] =	ssyncadd.s32 $0xFFFFFFFF  }
0xb9: {  	_ =	strace $0x90000048  }
0xba: {  	_ =	sfence  }
0xbb: {  	s30 =	sld [smem:$0x0];
	_ =	sdelay $0x2  }
0xbc: {  	s31 =	sshll.u32 s1, $0xD;
	s1 =	sshrl.u32 s1, $0x2  }
0xbd: {  	s3 =	sand.u32 $0x4000, s31;
	s1 =	sadd.s32 s1, s30  }
0xbe: {  	s0 =	sor.u32 s3, s0;
	s1 =	sshll.u32 s1, $0x11  }
0xbf: {  	s0 =	sor.u32 s1, s0  }
0xc0: {  	s0 =	sadd.s32 $0x8F2B, s0  }
0xc1: {  	[sflag:s0] =	ssyncadd.remote.s32 $0x1  }
0xc2: {  	_ =	sfence.sel $0xFFFF  }
0xc3: {  	[dreg:$0x0] =	wrdreg $0xFFFFFFFF;
	(pc) =	sbr.abs _section_cstart, $3  }
0xc4: {  	[dreg:$0x1] =	wrdreg $0xFFFFFFFF  }
0xc5: {  	_ =	task.clear_ibuf [dreg:s8], $0x2FFFF;
	_ =	strace $0x9FFFFFFF  }
0xc6: {  	(tm) =	ssettm $0x7FFFFFFF  }
0xc7: {  	_ =	shalt  }
tec
execute0_lowered:
.L_overlay_start_1:
0x0: {  	(tag) =	ssettag $0x1  }
0x1: {  	s0 =	rddreg [dreg:$0x0]  }
0x2: {  	s2 =	rddreg [dreg:$0x1]  }
0x3: {  	s1 =	srdreg.scid;
	s5 =	rddreg [dreg:$0x2]  }
0x4: {  	s16 =	stileid.u32;
	s3 =	rddreg [dreg:$0x3];
	s8 =	simm.s32 $0x0  }
0x5: {  	s28 =	simm.s32 $0x19AA0;
	s29 =	simm.s32 $0x1AEA0;
	s30 =	simm.s32 $0x1C2A0  }
0x6: {  	s31 =	simm.s32 $0x1;
	s1 =	sand.u32 $0x1, s1;
	s7 =	smul.u32 $0x13800, s16  }
0x7: {  	[smem:$0x7FF] =	sst s8;
	s26 =	smul.u32 $0x1380, s16;
	s19 =	sadd.s32 $0x13800, s3  }
0x8: {  	s20 =	sadd.s32 $0x3FF00, s2;
	p0 =	sne.s32 s16, $0x0;
	s8 =	simm.s32 $0x6  }
0x9: {  	s4 =	sshll.u32 s1, $0x4;
	s12 =	ssub.s32 $0x2, s1;
	s18 =	smul.u32 $0x138800, s1  }
0xa: {  	s1 =	smul.u32 $0x13880, s1;
	s6 =	sor.u32 s16, s4;
	s4 =	rddreg [dreg:$0x4]  }
0xb: {  	_ =	strace $0x80000047;
	s15 =	sshrl.u32 s7, $0x3;
	[dreg:$0x9] =	wrdreg s19  }
0xc: {  	s10 =	sshrl.u32 s26, $0x3;
	s13 =	sshrl.u32 s12, $0x1;
	[dreg:$0xa] =	wrdreg s20  }
0xd: {  	s16 =	simm.s32 $0x0;
	s6 =	smul.u32 $0x4E2, s6;
	s11 =	sadd.s32 s15, s2  }
0xe: {  	s10 =	sadd.s32 s10, s2;
	s15 =	sadd.s32 $0x40200, s2;
	s12 =	ssub.s32 s12, s13  }
0xf: {  	s13 =	sadd.s32 s7, s4;
	s7 =	sadd.s32 s7, s18;
	s21 =	sadd.s32 $0x138000, s4  }
0x10: {  	s23 =	sadd.s32 s26, s1;
	s24 =	sshrl.u32 s18, $0x3;
	s1 =	sshrl.u32 s1, $0x3  }
0x11: {  	s10 =	sadd.s32 $0x3D800, s10;
	s14 =	sadd.s32 $0x16600, s11;
	[dreg:$0xb] =	wrdreg s21  }
0x12: {  	s22 =	sshrl.u32 s7, $0x3;
	s7 =	sadd.s32 s15, s24;
	s1 =	sadd.s32 s5, s1  }
0x13: {  	s24 =	simm.s32 $0x3;
	s9 =	sadd.s32 s6, s2;
	[dreg:$0x8] =	wrdreg s10  }
0x14: {  	s6 =	sadd.s32 $0x40000, s2;
	s2 =	sadd.s32 $0x3D600, s2;
	[dreg:$0x10] =	wrdreg s1  }
0x15: {  	s11 =	simm.s32 $0x8;
	s25 =	sadd.s32 $0x27000, s7;
	[dreg:$0xc] =	wrdreg s2  }
0x16: {  	s1 =	sadd.s32 $0x2700, s1;
	s7 =	simm.s32 $0x5;
	[dreg:$0xf] =	wrdreg s25  }
0x17: {  	s10 =	simm.s32 $0x7;
	s17 =	sadd.s32 $0x2A00, s9;
	[dreg:$0x11] =	wrdreg s1  }
0x18: {  	s9 =	sadd.s32 $0xC800, s9;
	s2 =	sadd.s32 s15, s22;
	[dreg:$0x6] =	wrdreg s17  }
0x19: {  	s25 =	simm.s32 $0x28;
	s1 =	simm.s32 $0x2;
	[dreg:$0x7] =	wrdreg s9  }
0x1a: {  	s15 =	simm.s32 $0x4DF8;
	s9 =	sadd.s32 s26, s3;
	[dreg:$0xd] =	wrdreg s2  }
0x1b: {  	s2 =	sshrl.u32 s23, $0x3;
	s26 =	smax.u32 s12, $0x1;
	s23 =	simm.s32 $0x9  }
0x1c: {  	s2 =	sadd.s32 s5, s2;
	[dreg:$0x12] =	wrdreg s26;
	s26 =	simm.s32 $0x186A0  }
0x1d: {  	s5 =	simm.s32 $0x4;
	[dreg:$0xe] =	wrdreg s2;
	s2 =	simm.s32 $0x1D6A0  }
.LBB2_1:
0x1e: {  	s12 =	simm.s32 $0x0;
	s17 =	rddreg [dreg:$0x6]  }
0x1f: {  	[tilespmem:s12], [sflag:$0x9] =	stream.linear.gather [hbm4b:s17+s12], $0x2710, $0x38;
	[tilespmem:$0x1EB68] =	vst v63  }
0x20: {  	_ =	swait.ge [sflag:s23], $0x2710  }
0x21: {  	[sflag:s23] =	ssyncset.done $0x0  }
0x22: {  	s18 =	simm.s32 $0x2710;
	s22 =	rddreg [dreg:$0x7];
	[sflag:s23] =	ssyncadd.s32 $0xFFFFD8F0  }
0x23: {  	[tilespmem:s18], [sflag:$0x9] =	stream.linear.gather [hbm4b:s22+s12], $0x2710, $0x38;
	[tilespmem:$0x1EB68] =	vst v63  }
0x24: {  	s18 =	stileid.u32;
	_ =	swait.ge [sflag:s23], $0x2710  }
0x25: {  	s19 =	sshrl.u32 s9, $0x3;
	s12 =	sshll.u32 s18, $0x6;
	[sflag:s23] =	ssyncset.done $0x0  }
0x26: {  	s17 =	sor.u32 $0x1C09, s12;
	s20 =	rddreg [dreg:$0x8];
	[sflag:s23] =	ssyncadd.s32 $0xFFFFD8F0  }
0x27: {  	[spmem:s19], [sflag:s17] =	dma.local [hbm:s20], $0x270  }
0x28: {  	_ =	swait.ge [sflag:s23], $0x270  }
0x29: {  	[sflag:s23] =	ssyncset.done $0x0  }
0x2a: {  	s18 =	simm.s32 @p0 $0x1D6A0;
	s12 =	simm.s32 @p0 $0x0;
	[sflag:s23] =	ssyncadd.s32 $0xFFFFFD90  }
0x2b: {  	[tilespmem:s18], [sflag:$0x9] =	stream.linear.gather @p0 [hbm4b:s6+s12], $0x140, $0x38;
	[tilespmem:$0x1EB68] =	vst v63  }
0x2c: {  	s12 =	simm.s32 @p0 $0x9  }
0x2d: {  	_ =	swait.ge @p0 [sflag:s12], $0x140  }
0x2e: {  	[sflag:s12] =	ssyncset.done @p0 $0x0  }
0x2f: {  	s18 =	sshrl.u32 @p0 s13, $0x3;
	[sflag:s12] =	ssyncadd.s32 @p0 $0xFFFFFEC0  }
0x30: {  	[spmem:s18], [sflag:s17] =	dma.local @p0 [hbm:s14], $0x2700  }
0x31: {  	_ =	swait.ge @p0 [sflag:s12], $0x2700  }
0x32: {  	[sflag:s12] =	ssyncset.done @p0 $0x0  }
0x33: {  	[sflag:s12] =	ssyncadd.s32 @p0 $0xFFFFD900;
	s12 =	rddreg [dreg:$0x9]  }
0x34: {  	s18 =	sshrl.u32 @!p0 s12, $0x3;
	s12 =	rddreg [dreg:$0xa]  }
0x35: {  	[spmem:s18], [sflag:s17] =	dma.local @!p0 [hbm:s12], $0x10  }
0x36: {  	s12 =	simm.s32 @!p0 $0x9  }
0x37: {  	_ =	swait.ge @!p0 [sflag:s12], $0x10  }
0x38: {  	[sflag:s12] =	ssyncset.done @!p0 $0x0  }
0x39: {  	s19 =	simm.s32 @!p0 $0x0;
	s20 =	simm.s32 @!p0 $0x1D6A0;
	[sflag:s12] =	ssyncadd.s32 @!p0 $0xFFFFFFF0  }
0x3a: {  	[tilespmem:s20], [sflag:$0x9] =	stream.linear.gather @!p0 [hbm4b:s6+s19], $0x140, $0x38;
	[tilespmem:$0x1EB68] =	vst v63  }
0x3b: {  	_ =	swait.ge @!p0 [sflag:s12], $0x140  }
0x3c: {  	[sflag:s12] =	ssyncset.done @!p0 $0x0  }
0x3d: {  	s19 =	sshrl.u32 @!p0 s13, $0x3;
	[sflag:s12] =	ssyncadd.s32 @!p0 $0xFFFFFEC0  }
0x3e: {  	[spmem:s19], [sflag:s17] =	dma.local @!p0 [hbm:s14], $0x2700  }
0x3f: {  	_ =	swait.ge @!p0 [sflag:s12], $0x2700  }
0x40: {  	[sflag:s12] =	ssyncset.done @!p0 $0x0;
	s19 =	rddreg [dreg:$0xb]  }
0x41: {  	s20 =	rddreg [dreg:$0xc];
	[sflag:s12] =	ssyncadd.s32 @!p0 $0xFFFFD900;
	s19 =	sshrl.u32 @!p0 s19, $0x3  }
0x42: {  	[spmem:s19], [sflag:s17] =	dma.local @!p0 [hbm:s20], $0x100  }
0x43: {  	_ =	swait.ge @!p0 [sflag:s12], $0x100  }
0x44: {  	[sflag:s12] =	ssyncset.done @!p0 $0x0  }
0x45: {  	[sflag:s12] =	ssyncadd.s32 @!p0 $0xFFFFFF00  }
0x46: {  	s21 =	simm.s32 $0x0;
	[bflag:$0x0] =	sbarrier.arrive $0xFFFF  }
0x47: {  	[tilespmem:s26], [sflag:$0x1] =	stream.indirect.gather [hbm4b:s0+s25], $0x80, s21, s25, $0xb8;
	[tilespmem:$0x1EB68] =	vst v63  }
0x48: {  	s22 =	simm.s32 $0x28  }
0x49: {  	[tilespmem:s28], [sflag:$0x2] =	stream.indirect.gather [hbm4b:s0+s25], $0x80, s22, s25, $0xb8;
	[tilespmem:$0x1EB68] =	vst v63  }
0x4a: {  	s20 =	simm.s32 $0x50  }
0x4b: {  	[tilespmem:s29], [sflag:$0x3] =	stream.indirect.gather [hbm4b:s0+s25], $0x80, s20, s25, $0xb8;
	[tilespmem:$0x1EB68] =	vst v63  }
0x4c: {  	s21 =	simm.s32 $0x78  }
0x4d: {  	[tilespmem:s30], [sflag:$0x4] =	stream.indirect.gather [hbm4b:s0+s25], $0x80, s21, s25, $0xb8;
	[tilespmem:$0x1EB68] =	vst v63  }
0x4e: {  	_ =	swait.ge [sflag:s31], $0x1400  }
0x4f: {  	[sflag:s31] =	ssyncset.done $0x0  }
0x50: {  	s22 =	simm.s32 $0x2710;
	[sflag:s31] =	ssyncadd.s32 $0xFFFFEC00  }
0x51: {  	[spmem:s4] =	stream.indirect.scatter.add.f32 [tilespmem:s26], [sflag:$0x5], $0x80, s22, s25, $0xb8;
	[tilespmem:$0x1EB68] =	vst v63  }
0x52: {  	_ = 	snop  }
0x53: {  	[spmem:s3] =	stream.indirect.scatter.add.f32 [tilespmem:s2], [sflag:$0x9], $0x8, s22, s25, $0xb8;
	[tilespmem:$0x1EB68] =	vst v63  }
0x54: {  	_ =	swait.ge [sflag:s23], $0x140  }
0x55: {  	[sflag:s23] =	ssyncset.done $0x0  }
0x56: {  	[sflag:s23] =	ssyncadd.s32 $0xFFFFFEC0  }
0x57: {  	_ =	swait.ge [sflag:s1], $0x1400  }
0x58: {  	[sflag:s1] =	ssyncset.done $0x0  }
0x59: {  	s20 =	simm.s32 $0x2738;
	[sflag:s1] =	ssyncadd.s32 $0xFFFFEC00  }
0x5a: {  	[spmem:s4] =	stream.indirect.scatter.add.f32 [tilespmem:s28], [sflag:$0x6], $0x80, s20, s25, $0xb8;
	[tilespmem:$0x1EB68] =	vst v63  }
0x5b: {  	_ = 	snop  }
0x5c: {  	[spmem:s3] =	stream.indirect.scatter.add.f32 [tilespmem:s2], [sflag:$0x9], $0x8, s20, s25, $0xb8;
	[tilespmem:$0x1EB68] =	vst v63  }
0x5d: {  	_ =	swait.ge [sflag:s23], $0x140  }
0x5e: {  	[sflag:s23] =	ssyncset.done $0x0  }
0x5f: {  	[sflag:s23] =	ssyncadd.s32 $0xFFFFFEC0  }
0x60: {  	_ =	swait.ge [sflag:s24], $0x1400  }
0x61: {  	[sflag:s24] =	ssyncset.done $0x0  }
0x62: {  	s21 =	simm.s32 $0x2760;
	[sflag:s24] =	ssyncadd.s32 $0xFFFFEC00  }
0x63: {  	[spmem:s4] =	stream.indirect.scatter.add.f32 [tilespmem:s29], [sflag:$0x7], $0x80, s21, s25, $0xb8;
	[tilespmem:$0x1EB68] =	vst v63  }
0x64: {  	_ = 	snop  }
0x65: {  	[spmem:s3] =	stream.indirect.scatter.add.f32 [tilespmem:s2], [sflag:$0x9], $0x8, s21, s25, $0xb8;
	[tilespmem:$0x1EB68] =	vst v63  }
0x66: {  	_ =	swait.ge [sflag:s23], $0x140  }
0x67: {  	[sflag:s23] =	ssyncset.done $0x0  }
0x68: {  	[sflag:s23] =	ssyncadd.s32 $0xFFFFFEC0  }
0x69: {  	_ =	swait.ge [sflag:s5], $0x1400  }
0x6a: {  	[sflag:s5] =	ssyncset.done $0x0  }
0x6b: {  	s22 =	simm.s32 $0x2788;
	[sflag:s5] =	ssyncadd.s32 $0xFFFFEC00  }
0x6c: {  	[spmem:s4] =	stream.indirect.scatter.add.f32 [tilespmem:s30], [sflag:$0x8], $0x80, s22, s25, $0xb8;
	[tilespmem:$0x1EB68] =	vst v63  }
0x6d: {  	_ = 	snop  }
0x6e: {  	[spmem:s3] =	stream.indirect.scatter.add.f32 [tilespmem:s2], [sflag:$0x9], $0x8, s22, s25, $0xb8;
	[tilespmem:$0x1EB68] =	vst v63  }
0x6f: {  	_ =	swait.ge [sflag:s23], $0x140  }
0x70: {  	[sflag:s23] =	ssyncset.done $0x0  }
0x71: {  	[sflag:s23] =	ssyncadd.s32 $0xFFFFFEC0  }
0x72: {  	_ =	swait.ge [sflag:s7], $0x1400  }
0x73: {  	[sflag:s7] =	ssyncset.done $0x0  }
0x74: {  	[sflag:s7] =	ssyncadd.s32 $0xFFFFEC00  }
0x75: {  	_ =	swait.ge [sflag:s8], $0x1400  }
0x76: {  	[sflag:s8] =	ssyncset.done $0x0  }
0x77: {  	[sflag:s8] =	ssyncadd.s32 $0xFFFFEC00  }
0x78: {  	_ =	swait.ge [sflag:s10], $0x1400  }
0x79: {  	[sflag:s10] =	ssyncset.done $0x0  }
0x7a: {  	[sflag:s10] =	ssyncadd.s32 $0xFFFFEC00  }
0x7b: {  	_ =	swait.ge [sflag:s11], $0x1400  }
0x7c: {  	s21 =	simm.s32 $0x280;
	s22 =	simm.s32 $0x500;
	[sflag:s11] =	ssyncset.done $0x0  }
.LBB2_2:
0x7d: {  	s20 =	sshra.s32 s21, $0x2  }
0x7e: {  	[sflag:s11] =	ssyncadd.s32 $0xFFFFEC00;
	s21 =	smov.u32 s22;
	s12 =	sadd.s32 $0x280, s22  }
0x7f: {  	[tilespmem:s26], [sflag:$0x1] =	stream.indirect.gather [hbm4b:s0+s25], $0x80, s20, s25, $0xb8;
	[tilespmem:$0x1EB68] =	vst v63  }
0x80: {  	p1 =	sne.s32 s22, $0x9880;
	s22 =	sadd.s32 $0x28, s20  }
0x81: {  	[tilespmem:s28], [sflag:$0x2] =	stream.indirect.gather [hbm4b:s0+s25], $0x80, s22, s25, $0xb8;
	[tilespmem:$0x1EB68] =	vst v63  }
0x82: {  	s22 =	sadd.s32 $0x50, s20  }
0x83: {  	[tilespmem:s29], [sflag:$0x3] =	stream.indirect.gather [hbm4b:s0+s25], $0x80, s22, s25, $0xb8;
	[tilespmem:$0x1EB68] =	vst v63  }
0x84: {  	s22 =	sadd.s32 $0x78, s20  }
0x85: {  	[tilespmem:s30], [sflag:$0x4] =	stream.indirect.gather [hbm4b:s0+s25], $0x80, s22, s25, $0xb8;
	[tilespmem:$0x1EB68] =	vst v63  }
0x86: {  	_ =	swait.ge [sflag:s31], $0x1400  }
0x87: {  	[sflag:s31] =	ssyncset.done $0x0  }
0x88: {  	s22 =	sadd.s32 $0x2710, s20;
	[sflag:s31] =	ssyncadd.s32 $0xFFFFEC00  }
0x89: {  	[spmem:s4] =	stream.indirect.scatter.add.f32 [tilespmem:s26], [sflag:$0x5], $0x80, s22, s25, $0xb8;
	[tilespmem:$0x1EB68] =	vst v63  }
0x8a: {  	_ = 	snop  }
0x8b: {  	[spmem:s3] =	stream.indirect.scatter.add.f32 [tilespmem:s2], [sflag:$0x9], $0x8, s22, s25, $0xb8;
	[tilespmem:$0x1EB68] =	vst v63  }
0x8c: {  	_ =	swait.ge [sflag:s23], $0x140  }
0x8d: {  	[sflag:s23] =	ssyncset.done $0x0  }
0x8e: {  	[sflag:s23] =	ssyncadd.s32 $0xFFFFFEC0  }
0x8f: {  	_ =	swait.ge [sflag:s1], $0x1400  }
0x90: {  	[sflag:s1] =	ssyncset.done $0x0  }
0x91: {  	s22 =	sadd.s32 $0x2738, s20;
	[sflag:s1] =	ssyncadd.s32 $0xFFFFEC00  }
0x92: {  	[spmem:s4] =	stream.indirect.scatter.add.f32 [tilespmem:s28], [sflag:$0x6], $0x80, s22, s25, $0xb8;
	[tilespmem:$0x1EB68] =	vst v63  }
0x93: {  	_ = 	snop  }
0x94: {  	[spmem:s3] =	stream.indirect.scatter.add.f32 [tilespmem:s2], [sflag:$0x9], $0x8, s22, s25, $0xb8;
	[tilespmem:$0x1EB68] =	vst v63  }
0x95: {  	_ =	swait.ge [sflag:s23], $0x140  }
0x96: {  	[sflag:s23] =	ssyncset.done $0x0  }
0x97: {  	[sflag:s23] =	ssyncadd.s32 $0xFFFFFEC0  }
0x98: {  	_ =	swait.ge [sflag:s24], $0x1400  }
0x99: {  	[sflag:s24] =	ssyncset.done $0x0  }
0x9a: {  	s22 =	sadd.s32 $0x2760, s20;
	[sflag:s24] =	ssyncadd.s32 $0xFFFFEC00  }
0x9b: {  	[spmem:s4] =	stream.indirect.scatter.add.f32 [tilespmem:s29], [sflag:$0x7], $0x80, s22, s25, $0xb8;
	[tilespmem:$0x1EB68] =	vst v63  }
0x9c: {  	_ = 	snop  }
0x9d: {  	[spmem:s3] =	stream.indirect.scatter.add.f32 [tilespmem:s2], [sflag:$0x9], $0x8, s22, s25, $0xb8;
	[tilespmem:$0x1EB68] =	vst v63  }
0x9e: {  	_ =	swait.ge [sflag:s23], $0x140  }
0x9f: {  	[sflag:s23] =	ssyncset.done $0x0  }
0xa0: {  	[sflag:s23] =	ssyncadd.s32 $0xFFFFFEC0  }
0xa1: {  	_ =	swait.ge [sflag:s5], $0x1400  }
0xa2: {  	[sflag:s5] =	ssyncset.done $0x0  }
0xa3: {  	s20 =	sadd.s32 $0x2788, s20;
	[sflag:s5] =	ssyncadd.s32 $0xFFFFEC00  }
0xa4: {  	[spmem:s4] =	stream.indirect.scatter.add.f32 [tilespmem:s30], [sflag:$0x8], $0x80, s20, s25, $0xb8;
	[tilespmem:$0x1EB68] =	vst v63  }
0xa5: {  	_ = 	snop  }
0xa6: {  	[spmem:s3] =	stream.indirect.scatter.add.f32 [tilespmem:s2], [sflag:$0x9], $0x8, s20, s25, $0xb8;
	[tilespmem:$0x1EB68] =	vst v63  }
0xa7: {  	_ =	swait.ge [sflag:s23], $0x140  }
0xa8: {  	[sflag:s23] =	ssyncset.done $0x0  }
0xa9: {  	[sflag:s23] =	ssyncadd.s32 $0xFFFFFEC0  }
0xaa: {  	_ =	swait.ge [sflag:s7], $0x1400  }
0xab: {  	[sflag:s7] =	ssyncset.done $0x0  }
0xac: {  	[sflag:s7] =	ssyncadd.s32 $0xFFFFEC00  }
0xad: {  	_ =	swait.ge [sflag:s8], $0x1400  }
0xae: {  	[sflag:s8] =	ssyncset.done $0x0  }
0xaf: {  	[sflag:s8] =	ssyncadd.s32 $0xFFFFEC00  }
.Ltmp0:
0xb0: {  	_ =	swait.ge [sflag:s10], $0x1400;
	(pc) =	sbr.rel @p1 .LBB2_2-.Ltmp0, $4  }
0xb1: {  	[sflag:s10] =	ssyncset.done $0x0  }
0xb2: {  	[sflag:s10] =	ssyncadd.s32 $0xFFFFEC00  }
0xb3: {  	_ =	swait.ge [sflag:s11], $0x1400  }
0xb4: {  	s22 =	smov.u32 s12;
	[sflag:s11] =	ssyncset.done $0x0  }
0xb5: {  	s12 =	sshra.s32 s21, $0x2;
	[sflag:s11] =	ssyncadd.s32 $0xFFFFEC00  }
0xb6: {  	[tilespmem:s26], [sflag:$0x1] =	stream.indirect.gather [hbm4b:s0+s25], $0x80, s12, s25, $0xb8;
	[tilespmem:$0x1EB68] =	vst v63  }
0xb7: {  	s20 =	sadd.s32 $0x28, s12  }
0xb8: {  	[tilespmem:s28], [sflag:$0x2] =	stream.indirect.gather [hbm4b:s0+s25], $0x80, s20, s25, $0xb8;
	[tilespmem:$0x1EB68] =	vst v63  }
0xb9: {  	s22 =	sadd.s32 $0x50, s12  }
0xba: {  	[tilespmem:s29], [sflag:$0x3] =	stream.indirect.gather [hbm4b:s0+s25], $0x80, s22, s25, $0xb8;
	[tilespmem:$0x1EB68] =	vst v63  }
0xbb: {  	s21 =	sadd.s32 $0x78, s12  }
0xbc: {  	[tilespmem:s30], [sflag:$0x4] =	stream.indirect.gather [hbm4b:s0+s25], $0x80, s21, s25, $0xb8;
	[tilespmem:$0x1EB68] =	vst v63  }
0xbd: {  	_ =	swait.ge [sflag:s31], $0x1400  }
0xbe: {  	[sflag:s31] =	ssyncset.done $0x0  }
0xbf: {  	s22 =	sadd.s32 $0x2710, s12;
	[sflag:s31] =	ssyncadd.s32 $0xFFFFEC00  }
0xc0: {  	[spmem:s4] =	stream.indirect.scatter.add.f32 [tilespmem:s26], [sflag:$0x5], $0x80, s22, s25, $0xb8;
	[tilespmem:$0x1EB68] =	vst v63  }
0xc1: {  	_ = 	snop  }
0xc2: {  	[spmem:s3] =	stream.indirect.scatter.add.f32 [tilespmem:s2], [sflag:$0x9], $0x8, s22, s25, $0xb8;
	[tilespmem:$0x1EB68] =	vst v63  }
0xc3: {  	_ =	swait.ge [sflag:s23], $0x140  }
0xc4: {  	[sflag:s23] =	ssyncset.done $0x0  }
0xc5: {  	[sflag:s23] =	ssyncadd.s32 $0xFFFFFEC0  }
0xc6: {  	_ =	swait.ge [sflag:s1], $0x1400  }
0xc7: {  	[sflag:s1] =	ssyncset.done $0x0  }
0xc8: {  	s21 =	sadd.s32 $0x2738, s12;
	[sflag:s1] =	ssyncadd.s32 $0xFFFFEC00  }
0xc9: {  	[spmem:s4] =	stream.indirect.scatter.add.f32 [tilespmem:s28], [sflag:$0x6], $0x80, s21, s25, $0xb8;
	[tilespmem:$0x1EB68] =	vst v63  }
0xca: {  	_ = 	snop  }
0xcb: {  	[spmem:s3] =	stream.indirect.scatter.add.f32 [tilespmem:s2], [sflag:$0x9], $0x8, s21, s25, $0xb8;
	[tilespmem:$0x1EB68] =	vst v63  }
0xcc: {  	_ =	swait.ge [sflag:s23], $0x140  }
0xcd: {  	[sflag:s23] =	ssyncset.done $0x0  }
0xce: {  	[sflag:s23] =	ssyncadd.s32 $0xFFFFFEC0  }
0xcf: {  	_ =	swait.ge [sflag:s24], $0x1400  }
0xd0: {  	[sflag:s24] =	ssyncset.done $0x0  }
0xd1: {  	s22 =	sadd.s32 $0x2760, s12;
	[sflag:s24] =	ssyncadd.s32 $0xFFFFEC00  }
0xd2: {  	[spmem:s4] =	stream.indirect.scatter.add.f32 [tilespmem:s29], [sflag:$0x7], $0x80, s22, s25, $0xb8;
	[tilespmem:$0x1EB68] =	vst v63  }
0xd3: {  	_ = 	snop  }
0xd4: {  	[spmem:s3] =	stream.indirect.scatter.add.f32 [tilespmem:s2], [sflag:$0x9], $0x8, s22, s25, $0xb8;
	[tilespmem:$0x1EB68] =	vst v63  }
0xd5: {  	_ =	swait.ge [sflag:s23], $0x140  }
0xd6: {  	[sflag:s23] =	ssyncset.done $0x0  }
0xd7: {  	[sflag:s23] =	ssyncadd.s32 $0xFFFFFEC0  }
0xd8: {  	_ =	swait.ge [sflag:s5], $0x1400  }
0xd9: {  	[sflag:s5] =	ssyncset.done $0x0  }
0xda: {  	s12 =	sadd.s32 $0x2788, s12;
	[sflag:s5] =	ssyncadd.s32 $0xFFFFEC00  }
0xdb: {  	[spmem:s4] =	stream.indirect.scatter.add.f32 [tilespmem:s30], [sflag:$0x8], $0x80, s12, s25, $0xb8;
	[tilespmem:$0x1EB68] =	vst v63  }
0xdc: {  	_ = 	snop  }
0xdd: {  	[spmem:s3] =	stream.indirect.scatter.add.f32 [tilespmem:s2], [sflag:$0x9], $0x8, s12, s25, $0xb8;
	[tilespmem:$0x1EB68] =	vst v63  }
0xde: {  	_ =	swait.ge [sflag:s23], $0x140  }
0xdf: {  	[sflag:s23] =	ssyncset.done $0x0  }
0xe0: {  	[sflag:s23] =	ssyncadd.s32 $0xFFFFFEC0  }
0xe1: {  	_ =	swait.ge [sflag:s7], $0x1400  }
0xe2: {  	[sflag:s7] =	ssyncset.done $0x0  }
0xe3: {  	[sflag:s7] =	ssyncadd.s32 $0xFFFFEC00  }
0xe4: {  	_ =	swait.ge [sflag:s8], $0x1400  }
0xe5: {  	[sflag:s8] =	ssyncset.done $0x0  }
0xe6: {  	[sflag:s8] =	ssyncadd.s32 $0xFFFFEC00  }
0xe7: {  	_ =	swait.ge [sflag:s10], $0x1400  }
0xe8: {  	[sflag:s10] =	ssyncset.done $0x0  }
0xe9: {  	[sflag:s10] =	ssyncadd.s32 $0xFFFFEC00  }
0xea: {  	_ =	swait.ge [sflag:s11], $0x1400  }
0xeb: {  	[sflag:s11] =	ssyncset.done $0x0  }
0xec: {  	s20 =	simm.s32 $0x26C0;
	[sflag:s11] =	ssyncadd.s32 $0xFFFFEC00  }
0xed: {  	[tilespmem:s26], [sflag:$0x1] =	stream.indirect.gather [hbm4b:s0+s25], $0x80, s20, s25, $0xb8;
	[tilespmem:$0x1EB68] =	vst v63  }
0xee: {  	s21 =	simm.s32 $0x26E8  }
0xef: {  	[tilespmem:s28], [sflag:$0x2] =	stream.indirect.gather [hbm4b:s0+s25], $0x80, s21, s25, $0xb8;
	[tilespmem:$0x1EB68] =	vst v63  }
0xf0: {  	_ =	swait.ge [sflag:s31], $0x1400  }
0xf1: {  	[sflag:s31] =	ssyncset.done $0x0  }
0xf2: {  	s22 =	simm.s32 $0x4DD0;
	[sflag:s31] =	ssyncadd.s32 $0xFFFFEC00  }
0xf3: {  	[spmem:s4] =	stream.indirect.scatter.add.f32 [tilespmem:s26], [sflag:$0x5], $0x80, s22, s25, $0xb8;
	[tilespmem:$0x1EB68] =	vst v63  }
0xf4: {  	_ = 	snop  }
0xf5: {  	[spmem:s3] =	stream.indirect.scatter.add.f32 [tilespmem:s2], [sflag:$0x9], $0x8, s22, s25, $0xb8;
	[tilespmem:$0x1EB68] =	vst v63  }
0xf6: {  	_ =	swait.ge [sflag:s23], $0x140  }
0xf7: {  	[sflag:s23] =	ssyncset.done $0x0  }
0xf8: {  	[sflag:s23] =	ssyncadd.s32 $0xFFFFFEC0  }
0xf9: {  	_ =	swait.ge [sflag:s1], $0x1400  }
0xfa: {  	[sflag:s1] =	ssyncset.done $0x0  }
0xfb: {  	[sflag:s1] =	ssyncadd.s32 $0xFFFFEC00  }
0xfc: {  	[spmem:s4] =	stream.indirect.scatter.add.f32 [tilespmem:s28], [sflag:$0x6], $0x80, s15, s25, $0xb8;
	[tilespmem:$0x1EB68] =	vst v63  }
0xfd: {  	_ = 	snop  }
0xfe: {  	[spmem:s3] =	stream.indirect.scatter.add.f32 [tilespmem:s2], [sflag:$0x9], $0x8, s15, s25, $0xb8;
	[tilespmem:$0x1EB68] =	vst v63  }
0xff: {  	_ =	swait.ge [sflag:s23], $0x140  }
0x100: {  	[sflag:s23] =	ssyncset.done $0x0  }
0x101: {  	[sflag:s23] =	ssyncadd.s32 $0xFFFFFEC0  }
0x102: {  	_ =	swait.ge [sflag:s7], $0x1400  }
0x103: {  	[sflag:s7] =	ssyncset.done $0x0  }
0x104: {  	[sflag:s7] =	ssyncadd.s32 $0xFFFFEC00  }
0x105: {  	_ =	swait.ge [sflag:s8], $0x1400  }
0x106: {  	[sflag:s8] =	ssyncset.done $0x0  }
0x107: {  	[sflag:s8] =	ssyncadd.s32 $0xFFFFEC00  }
0x108: {  	[bflag:$0x0] =	sbarrier.arrive $0xFFFF  }
0x109: {  	s20 =	sshrl.u32 s13, $0x3;
	s21 =	rddreg [dreg:$0xd]  }
0x10a: {  	[hbm:s21], [sflag:s17] =	dma.local [spmem:s20], $0x2700  }
0x10b: {  	_ =	swait.ge [sflag:s23], $0x2700  }
0x10c: {  	[sflag:s23] =	ssyncset.done $0x0  }
0x10d: {  	s12 =	sshrl.u32 @p0 s9, $0x3;
	s20 =	rddreg [dreg:$0xe];
	[sflag:s23] =	ssyncadd.s32 $0xFFFFD900  }
0x10e: {  	[hbm:s20], [sflag:s17] =	dma.local @p0 [spmem:s12], $0x270  }
0x10f: {  	s12 =	simm.s32 @p0 $0x9  }
0x110: {  	_ =	swait.ge @p0 [sflag:s12], $0x270  }
0x111: {  	[sflag:s12] =	ssyncset.done @p0 $0x0  }
0x112: {  	[sflag:s12] =	ssyncadd.s32 @p0 $0xFFFFFD90;
	s12 =	rddreg [dreg:$0xf]  }
0x113: {  	[hbm:s12], [sflag:s17] =	dma.local @!p0 [spmem:s19], $0x100  }
0x114: {  	s12 =	simm.s32 @!p0 $0x9  }
0x115: {  	_ =	swait.ge @!p0 [sflag:s12], $0x100  }
0x116: {  	[sflag:s12] =	ssyncset.done @!p0 $0x0  }
0x117: {  	s19 =	sshrl.u32 @!p0 s9, $0x3;
	s20 =	rddreg [dreg:$0x10];
	[sflag:s12] =	ssyncadd.s32 @!p0 $0xFFFFFF00  }
0x118: {  	[hbm:s20], [sflag:s17] =	dma.local @!p0 [spmem:s19], $0x270  }
0x119: {  	_ =	swait.ge @!p0 [sflag:s12], $0x270  }
0x11a: {  	[sflag:s12] =	ssyncset.done @!p0 $0x0  }
0x11b: {  	s19 =	rddreg [dreg:$0x11];
	[sflag:s12] =	ssyncadd.s32 @!p0 $0xFFFFFD90  }
0x11c: {  	[hbm:s19], [sflag:s17] =	dma.local @!p0 [spmem:s18], $0x10  }
0x11d: {  	_ =	swait.ge @!p0 [sflag:s12], $0x10  }
0x11e: {  	s16 =	sadd.s32 $0x1, s16;
	s22 =	rddreg [dreg:$0x12]  }
0x11f: {  	p1 =	sne.s32 s16, s22  }
.Ltmp1:
0x120: {  	_ = 	snop;
	(pc) =	sbr.rel @p1 .LBB2_1-.Ltmp1, $3  }
0x121: {  	_ =	sdelay $0x1  }
0x122: {  	[sflag:s12] =	ssyncset.done @!p0 $0x0  }
0x123: {  	[sflag:s12] =	ssyncadd.s32 @!p0 $0xFFFFFFF0  }
0x124: {  	_ =	sfence.sel $0x180000  }
0x125: {  	[bflag:$0x0] =	sbarrier.arrive $0xFFFF  }
0x126: {  	_ =	strace $0x90000047  }
0x127: {  	[bflag:$0x2] =	sbarrier.arrive $0xFFFF  }
0x128: {  	s0 =	rddreg [dreg:$0x5]  }
0x129: {  	s0 =	sadd.s32 @!p0 $0x100000, s0  }
0x12a: {  	[sflag:s0] =	ssyncadd.tile.s32 @!p0 $0x1;
	_ =	shalt  }
.Lfunc_end2:
_tile_overlayer_lowered:
.L_overlay_start_2:
0x12b: {  	(tag) =	ssettag $0x2  }
0x12c: {  	s0 =	rddreg [dreg:$0x0];
	s2 =	stileid.u32  }
0x12d: {  	s1 =	rddreg [dreg:$0x1];
	p0 =	sne.s32 s2, $0x0  }
0x12e: {  	s3 =	rddreg [dreg:$0x2];
	[bflag:$0x3] =	sbarrier.arrive $0xFFFF;
	s2 =	simm.s32 @!p0 $0x1C09  }
0x12f: {  	[timem:s3], [sflag:s2] =	dma.local @!p0 [hbm:s0], s1  }
0x130: {  	s0 =	simm.s32 @!p0 $0x9  }
0x131: {  	_ =	swait.ge @!p0 [sflag:s0], s1  }
0x132: {  	s1 =	ssub.s32 @!p0 $0x0, s1;
	[sflag:s0] =	ssyncset.done @!p0 $0x0  }
0x133: {  	[sflag:s0] =	ssyncadd.s32 @!p0 s1  }
0x134: {  	[bflag:$0x3] =	sbarrier.arrive $0xFFFF  }
0x135: {  	_ =	shalt  }

</sc_bundles>
